<compile_context>
chip_gen: v7x
topology: tpu7x:2x2x1
jax: 0.10.2.dev20260603
libtpu: 0.0.44.dev20260713+nightly
codegen_flags: <defaults>
</compile_context>

<pallas_src>
import jax
import jax.numpy as jnp
from jax import lax
from jax.experimental import pallas as pl
from jax.experimental.pallas import tpu as pltpu
from jax.experimental.pallas import tpu_sc as plsc

N = 10000
E = 320000
D = 128
H = 128
PH = 256
PO = 128

NC = 2
NS = 16
DH = D // NC
EW = E // NS
C = 80
NCHUNK = EW // C
NP = 10240
RPS = NP // NS
ZR = 128
B = 5
NG = NCHUNK // B


def _sc_pass(with_deg):
    mesh = plsc.VectorSubcoreMesh(core_axis_name="c", subcore_axis_name="s")
    out_type = [jax.ShapeDtypeStruct((NC, NP, DH), jnp.float32)]
    if with_deg:
        out_type.append(jax.ShapeDtypeStruct((NC, NP, 16), jnp.float32))
    scratch = [
        pltpu.VMEM((EW,), jnp.int32),
        pltpu.VMEM((NCHUNK, C), jnp.int32),
        pltpu.VMEM((B, C, DH), jnp.float32),
        pltpu.VMEM((ZR, DH), jnp.float32),
        pltpu.VMEM((C, 16), jnp.float32),
        pltpu.VMEM((ZR, 16), jnp.float32),
        pltpu.VMEM_SHARED((NP, DH), jnp.float32),
        pltpu.VMEM_SHARED((NP, 16), jnp.float32),
        pltpu.SemaphoreType.DMA,
        pltpu.SemaphoreType.DMA,
        pltpu.SemaphoreType.DMA,
    ]

    def body(xh_hbm, src_hbm, dst_hbm, *rest):
        if with_deg:
            out_acc, out_deg = rest[0], rest[1]
            scr = rest[2:]
        else:
            out_acc = rest[0]
            scr = rest[1:]
        (src_v, dst_v, rows_v, zbuf, ones_v, zdeg, acc_sh, deg_sh,
         gsem, ssem, dsem) = scr

        cid = lax.axis_index("c")
        sid = lax.axis_index("s")

        z16 = jnp.zeros((16,), jnp.float32)
        ones16 = jnp.full((16,), 1.0, jnp.float32)

        pds = [pltpu.async_copy(src_hbm.at[pl.ds(sid * EW, EW)], src_v, gsem),
               pltpu.async_copy(dst_hbm.at[sid], dst_v, gsem)]

        def zero_zbuf(i, carry):
            for j in range(DH // 16):
                zbuf[i, pl.ds(j * 16, 16)] = z16
            return carry

        lax.fori_loop(0, ZR, zero_zbuf, 0)
        if with_deg:
            def fill_ones(i, carry):
                ones_v[i, pl.ds(0, 16)] = ones16
                return carry

            lax.fori_loop(0, C, fill_ones, 0)

            def zero_zdeg(i, carry):
                zdeg[i, pl.ds(0, 16)] = z16
                return carry

            lax.fori_loop(0, ZR, zero_zdeg, 0)
        for k in range(RPS // ZR):
            pds.append(pltpu.async_copy(
                zbuf, acc_sh.at[pl.ds(sid * RPS + k * ZR, ZR)], ssem))
            if with_deg:
                pds.append(pltpu.async_copy(
                    zdeg, deg_sh.at[pl.ds(sid * RPS + k * ZR, ZR)], ssem))
        for d in pds:
            d.wait()
        plsc.subcore_barrier()

        def step(g, carry):
            gds = []
            for b in range(B):
                gds.append(pltpu.async_copy(
                    xh_hbm.at[cid].at[src_v.at[pl.ds((g * B + b) * C, C)]],
                    rows_v.at[b], gsem))
            for b in range(B):
                gds[b].wait()
                if with_deg:
                    @pl.when(cid == g % 2)
                    def _(b=b):
                        pltpu.async_copy(
                            ones_v, deg_sh.at[dst_v.at[g * B + b]], dsem,
                            add=True)
                pltpu.sync_copy(rows_v.at[b],
                                acc_sh.at[dst_v.at[g * B + b]], add=True)
            if with_deg:
                @pl.when(cid == g % 2)
                def _():
                    for b in range(B):
                        pltpu.make_async_copy(
                            ones_v, deg_sh.at[dst_v.at[g * B + b]],
                            dsem).wait()
            return carry

        lax.fori_loop(0, NG, step, 0)
        plsc.subcore_barrier()

        pltpu.sync_copy(acc_sh.at[pl.ds(sid * RPS, RPS)],
                        out_acc.at[cid, pl.ds(sid * RPS, RPS)])
        if with_deg:
            pltpu.sync_copy(deg_sh.at[pl.ds(sid * RPS, RPS)],
                            out_deg.at[cid, pl.ds(sid * RPS, RPS)])

    return pl.kernel(body, out_type=tuple(out_type), mesh=mesh,
                     scratch_types=scratch,
                     compiler_params=pltpu.CompilerParams(
                         use_tc_tiling_on_sc=False))


_sc_pass1 = _sc_pass(True)
_sc_pass2 = _sc_pass(False)

TN = 2000


def _tc1_body(p_ref, dg_ref, w_ref, b_ref, h_ref):
    inv = 1.0 / jnp.maximum(dg_ref[0, :, 0] + dg_ref[1, :, 0], 1.0)
    agg = jnp.concatenate([p_ref[0], p_ref[1]], axis=1) * inv[:, None]
    h = jnp.dot(agg, w_ref[...], preferred_element_type=jnp.float32)
    h = jnp.maximum(h + b_ref[...], 0.0)
    h_ref[0] = h[:, :DH]
    h_ref[1] = h[:, DH:]


def _tc1(partials, degp, W1, b1):
    return pl.pallas_call(
        _tc1_body,
        grid=(N // TN,),
        in_specs=[
            pl.BlockSpec((NC, TN, DH), lambda i: (0, i, 0)),
            pl.BlockSpec((NC, TN, 16), lambda i: (0, i, 0)),
            pl.BlockSpec((D, H), lambda i: (0, 0)),
            pl.BlockSpec((1, H), lambda i: (0, 0)),
        ],
        out_specs=pl.BlockSpec((NC, TN, DH), lambda i: (0, i, 0)),
        out_shape=jax.ShapeDtypeStruct((NC, N, DH), jnp.float32),
    )(partials, degp, W1, b1.reshape(1, H))


def _tc2_body(p_ref, dg_ref, w2_ref, b2_ref, wp1_ref, bp1_ref, wp2_ref,
              bp2_ref, loc_ref, g_ref):
    i = pl.program_id(0)
    inv = 1.0 / jnp.maximum(dg_ref[0, :, 0] + dg_ref[1, :, 0], 1.0)
    agg = jnp.concatenate([p_ref[0], p_ref[1]], axis=1) * inv[:, None]
    h2 = jnp.maximum(
        jnp.dot(agg, w2_ref[...], preferred_element_type=jnp.float32) + b2_ref[...], 0.0)
    t = jnp.maximum(
        jnp.dot(h2, wp1_ref[...], preferred_element_type=jnp.float32) + bp1_ref[...], 0.0)
    loc = jnp.dot(t, wp2_ref[...], preferred_element_type=jnp.float32) + bp2_ref[...]
    loc_ref[...] = loc

    @pl.when(i == 0)
    def _():
        g_ref[...] = jnp.zeros_like(g_ref)

    g_ref[...] += jnp.sum(loc, axis=0, keepdims=True) * (1.0 / N)


def _tc2(partials, degp, W2, b2, Wp1, bp1, Wp2, bp2):
    return pl.pallas_call(
        _tc2_body,
        grid=(N // TN,),
        in_specs=[
            pl.BlockSpec((NC, TN, DH), lambda i: (0, i, 0)),
            pl.BlockSpec((NC, TN, 16), lambda i: (0, i, 0)),
            pl.BlockSpec((H, H), lambda i: (0, 0)),
            pl.BlockSpec((1, H), lambda i: (0, 0)),
            pl.BlockSpec((H, PH), lambda i: (0, 0)),
            pl.BlockSpec((1, PH), lambda i: (0, 0)),
            pl.BlockSpec((PH, PO), lambda i: (0, 0)),
            pl.BlockSpec((1, PO), lambda i: (0, 0)),
        ],
        out_specs=[
            pl.BlockSpec((TN, PO), lambda i: (i, 0)),
            pl.BlockSpec((1, PO), lambda i: (0, 0)),
        ],
        out_shape=[
            jax.ShapeDtypeStruct((N, PO), jnp.float32),
            jax.ShapeDtypeStruct((1, PO), jnp.float32),
        ],
    )(partials, degp, W2, b2.reshape(1, H), Wp1, bp1.reshape(1, PH),
      Wp2, bp2.reshape(1, PO))


def kernel(x, edge_index, W1, b1, W2, b2, Wp1, bp1, Wp2, bp2):
    src = edge_index[0]
    dst3 = edge_index[1].reshape(NS, NCHUNK, C)
    xh = jnp.stack([x[:, :DH], x[:, DH:]])
    p1, degp = _sc_pass1(xh, src, dst3)
    h1 = _tc1(p1, degp, W1, b1)
    (p2,) = _sc_pass2(h1, src, dst3)
    loc, ge = _tc2(p2, degp, W2, b2, Wp1, bp1, Wp2, bp2)
    return (ge, loc)

# --- scband reference (transcript-rebuilt; emitter-appended) ---
"""Pipeline reference for scband-evi-map-soft-71880572665921 (READ-ONLY COPY).

The authoritative reference and input builder live on the scoring server;
editing this copy changes nothing except your own understanding.
"""

import jax, jax.numpy as jnp
import numpy as np

N = 10000
E = 320000
D = 128
H = 128
PH = 256
PO = 128


def setup_inputs(seed: int = 0) -> dict:
    key = jax.random.key(seed)
    ks = jax.random.split(key, 12)
    x = jax.random.normal(ks[0], (N, D), dtype=jnp.float32)
    edge_index = jax.random.randint(ks[1], (2, E), 0, N)
    W1 = jax.random.normal(ks[2], (D, H), dtype=jnp.float32) * 0.05
    b1 = jnp.zeros((H,), dtype=jnp.float32)
    W2 = jax.random.normal(ks[3], (H, H), dtype=jnp.float32) * 0.05
    b2 = jnp.zeros((H,), dtype=jnp.float32)
    Wp1 = jax.random.normal(ks[4], (H, PH), dtype=jnp.float32) * 0.05
    bp1 = jnp.zeros((PH,), dtype=jnp.float32)
    Wp2 = jax.random.normal(ks[5], (PH, PO), dtype=jnp.float32) * 0.05
    bp2 = jnp.zeros((PO,), dtype=jnp.float32)
    return {"x": x, "edge_index": edge_index, "W1": W1, "b1": b1, "W2": W2, "b2": b2,
            "Wp1": Wp1, "bp1": bp1, "Wp2": Wp2, "bp2": bp2}


def reference(x, edge_index, W1, b1, W2, b2, Wp1, bp1, Wp2, bp2):
    # GNN message passing (mean aggregation, 2 layers) as in EvidenceAnalysis.encode_graphs
    src = edge_index[0]
    dst = edge_index[1]
    deg = jnp.maximum(jax.ops.segment_sum(jnp.ones((E,), dtype=jnp.float32), dst, num_segments=N), 1.0)
    # layer 1: gather source feats, scatter-add to dst, mean-normalize, linear + relu
    agg1 = jax.ops.segment_sum(x[src], dst, num_segments=N) / deg[:, None]
    h1 = jax.nn.relu(agg1 @ W1 + b1)
    # layer 2
    agg2 = jax.ops.segment_sum(h1[src], dst, num_segments=N) / deg[:, None]
    h2 = jax.nn.relu(agg2 @ W2 + b2)
    # projector MLP
    local_embeds = jax.nn.relu(h2 @ Wp1 + bp1) @ Wp2 + bp2
    # agg_mode='mean': global embed is mean over nodes
    global_embed = jnp.mean(local_embeds, axis=0, keepdims=True)
    return (global_embed, local_embeds)

if __name__ == "__main__":
    import jax
    _d = setup_inputs()
    print(jax.jit(kernel)(*tuple(_d.values())))

</pallas_src>

<mosaic_0001>
#map = affine_map<(d0, d1) -> (0, 0, 0)>
#map1 = affine_map<(d0, d1) -> (0)>
module attributes {stable_mosaic.version = 14 : i64} {
  func.func @body(%arg0: i32, %arg1: i32, %arg2: memref<2x10000x64xf32, #tpu.memory_space<hbm>>, %arg3: memref<320000xi32, #tpu.memory_space<hbm>>, %arg4: memref<16x250x80xi32, #tpu.memory_space<hbm>>, %arg5: memref<2x10240x64xf32, #tpu.memory_space<hbm>>, %arg6: memref<2x10240x16xf32, #tpu.memory_space<hbm>>, %arg7: memref<20000xi32, #tpu.memory_space<vmem>>, %arg8: memref<250x80xi32, #tpu.memory_space<vmem>>, %arg9: memref<5x80x64xf32, #tpu.memory_space<vmem>>, %arg10: memref<128x64xf32, #tpu.memory_space<vmem>>, %arg11: memref<80x16xf32, #tpu.memory_space<vmem>>, %arg12: memref<128x16xf32, #tpu.memory_space<vmem>>, %arg13: memref<10240x64xf32, #tpu.memory_space<vmem_shared>>, %arg14: memref<10240x16xf32, #tpu.memory_space<vmem_shared>>, %arg15: memref<!tpu.dma_semaphore, #tpu.memory_space<semaphore_mem>>, %arg16: memref<!tpu.dma_semaphore, #tpu.memory_space<semaphore_mem>>, %arg17: memref<!tpu.dma_semaphore, #tpu.memory_space<semaphore_mem>>) attributes {dimension_semantics = [#tpu.dimension_semantics<core_parallel>, #tpu.dimension_semantics<subcore_parallel>], iteration_bounds = array<i64: 2, 16>, scalar_prefetch = 0 : i64, scratch_operands = 11 : i64, tpu.core_type = #tpu.core_type<sc_vector_subcore>, window_params = [{transform_indices = #map}, {transform_indices = #map1}, {transform_indices = #map}, {transform_indices = #map}, {transform_indices = #map}]} {
    %broadcast_in_dim3A = arith.constant 0.000000e+00 : f32
    %broadcast_in_dim3A_0 = vector.broadcast %broadcast_in_dim3A : f32 to vector<16xf32>
    %broadcast_in_dim3A_1 = arith.constant 1.000000e+00 : f32
    %broadcast_in_dim3A_2 = vector.broadcast %broadcast_in_dim3A_1 : f32 to vector<16xf32>
    %mul3A = arith.constant 20000 : i32
    %mul3A_3 = arith.muli %arg1, %mul3A : i32
    %dma_start3A = tpu.memref_slice %arg3[%mul3A_3] : memref<320000xi32, #tpu.memory_space<hbm>> -> memref<20000xi32, #tpu.memory_space<hbm>>
    %dma_start3A_4 = tpu.memref_slice %arg3[%mul3A_3] : memref<320000xi32, #tpu.memory_space<hbm>> -> memref<20000xi32, #tpu.memory_space<hbm>>
    tpu.enqueue_dma source(%dma_start3A_4 : memref<20000xi32, #tpu.memory_space<hbm>>) target(%arg7 : memref<20000xi32, #tpu.memory_space<vmem>>) target_semaphore(%arg15 : memref<!tpu.dma_semaphore, #tpu.memory_space<semaphore_mem>>)
    %dma_start3A_5 = arith.constant 0 : i32
    %dma_start3A_6 = arith.constant 0 : i32
    %dma_start3A_7 = tpu.memref_slice %arg4[%arg1, %dma_start3A_5, %dma_start3A_6] : memref<16x250x80xi32, #tpu.memory_space<hbm>> -> memref<1x250x80xi32, #tpu.memory_space<hbm>>
    %dma_start3A_8 = tpu.memref_squeeze %dma_start3A_7 : memref<1x250x80xi32, #tpu.memory_space<hbm>> -> memref<250x80xi32, #tpu.memory_space<hbm>>
    %dma_start3A_9 = arith.constant 0 : i32
    %dma_start3A_10 = arith.constant 0 : i32
    %dma_start3A_11 = tpu.memref_slice %arg4[%arg1, %dma_start3A_9, %dma_start3A_10] : memref<16x250x80xi32, #tpu.memory_space<hbm>> -> memref<1x250x80xi32, #tpu.memory_space<hbm>>
    %dma_start3A_12 = tpu.memref_squeeze %dma_start3A_11 : memref<1x250x80xi32, #tpu.memory_space<hbm>> -> memref<250x80xi32, #tpu.memory_space<hbm>>
    tpu.enqueue_dma source(%dma_start3A_12 : memref<250x80xi32, #tpu.memory_space<hbm>>) target(%arg8 : memref<250x80xi32, #tpu.memory_space<vmem>>) target_semaphore(%arg15 : memref<!tpu.dma_semaphore, #tpu.memory_space<semaphore_mem>>)
    %scan3A = arith.constant 0 : i32
    %scan3A_13 = arith.constant 0 : i32
    %scan3A_14 = arith.constant 128 : i32
    %scan3A_15 = arith.addi %scan3A_13, %scan3A_14 : i32
    %scan3A_16 = arith.constant 1 : i32
    scf.for %scan3A_173 = %scan3A_13 to %scan3A_15 step %scan3A_16  : i32 {
      %swap3A = arith.index_cast %scan3A_173 : i32 to index
      %swap3A_174 = arith.constant 0 : index
      %swap3A_175 = tpu.vector_load %arg10[%swap3A, %swap3A_174] {strides = array<i32>} : memref<128x64xf32, #tpu.memory_space<vmem>>, vector<1x16xf32>,
      %swap3A_176 = vector.shape_cast %swap3A_175 : vector<1x16xf32> to vector<16xf32>
      %swap3A_177 = vector.shape_cast %broadcast_in_dim3A_0 : vector<16xf32> to vector<1x16xf32>
      tpu.vector_store %arg10[%swap3A, %swap3A_174], %swap3A_177 {strides = array<i32>} : memref<128x64xf32, #tpu.memory_space<vmem>>, vector<1x16xf32>,
      %swap3A_178 = arith.index_cast %scan3A_173 : i32 to index
      %swap3A_179 = arith.constant 16 : index
      %swap3A_180 = tpu.vector_load %arg10[%swap3A_178, %swap3A_179] {strides = array<i32>} : memref<128x64xf32, #tpu.memory_space<vmem>>, vector<1x16xf32>,
      %swap3A_181 = vector.shape_cast %swap3A_180 : vector<1x16xf32> to vector<16xf32>
      %swap3A_182 = vector.shape_cast %broadcast_in_dim3A_0 : vector<16xf32> to vector<1x16xf32>
      tpu.vector_store %arg10[%swap3A_178, %swap3A_179], %swap3A_182 {strides = array<i32>} : memref<128x64xf32, #tpu.memory_space<vmem>>, vector<1x16xf32>,
      %swap3A_183 = arith.index_cast %scan3A_173 : i32 to index
      %swap3A_184 = arith.constant 32 : index
      %swap3A_185 = tpu.vector_load %arg10[%swap3A_183, %swap3A_184] {strides = array<i32>} : memref<128x64xf32, #tpu.memory_space<vmem>>, vector<1x16xf32>,
      %swap3A_186 = vector.shape_cast %swap3A_185 : vector<1x16xf32> to vector<16xf32>
      %swap3A_187 = vector.shape_cast %broadcast_in_dim3A_0 : vector<16xf32> to vector<1x16xf32>
      tpu.vector_store %arg10[%swap3A_183, %swap3A_184], %swap3A_187 {strides = array<i32>} : memref<128x64xf32, #tpu.memory_space<vmem>>, vector<1x16xf32>,
      %swap3A_188 = arith.index_cast %scan3A_173 : i32 to index
      %swap3A_189 = arith.constant 48 : index
      %swap3A_190 = tpu.vector_load %arg10[%swap3A_188, %swap3A_189] {strides = array<i32>} : memref<128x64xf32, #tpu.memory_space<vmem>>, vector<1x16xf32>,
      %swap3A_191 = vector.shape_cast %swap3A_190 : vector<1x16xf32> to vector<16xf32>
      %swap3A_192 = vector.shape_cast %broadcast_in_dim3A_0 : vector<16xf32> to vector<1x16xf32>
      tpu.vector_store %arg10[%swap3A_188, %swap3A_189], %swap3A_192 {strides = array<i32>} : memref<128x64xf32, #tpu.memory_space<vmem>>, vector<1x16xf32>,
    }
    %scan3A_17 = arith.constant 128 : i32
    %scan3A_18 = arith.constant 0 : i32
    %scan3A_19 = arith.constant 0 : i32
    %scan3A_20 = arith.constant 80 : i32
    %scan3A_21 = arith.addi %scan3A_19, %scan3A_20 : i32
    %scan3A_22 = arith.constant 1 : i32
    scf.for %scan3A_173 = %scan3A_19 to %scan3A_21 step %scan3A_22  : i32 {
      %swap3A = arith.index_cast %scan3A_173 : i32 to index
      %swap3A_174 = arith.constant 0 : index
      %swap3A_175 = tpu.vector_load %arg11[%swap3A, %swap3A_174] {strides = array<i32>} : memref<80x16xf32, #tpu.memory_space<vmem>>, vector<1x16xf32>,
      %swap3A_176 = vector.shape_cast %swap3A_175 : vector<1x16xf32> to vector<16xf32>
      %swap3A_177 = vector.shape_cast %broadcast_in_dim3A_2 : vector<16xf32> to vector<1x16xf32>
      tpu.vector_store %arg11[%swap3A, %swap3A_174], %swap3A_177 {strides = array<i32>} : memref<80x16xf32, #tpu.memory_space<vmem>>, vector<1x16xf32>,
    }
    %scan3A_23 = arith.constant 80 : i32
    %scan3A_24 = arith.constant 0 : i32
    %scan3A_25 = arith.constant 0 : i32
    %scan3A_26 = arith.constant 128 : i32
    %scan3A_27 = arith.addi %scan3A_25, %scan3A_26 : i32
    %scan3A_28 = arith.constant 1 : i32
    scf.for %scan3A_173 = %scan3A_25 to %scan3A_27 step %scan3A_28  : i32 {
      %swap3A = arith.index_cast %scan3A_173 : i32 to index
      %swap3A_174 = arith.constant 0 : index
      %swap3A_175 = tpu.vector_load %arg12[%swap3A, %swap3A_174] {strides = array<i32>} : memref<128x16xf32, #tpu.memory_space<vmem>>, vector<1x16xf32>,
      %swap3A_176 = vector.shape_cast %swap3A_175 : vector<1x16xf32> to vector<16xf32>
      %swap3A_177 = vector.shape_cast %broadcast_in_dim3A_0 : vector<16xf32> to vector<1x16xf32>
      tpu.vector_store %arg12[%swap3A, %swap3A_174], %swap3A_177 {strides = array<i32>} : memref<128x16xf32, #tpu.memory_space<vmem>>, vector<1x16xf32>,
    }
    %scan3A_29 = arith.constant 128 : i32
    %mul3A_30 = arith.constant 640 : i32
    %mul3A_31 = arith.muli %arg1, %mul3A_30 : i32
    %add3A = arith.constant 0 : i32
    %add3A_32 = arith.addi %mul3A_31, %add3A : i32
    %dma_start3A_33 = arith.constant 0 : i32
    %dma_start3A_34 = tpu.memref_slice %arg13[%add3A_32, %dma_start3A_33] : memref<10240x64xf32, #tpu.memory_space<vmem_shared>> -> memref<128x64xf32, #tpu.memory_space<vmem_shared>>
    %dma_start3A_35 = arith.constant 0 : i32
    %dma_start3A_36 = tpu.memref_slice %arg13[%add3A_32, %dma_start3A_35] : memref<10240x64xf32, #tpu.memory_space<vmem_shared>> -> memref<128x64xf32, #tpu.memory_space<vmem_shared>>
    tpu.enqueue_dma source(%arg10 : memref<128x64xf32, #tpu.memory_space<vmem>>) target(%dma_start3A_36 : memref<128x64xf32, #tpu.memory_space<vmem_shared>>) target_semaphore(%arg16 : memref<!tpu.dma_semaphore, #tpu.memory_space<semaphore_mem>>)
    %mul3A_37 = arith.constant 640 : i32
    %mul3A_38 = arith.muli %arg1, %mul3A_37 : i32
    %add3A_39 = arith.constant 0 : i32
    %add3A_40 = arith.addi %mul3A_38, %add3A_39 : i32
    %dma_start3A_41 = arith.constant 0 : i32
    %dma_start3A_42 = tpu.memref_slice %arg14[%add3A_40, %dma_start3A_41] : memref<10240x16xf32, #tpu.memory_space<vmem_shared>> -> memref<128x16xf32, #tpu.memory_space<vmem_shared>>
    %dma_start3A_43 = arith.constant 0 : i32
    %dma_start3A_44 = tpu.memref_slice %arg14[%add3A_40, %dma_start3A_43] : memref<10240x16xf32, #tpu.memory_space<vmem_shared>> -> memref<128x16xf32, #tpu.memory_space<vmem_shared>>
    tpu.enqueue_dma source(%arg12 : memref<128x16xf32, #tpu.memory_space<vmem>>) target(%dma_start3A_44 : memref<128x16xf32, #tpu.memory_space<vmem_shared>>) target_semaphore(%arg16 : memref<!tpu.dma_semaphore, #tpu.memory_space<semaphore_mem>>)
    %mul3A_45 = arith.constant 640 : i32
    %mul3A_46 = arith.muli %arg1, %mul3A_45 : i32
    %add3A_47 = arith.constant 128 : i32
    %add3A_48 = arith.addi %mul3A_46, %add3A_47 : i32
    %dma_start3A_49 = arith.constant 0 : i32
    %dma_start3A_50 = tpu.memref_slice %arg13[%add3A_48, %dma_start3A_49] : memref<10240x64xf32, #tpu.memory_space<vmem_shared>> -> memref<128x64xf32, #tpu.memory_space<vmem_shared>>
    %dma_start3A_51 = arith.constant 0 : i32
    %dma_start3A_52 = tpu.memref_slice %arg13[%add3A_48, %dma_start3A_51] : memref<10240x64xf32, #tpu.memory_space<vmem_shared>> -> memref<128x64xf32, #tpu.memory_space<vmem_shared>>
    tpu.enqueue_dma source(%arg10 : memref<128x64xf32, #tpu.memory_space<vmem>>) target(%dma_start3A_52 : memref<128x64xf32, #tpu.memory_space<vmem_shared>>) target_semaphore(%arg16 : memref<!tpu.dma_semaphore, #tpu.memory_space<semaphore_mem>>)
    %mul3A_53 = arith.constant 640 : i32
    %mul3A_54 = arith.muli %arg1, %mul3A_53 : i32
    %add3A_55 = arith.constant 128 : i32
    %add3A_56 = arith.addi %mul3A_54, %add3A_55 : i32
    %dma_start3A_57 = arith.constant 0 : i32
    %dma_start3A_58 = tpu.memref_slice %arg14[%add3A_56, %dma_start3A_57] : memref<10240x16xf32, #tpu.memory_space<vmem_shared>> -> memref<128x16xf32, #tpu.memory_space<vmem_shared>>
    %dma_start3A_59 = arith.constant 0 : i32
    %dma_start3A_60 = tpu.memref_slice %arg14[%add3A_56, %dma_start3A_59] : memref<10240x16xf32, #tpu.memory_space<vmem_shared>> -> memref<128x16xf32, #tpu.memory_space<vmem_shared>>
    tpu.enqueue_dma source(%arg12 : memref<128x16xf32, #tpu.memory_space<vmem>>) target(%dma_start3A_60 : memref<128x16xf32, #tpu.memory_space<vmem_shared>>) target_semaphore(%arg16 : memref<!tpu.dma_semaphore, #tpu.memory_space<semaphore_mem>>)
    %mul3A_61 = arith.constant 640 : i32
    %mul3A_62 = arith.muli %arg1, %mul3A_61 : i32
    %add3A_63 = arith.constant 256 : i32
    %add3A_64 = arith.addi %mul3A_62, %add3A_63 : i32
    %dma_start3A_65 = arith.constant 0 : i32
    %dma_start3A_66 = tpu.memref_slice %arg13[%add3A_64, %dma_start3A_65] : memref<10240x64xf32, #tpu.memory_space<vmem_shared>> -> memref<128x64xf32, #tpu.memory_space<vmem_shared>>
    %dma_start3A_67 = arith.constant 0 : i32
    %dma_start3A_68 = tpu.memref_slice %arg13[%add3A_64, %dma_start3A_67] : memref<10240x64xf32, #tpu.memory_space<vmem_shared>> -> memref<128x64xf32, #tpu.memory_space<vmem_shared>>
    tpu.enqueue_dma source(%arg10 : memref<128x64xf32, #tpu.memory_space<vmem>>) target(%dma_start3A_68 : memref<128x64xf32, #tpu.memory_space<vmem_shared>>) target_semaphore(%arg16 : memref<!tpu.dma_semaphore, #tpu.memory_space<semaphore_mem>>)
    %mul3A_69 = arith.constant 640 : i32
    %mul3A_70 = arith.muli %arg1, %mul3A_69 : i32
    %add3A_71 = arith.constant 256 : i32
    %add3A_72 = arith.addi %mul3A_70, %add3A_71 : i32
    %dma_start3A_73 = arith.constant 0 : i32
    %dma_start3A_74 = tpu.memref_slice %arg14[%add3A_72, %dma_start3A_73] : memref<10240x16xf32, #tpu.memory_space<vmem_shared>> -> memref<128x16xf32, #tpu.memory_space<vmem_shared>>
    %dma_start3A_75 = arith.constant 0 : i32
    %dma_start3A_76 = tpu.memref_slice %arg14[%add3A_72, %dma_start3A_75] : memref<10240x16xf32, #tpu.memory_space<vmem_shared>> -> memref<128x16xf32, #tpu.memory_space<vmem_shared>>
    tpu.enqueue_dma source(%arg12 : memref<128x16xf32, #tpu.memory_space<vmem>>) target(%dma_start3A_76 : memref<128x16xf32, #tpu.memory_space<vmem_shared>>) target_semaphore(%arg16 : memref<!tpu.dma_semaphore, #tpu.memory_space<semaphore_mem>>)
    %mul3A_77 = arith.constant 640 : i32
    %mul3A_78 = arith.muli %arg1, %mul3A_77 : i32
    %add3A_79 = arith.constant 384 : i32
    %add3A_80 = arith.addi %mul3A_78, %add3A_79 : i32
    %dma_start3A_81 = arith.constant 0 : i32
    %dma_start3A_82 = tpu.memref_slice %arg13[%add3A_80, %dma_start3A_81] : memref<10240x64xf32, #tpu.memory_space<vmem_shared>> -> memref<128x64xf32, #tpu.memory_space<vmem_shared>>
    %dma_start3A_83 = arith.constant 0 : i32
    %dma_start3A_84 = tpu.memref_slice %arg13[%add3A_80, %dma_start3A_83] : memref<10240x64xf32, #tpu.memory_space<vmem_shared>> -> memref<128x64xf32, #tpu.memory_space<vmem_shared>>
    tpu.enqueue_dma source(%arg10 : memref<128x64xf32, #tpu.memory_space<vmem>>) target(%dma_start3A_84 : memref<128x64xf32, #tpu.memory_space<vmem_shared>>) target_semaphore(%arg16 : memref<!tpu.dma_semaphore, #tpu.memory_space<semaphore_mem>>)
    %mul3A_85 = arith.constant 640 : i32
    %mul3A_86 = arith.muli %arg1, %mul3A_85 : i32
    %add3A_87 = arith.constant 384 : i32
    %add3A_88 = arith.addi %mul3A_86, %add3A_87 : i32
    %dma_start3A_89 = arith.constant 0 : i32
    %dma_start3A_90 = tpu.memref_slice %arg14[%add3A_88, %dma_start3A_89] : memref<10240x16xf32, #tpu.memory_space<vmem_shared>> -> memref<128x16xf32, #tpu.memory_space<vmem_shared>>
    %dma_start3A_91 = arith.constant 0 : i32
    %dma_start3A_92 = tpu.memref_slice %arg14[%add3A_88, %dma_start3A_91] : memref<10240x16xf32, #tpu.memory_space<vmem_shared>> -> memref<128x16xf32, #tpu.memory_space<vmem_shared>>
    tpu.enqueue_dma source(%arg12 : memref<128x16xf32, #tpu.memory_space<vmem>>) target(%dma_start3A_92 : memref<128x16xf32, #tpu.memory_space<vmem_shared>>) target_semaphore(%arg16 : memref<!tpu.dma_semaphore, #tpu.memory_space<semaphore_mem>>)
    %mul3A_93 = arith.constant 640 : i32
    %mul3A_94 = arith.muli %arg1, %mul3A_93 : i32
    %add3A_95 = arith.constant 512 : i32
    %add3A_96 = arith.addi %mul3A_94, %add3A_95 : i32
    %dma_start3A_97 = arith.constant 0 : i32
    %dma_start3A_98 = tpu.memref_slice %arg13[%add3A_96, %dma_start3A_97] : memref<10240x64xf32, #tpu.memory_space<vmem_shared>> -> memref<128x64xf32, #tpu.memory_space<vmem_shared>>
    %dma_start3A_99 = arith.constant 0 : i32
    %dma_start3A_100 = tpu.memref_slice %arg13[%add3A_96, %dma_start3A_99] : memref<10240x64xf32, #tpu.memory_space<vmem_shared>> -> memref<128x64xf32, #tpu.memory_space<vmem_shared>>
    tpu.enqueue_dma source(%arg10 : memref<128x64xf32, #tpu.memory_space<vmem>>) target(%dma_start3A_100 : memref<128x64xf32, #tpu.memory_space<vmem_shared>>) target_semaphore(%arg16 : memref<!tpu.dma_semaphore, #tpu.memory_space<semaphore_mem>>)
    %mul3A_101 = arith.constant 640 : i32
    %mul3A_102 = arith.muli %arg1, %mul3A_101 : i32
    %add3A_103 = arith.constant 512 : i32
    %add3A_104 = arith.addi %mul3A_102, %add3A_103 : i32
    %dma_start3A_105 = arith.constant 0 : i32
    %dma_start3A_106 = tpu.memref_slice %arg14[%add3A_104, %dma_start3A_105] : memref<10240x16xf32, #tpu.memory_space<vmem_shared>> -> memref<128x16xf32, #tpu.memory_space<vmem_shared>>
    %dma_start3A_107 = arith.constant 0 : i32
    %dma_start3A_108 = tpu.memref_slice %arg14[%add3A_104, %dma_start3A_107] : memref<10240x16xf32, #tpu.memory_space<vmem_shared>> -> memref<128x16xf32, #tpu.memory_space<vmem_shared>>
    tpu.enqueue_dma source(%arg12 : memref<128x16xf32, #tpu.memory_space<vmem>>) target(%dma_start3A_108 : memref<128x16xf32, #tpu.memory_space<vmem_shared>>) target_semaphore(%arg16 : memref<!tpu.dma_semaphore, #tpu.memory_space<semaphore_mem>>)
    %dma_wait3A = tpu.memref_slice %arg3[%mul3A_3] : memref<320000xi32, #tpu.memory_space<hbm>> -> memref<20000xi32, #tpu.memory_space<hbm>>
    %dma_wait3A_109 = tpu.memref_slice %arg3[%mul3A_3] : memref<320000xi32, #tpu.memory_space<hbm>> -> memref<20000xi32, #tpu.memory_space<hbm>>
    tpu.wait_dma2 semaphore(%arg15 : memref<!tpu.dma_semaphore, #tpu.memory_space<semaphore_mem>>) src(%dma_wait3A_109 : memref<20000xi32, #tpu.memory_space<hbm>>) dst(%arg7 : memref<20000xi32, #tpu.memory_space<vmem>>)
    %dma_wait3A_110 = arith.constant 0 : i32
    %dma_wait3A_111 = arith.constant 0 : i32
    %dma_wait3A_112 = tpu.memref_slice %arg4[%arg1, %dma_wait3A_110, %dma_wait3A_111] : memref<16x250x80xi32, #tpu.memory_space<hbm>> -> memref<1x250x80xi32, #tpu.memory_space<hbm>>
    %dma_wait3A_113 = tpu.memref_squeeze %dma_wait3A_112 : memref<1x250x80xi32, #tpu.memory_space<hbm>> -> memref<250x80xi32, #tpu.memory_space<hbm>>
    %dma_wait3A_114 = arith.constant 0 : i32
    %dma_wait3A_115 = arith.constant 0 : i32
    %dma_wait3A_116 = tpu.memref_slice %arg4[%arg1, %dma_wait3A_114, %dma_wait3A_115] : memref<16x250x80xi32, #tpu.memory_space<hbm>> -> memref<1x250x80xi32, #tpu.memory_space<hbm>>
    %dma_wait3A_117 = tpu.memref_squeeze %dma_wait3A_116 : memref<1x250x80xi32, #tpu.memory_space<hbm>> -> memref<250x80xi32, #tpu.memory_space<hbm>>
    tpu.wait_dma2 semaphore(%arg15 : memref<!tpu.dma_semaphore, #tpu.memory_space<semaphore_mem>>) src(%dma_wait3A_117 : memref<250x80xi32, #tpu.memory_space<hbm>>) dst(%arg8 : memref<250x80xi32, #tpu.memory_space<vmem>>)
    %dma_wait3A_118 = arith.constant 0 : i32
    %dma_wait3A_119 = tpu.memref_slice %arg13[%add3A_32, %dma_wait3A_118] : memref<10240x64xf32, #tpu.memory_space<vmem_shared>> -> memref<128x64xf32, #tpu.memory_space<vmem_shared>>
    %dma_wait3A_120 = arith.constant 0 : i32
    %dma_wait3A_121 = tpu.memref_slice %arg13[%add3A_32, %dma_wait3A_120] : memref<10240x64xf32, #tpu.memory_space<vmem_shared>> -> memref<128x64xf32, #tpu.memory_space<vmem_shared>>
    tpu.wait_dma2 semaphore(%arg16 : memref<!tpu.dma_semaphore, #tpu.memory_space<semaphore_mem>>) src(%arg10 : memref<128x64xf32, #tpu.memory_space<vmem>>) dst(%dma_wait3A_121 : memref<128x64xf32, #tpu.memory_space<vmem_shared>>)
    %dma_wait3A_122 = arith.constant 0 : i32
    %dma_wait3A_123 = tpu.memref_slice %arg14[%add3A_40, %dma_wait3A_122] : memref<10240x16xf32, #tpu.memory_space<vmem_shared>> -> memref<128x16xf32, #tpu.memory_space<vmem_shared>>
    %dma_wait3A_124 = arith.constant 0 : i32
    %dma_wait3A_125 = tpu.memref_slice %arg14[%add3A_40, %dma_wait3A_124] : memref<10240x16xf32, #tpu.memory_space<vmem_shared>> -> memref<128x16xf32, #tpu.memory_space<vmem_shared>>
    tpu.wait_dma2 semaphore(%arg16 : memref<!tpu.dma_semaphore, #tpu.memory_space<semaphore_mem>>) src(%arg12 : memref<128x16xf32, #tpu.memory_space<vmem>>) dst(%dma_wait3A_125 : memref<128x16xf32, #tpu.memory_space<vmem_shared>>)
    %dma_wait3A_126 = arith.constant 0 : i32
    %dma_wait3A_127 = tpu.memref_slice %arg13[%add3A_48, %dma_wait3A_126] : memref<10240x64xf32, #tpu.memory_space<vmem_shared>> -> memref<128x64xf32, #tpu.memory_space<vmem_shared>>
    %dma_wait3A_128 = arith.constant 0 : i32
    %dma_wait3A_129 = tpu.memref_slice %arg13[%add3A_48, %dma_wait3A_128] : memref<10240x64xf32, #tpu.memory_space<vmem_shared>> -> memref<128x64xf32, #tpu.memory_space<vmem_shared>>
    tpu.wait_dma2 semaphore(%arg16 : memref<!tpu.dma_semaphore, #tpu.memory_space<semaphore_mem>>) src(%arg10 : memref<128x64xf32, #tpu.memory_space<vmem>>) dst(%dma_wait3A_129 : memref<128x64xf32, #tpu.memory_space<vmem_shared>>)
    %dma_wait3A_130 = arith.constant 0 : i32
    %dma_wait3A_131 = tpu.memref_slice %arg14[%add3A_56, %dma_wait3A_130] : memref<10240x16xf32, #tpu.memory_space<vmem_shared>> -> memref<128x16xf32, #tpu.memory_space<vmem_shared>>
    %dma_wait3A_132 = arith.constant 0 : i32
    %dma_wait3A_133 = tpu.memref_slice %arg14[%add3A_56, %dma_wait3A_132] : memref<10240x16xf32, #tpu.memory_space<vmem_shared>> -> memref<128x16xf32, #tpu.memory_space<vmem_shared>>
    tpu.wait_dma2 semaphore(%arg16 : memref<!tpu.dma_semaphore, #tpu.memory_space<semaphore_mem>>) src(%arg12 : memref<128x16xf32, #tpu.memory_space<vmem>>) dst(%dma_wait3A_133 : memref<128x16xf32, #tpu.memory_space<vmem_shared>>)
    %dma_wait3A_134 = arith.constant 0 : i32
    %dma_wait3A_135 = tpu.memref_slice %arg13[%add3A_64, %dma_wait3A_134] : memref<10240x64xf32, #tpu.memory_space<vmem_shared>> -> memref<128x64xf32, #tpu.memory_space<vmem_shared>>
    %dma_wait3A_136 = arith.constant 0 : i32
    %dma_wait3A_137 = tpu.memref_slice %arg13[%add3A_64, %dma_wait3A_136] : memref<10240x64xf32, #tpu.memory_space<vmem_shared>> -> memref<128x64xf32, #tpu.memory_space<vmem_shared>>
    tpu.wait_dma2 semaphore(%arg16 : memref<!tpu.dma_semaphore, #tpu.memory_space<semaphore_mem>>) src(%arg10 : memref<128x64xf32, #tpu.memory_space<vmem>>) dst(%dma_wait3A_137 : memref<128x64xf32, #tpu.memory_space<vmem_shared>>)
    %dma_wait3A_138 = arith.constant 0 : i32
    %dma_wait3A_139 = tpu.memref_slice %arg14[%add3A_72, %dma_wait3A_138] : memref<10240x16xf32, #tpu.memory_space<vmem_shared>> -> memref<128x16xf32, #tpu.memory_space<vmem_shared>>
    %dma_wait3A_140 = arith.constant 0 : i32
    %dma_wait3A_141 = tpu.memref_slice %arg14[%add3A_72, %dma_wait3A_140] : memref<10240x16xf32, #tpu.memory_space<vmem_shared>> -> memref<128x16xf32, #tpu.memory_space<vmem_shared>>
    tpu.wait_dma2 semaphore(%arg16 : memref<!tpu.dma_semaphore, #tpu.memory_space<semaphore_mem>>) src(%arg12 : memref<128x16xf32, #tpu.memory_space<vmem>>) dst(%dma_wait3A_141 : memref<128x16xf32, #tpu.memory_space<vmem_shared>>)
    %dma_wait3A_142 = arith.constant 0 : i32
    %dma_wait3A_143 = tpu.memref_slice %arg13[%add3A_80, %dma_wait3A_142] : memref<10240x64xf32, #tpu.memory_space<vmem_shared>> -> memref<128x64xf32, #tpu.memory_space<vmem_shared>>
    %dma_wait3A_144 = arith.constant 0 : i32
    %dma_wait3A_145 = tpu.memref_slice %arg13[%add3A_80, %dma_wait3A_144] : memref<10240x64xf32, #tpu.memory_space<vmem_shared>> -> memref<128x64xf32, #tpu.memory_space<vmem_shared>>
    tpu.wait_dma2 semaphore(%arg16 : memref<!tpu.dma_semaphore, #tpu.memory_space<semaphore_mem>>) src(%arg10 : memref<128x64xf32, #tpu.memory_space<vmem>>) dst(%dma_wait3A_145 : memref<128x64xf32, #tpu.memory_space<vmem_shared>>)
    %dma_wait3A_146 = arith.constant 0 : i32
    %dma_wait3A_147 = tpu.memref_slice %arg14[%add3A_88, %dma_wait3A_146] : memref<10240x16xf32, #tpu.memory_space<vmem_shared>> -> memref<128x16xf32, #tpu.memory_space<vmem_shared>>
    %dma_wait3A_148 = arith.constant 0 : i32
    %dma_wait3A_149 = tpu.memref_slice %arg14[%add3A_88, %dma_wait3A_148] : memref<10240x16xf32, #tpu.memory_space<vmem_shared>> -> memref<128x16xf32, #tpu.memory_space<vmem_shared>>
    tpu.wait_dma2 semaphore(%arg16 : memref<!tpu.dma_semaphore, #tpu.memory_space<semaphore_mem>>) src(%arg12 : memref<128x16xf32, #tpu.memory_space<vmem>>) dst(%dma_wait3A_149 : memref<128x16xf32, #tpu.memory_space<vmem_shared>>)
    %dma_wait3A_150 = arith.constant 0 : i32
    %dma_wait3A_151 = tpu.memref_slice %arg13[%add3A_96, %dma_wait3A_150] : memref<10240x64xf32, #tpu.memory_space<vmem_shared>> -> memref<128x64xf32, #tpu.memory_space<vmem_shared>>
    %dma_wait3A_152 = arith.constant 0 : i32
    %dma_wait3A_153 = tpu.memref_slice %arg13[%add3A_96, %dma_wait3A_152] : memref<10240x64xf32, #tpu.memory_space<vmem_shared>> -> memref<128x64xf32, #tpu.memory_space<vmem_shared>>
    tpu.wait_dma2 semaphore(%arg16 : memref<!tpu.dma_semaphore, #tpu.memory_space<semaphore_mem>>) src(%arg10 : memref<128x64xf32, #tpu.memory_space<vmem>>) dst(%dma_wait3A_153 : memref<128x64xf32, #tpu.memory_space<vmem_shared>>)
    %dma_wait3A_154 = arith.constant 0 : i32
    %dma_wait3A_155 = tpu.memref_slice %arg14[%add3A_104, %dma_wait3A_154] : memref<10240x16xf32, #tpu.memory_space<vmem_shared>> -> memref<128x16xf32, #tpu.memory_space<vmem_shared>>
    %dma_wait3A_156 = arith.constant 0 : i32
    %dma_wait3A_157 = tpu.memref_slice %arg14[%add3A_104, %dma_wait3A_156] : memref<10240x16xf32, #tpu.memory_space<vmem_shared>> -> memref<128x16xf32, #tpu.memory_space<vmem_shared>>
    tpu.wait_dma2 semaphore(%arg16 : memref<!tpu.dma_semaphore, #tpu.memory_space<semaphore_mem>>) src(%arg12 : memref<128x16xf32, #tpu.memory_space<vmem>>) dst(%dma_wait3A_157 : memref<128x16xf32, #tpu.memory_space<vmem_shared>>)
    %barrier3A = arith.constant 0 : index
    tpu.barrier barrier_id(%barrier3A)
    %scan3A_158 = arith.constant 0 : i32
    %scan3A_159 = arith.constant 0 : i32
    %scan3A_160 = arith.constant 50 : i32
    %scan3A_161 = arith.addi %scan3A_159, %scan3A_160 : i32
    %scan3A_162 = arith.constant 1 : i32
    scf.for %scan3A_173 = %scan3A_159 to %scan3A_161 step %scan3A_162  : i32 {
      %mul3A_174 = arith.constant 5 : i32
      %mul3A_175 = arith.muli %scan3A_173, %mul3A_174 : i32
      %add3A_176 = arith.constant 0 : i32
      %add3A_177 = arith.addi %mul3A_175, %add3A_176 : i32
      %mul3A_178 = arith.constant 80 : i32
      %mul3A_179 = arith.muli %add3A_177, %mul3A_178 : i32
      %dma_start3A_180 = arith.constant 0 : i32
      %dma_start3A_181 = arith.constant 0 : i32
      %dma_start3A_182 = arith.constant 0 : i32
      %dma_start3A_183 = tpu.memref_slice %arg9[%dma_start3A_180, %dma_start3A_181, %dma_start3A_182] : memref<5x80x64xf32, #tpu.memory_space<vmem>> -> memref<1x80x64xf32, #tpu.memory_space<vmem>>
      %dma_start3A_184 = tpu.memref_squeeze %dma_start3A_183 : memref<1x80x64xf32, #tpu.memory_space<vmem>> -> memref<80x64xf32, #tpu.memory_space<vmem>>
      %dma_start3A_185 = tpu.memref_slice %arg7[%mul3A_179] : memref<20000xi32, #tpu.memory_space<vmem>> -> memref<80xi32, #tpu.memory_space<vmem>>
      %dma_start3A_186 = arith.constant 0 : i32
      %dma_start3A_187 = arith.constant 0 : i32
      %dma_start3A_188 = tpu.memref_slice %arg2[%arg0, %dma_start3A_186, %dma_start3A_187] : memref<2x10000x64xf32, #tpu.memory_space<hbm>> -> memref<1x10000x64xf32, #tpu.memory_space<hbm>>
      %dma_start3A_189 = tpu.memref_squeeze %dma_start3A_188 : memref<1x10000x64xf32, #tpu.memory_space<hbm>> -> memref<10000x64xf32, #tpu.memory_space<hbm>>
      %dma_start3A_190 = arith.constant 0 : i32
      %dma_start3A_191 = arith.constant 0 : i32
      %dma_start3A_192 = tpu.memref_slice %dma_start3A_189[%dma_start3A_190, %dma_start3A_191] : memref<10000x64xf32, #tpu.memory_space<hbm>> -> memref<10000x64xf32, #tpu.memory_space<hbm>>
      tpu.enqueue_indirect_dma source(%dma_start3A_192 : memref<10000x64xf32, #tpu.memory_space<hbm>>) target(%dma_start3A_184 : memref<80x64xf32, #tpu.memory_space<vmem>>) offsets(%dma_start3A_185 : memref<80xi32, #tpu.memory_space<vmem>>) semaphore(%arg15 : memref<!tpu.dma_semaphore, #tpu.memory_space<semaphore_mem>>)
      %mul3A_193 = arith.constant 5 : i32
      %mul3A_194 = arith.muli %scan3A_173, %mul3A_193 : i32
      %add3A_195 = arith.constant 1 : i32
      %add3A_196 = arith.addi %mul3A_194, %add3A_195 : i32
      %mul3A_197 = arith.constant 80 : i32
      %mul3A_198 = arith.muli %add3A_196, %mul3A_197 : i32
      %dma_start3A_199 = arith.constant 1 : i32
      %dma_start3A_200 = arith.constant 0 : i32
      %dma_start3A_201 = arith.constant 0 : i32
      %dma_start3A_202 = tpu.memref_slice %arg9[%dma_start3A_199, %dma_start3A_200, %dma_start3A_201] : memref<5x80x64xf32, #tpu.memory_space<vmem>> -> memref<1x80x64xf32, #tpu.memory_space<vmem>>
      %dma_start3A_203 = tpu.memref_squeeze %dma_start3A_202 : memref<1x80x64xf32, #tpu.memory_space<vmem>> -> memref<80x64xf32, #tpu.memory_space<vmem>>
      %dma_start3A_204 = tpu.memref_slice %arg7[%mul3A_198] : memref<20000xi32, #tpu.memory_space<vmem>> -> memref<80xi32, #tpu.memory_space<vmem>>
      %dma_start3A_205 = arith.constant 0 : i32
      %dma_start3A_206 = arith.constant 0 : i32
      %dma_start3A_207 = tpu.memref_slice %arg2[%arg0, %dma_start3A_205, %dma_start3A_206] : memref<2x10000x64xf32, #tpu.memory_space<hbm>> -> memref<1x10000x64xf32, #tpu.memory_space<hbm>>
      %dma_start3A_208 = tpu.memref_squeeze %dma_start3A_207 : memref<1x10000x64xf32, #tpu.memory_space<hbm>> -> memref<10000x64xf32, #tpu.memory_space<hbm>>
      %dma_start3A_209 = arith.constant 0 : i32
      %dma_start3A_210 = arith.constant 0 : i32
      %dma_start3A_211 = tpu.memref_slice %dma_start3A_208[%dma_start3A_209, %dma_start3A_210] : memref<10000x64xf32, #tpu.memory_space<hbm>> -> memref<10000x64xf32, #tpu.memory_space<hbm>>
      tpu.enqueue_indirect_dma source(%dma_start3A_211 : memref<10000x64xf32, #tpu.memory_space<hbm>>) target(%dma_start3A_203 : memref<80x64xf32, #tpu.memory_space<vmem>>) offsets(%dma_start3A_204 : memref<80xi32, #tpu.memory_space<vmem>>) semaphore(%arg15 : memref<!tpu.dma_semaphore, #tpu.memory_space<semaphore_mem>>)
      %mul3A_212 = arith.constant 5 : i32
      %mul3A_213 = arith.muli %scan3A_173, %mul3A_212 : i32
      %add3A_214 = arith.constant 2 : i32
      %add3A_215 = arith.addi %mul3A_213, %add3A_214 : i32
      %mul3A_216 = arith.constant 80 : i32
      %mul3A_217 = arith.muli %add3A_215, %mul3A_216 : i32
      %dma_start3A_218 = arith.constant 2 : i32
      %dma_start3A_219 = arith.constant 0 : i32
      %dma_start3A_220 = arith.constant 0 : i32
      %dma_start3A_221 = tpu.memref_slice %arg9[%dma_start3A_218, %dma_start3A_219, %dma_start3A_220] : memref<5x80x64xf32, #tpu.memory_space<vmem>> -> memref<1x80x64xf32, #tpu.memory_space<vmem>>
      %dma_start3A_222 = tpu.memref_squeeze %dma_start3A_221 : memref<1x80x64xf32, #tpu.memory_space<vmem>> -> memref<80x64xf32, #tpu.memory_space<vmem>>
      %dma_start3A_223 = tpu.memref_slice %arg7[%mul3A_217] : memref<20000xi32, #tpu.memory_space<vmem>> -> memref<80xi32, #tpu.memory_space<vmem>>
      %dma_start3A_224 = arith.constant 0 : i32
      %dma_start3A_225 = arith.constant 0 : i32
      %dma_start3A_226 = tpu.memref_slice %arg2[%arg0, %dma_start3A_224, %dma_start3A_225] : memref<2x10000x64xf32, #tpu.memory_space<hbm>> -> memref<1x10000x64xf32, #tpu.memory_space<hbm>>
      %dma_start3A_227 = tpu.memref_squeeze %dma_start3A_226 : memref<1x10000x64xf32, #tpu.memory_space<hbm>> -> memref<10000x64xf32, #tpu.memory_space<hbm>>
      %dma_start3A_228 = arith.constant 0 : i32
      %dma_start3A_229 = arith.constant 0 : i32
      %dma_start3A_230 = tpu.memref_slice %dma_start3A_227[%dma_start3A_228, %dma_start3A_229] : memref<10000x64xf32, #tpu.memory_space<hbm>> -> memref<10000x64xf32, #tpu.memory_space<hbm>>
      tpu.enqueue_indirect_dma source(%dma_start3A_230 : memref<10000x64xf32, #tpu.memory_space<hbm>>) target(%dma_start3A_222 : memref<80x64xf32, #tpu.memory_space<vmem>>) offsets(%dma_start3A_223 : memref<80xi32, #tpu.memory_space<vmem>>) semaphore(%arg15 : memref<!tpu.dma_semaphore, #tpu.memory_space<semaphore_mem>>)
      %mul3A_231 = arith.constant 5 : i32
      %mul3A_232 = arith.muli %scan3A_173, %mul3A_231 : i32
      %add3A_233 = arith.constant 3 : i32
      %add3A_234 = arith.addi %mul3A_232, %add3A_233 : i32
      %mul3A_235 = arith.constant 80 : i32
      %mul3A_236 = arith.muli %add3A_234, %mul3A_235 : i32
      %dma_start3A_237 = arith.constant 3 : i32
      %dma_start3A_238 = arith.constant 0 : i32
      %dma_start3A_239 = arith.constant 0 : i32
      %dma_start3A_240 = tpu.memref_slice %arg9[%dma_start3A_237, %dma_start3A_238, %dma_start3A_239] : memref<5x80x64xf32, #tpu.memory_space<vmem>> -> memref<1x80x64xf32, #tpu.memory_space<vmem>>
      %dma_start3A_241 = tpu.memref_squeeze %dma_start3A_240 : memref<1x80x64xf32, #tpu.memory_space<vmem>> -> memref<80x64xf32, #tpu.memory_space<vmem>>
      %dma_start3A_242 = tpu.memref_slice %arg7[%mul3A_236] : memref<20000xi32, #tpu.memory_space<vmem>> -> memref<80xi32, #tpu.memory_space<vmem>>
      %dma_start3A_243 = arith.constant 0 : i32
      %dma_start3A_244 = arith.constant 0 : i32
      %dma_start3A_245 = tpu.memref_slice %arg2[%arg0, %dma_start3A_243, %dma_start3A_244] : memref<2x10000x64xf32, #tpu.memory_space<hbm>> -> memref<1x10000x64xf32, #tpu.memory_space<hbm>>
      %dma_start3A_246 = tpu.memref_squeeze %dma_start3A_245 : memref<1x10000x64xf32, #tpu.memory_space<hbm>> -> memref<10000x64xf32, #tpu.memory_space<hbm>>
      %dma_start3A_247 = arith.constant 0 : i32
      %dma_start3A_248 = arith.constant 0 : i32
      %dma_start3A_249 = tpu.memref_slice %dma_start3A_246[%dma_start3A_247, %dma_start3A_248] : memref<10000x64xf32, #tpu.memory_space<hbm>> -> memref<10000x64xf32, #tpu.memory_space<hbm>>
      tpu.enqueue_indirect_dma source(%dma_start3A_249 : memref<10000x64xf32, #tpu.memory_space<hbm>>) target(%dma_start3A_241 : memref<80x64xf32, #tpu.memory_space<vmem>>) offsets(%dma_start3A_242 : memref<80xi32, #tpu.memory_space<vmem>>) semaphore(%arg15 : memref<!tpu.dma_semaphore, #tpu.memory_space<semaphore_mem>>)
      %mul3A_250 = arith.constant 5 : i32
      %mul3A_251 = arith.muli %scan3A_173, %mul3A_250 : i32
      %add3A_252 = arith.constant 4 : i32
      %add3A_253 = arith.addi %mul3A_251, %add3A_252 : i32
      %mul3A_254 = arith.constant 80 : i32
      %mul3A_255 = arith.muli %add3A_253, %mul3A_254 : i32
      %dma_start3A_256 = arith.constant 4 : i32
      %dma_start3A_257 = arith.constant 0 : i32
      %dma_start3A_258 = arith.constant 0 : i32
      %dma_start3A_259 = tpu.memref_slice %arg9[%dma_start3A_256, %dma_start3A_257, %dma_start3A_258] : memref<5x80x64xf32, #tpu.memory_space<vmem>> -> memref<1x80x64xf32, #tpu.memory_space<vmem>>
      %dma_start3A_260 = tpu.memref_squeeze %dma_start3A_259 : memref<1x80x64xf32, #tpu.memory_space<vmem>> -> memref<80x64xf32, #tpu.memory_space<vmem>>
      %dma_start3A_261 = tpu.memref_slice %arg7[%mul3A_255] : memref<20000xi32, #tpu.memory_space<vmem>> -> memref<80xi32, #tpu.memory_space<vmem>>
      %dma_start3A_262 = arith.constant 0 : i32
      %dma_start3A_263 = arith.constant 0 : i32
      %dma_start3A_264 = tpu.memref_slice %arg2[%arg0, %dma_start3A_262, %dma_start3A_263] : memref<2x10000x64xf32, #tpu.memory_space<hbm>> -> memref<1x10000x64xf32, #tpu.memory_space<hbm>>
      %dma_start3A_265 = tpu.memref_squeeze %dma_start3A_264 : memref<1x10000x64xf32, #tpu.memory_space<hbm>> -> memref<10000x64xf32, #tpu.memory_space<hbm>>
      %dma_start3A_266 = arith.constant 0 : i32
      %dma_start3A_267 = arith.constant 0 : i32
      %dma_start3A_268 = tpu.memref_slice %dma_start3A_265[%dma_start3A_266, %dma_start3A_267] : memref<10000x64xf32, #tpu.memory_space<hbm>> -> memref<10000x64xf32, #tpu.memory_space<hbm>>
      tpu.enqueue_indirect_dma source(%dma_start3A_268 : memref<10000x64xf32, #tpu.memory_space<hbm>>) target(%dma_start3A_260 : memref<80x64xf32, #tpu.memory_space<vmem>>) offsets(%dma_start3A_261 : memref<80xi32, #tpu.memory_space<vmem>>) semaphore(%arg15 : memref<!tpu.dma_semaphore, #tpu.memory_space<semaphore_mem>>)
      %dma_wait3A_269 = arith.constant 0 : i32
      %dma_wait3A_270 = arith.constant 0 : i32
      %dma_wait3A_271 = arith.constant 0 : i32
      %dma_wait3A_272 = tpu.memref_slice %arg9[%dma_wait3A_269, %dma_wait3A_270, %dma_wait3A_271] : memref<5x80x64xf32, #tpu.memory_space<vmem>> -> memref<1x80x64xf32, #tpu.memory_space<vmem>>
      %dma_wait3A_273 = tpu.memref_squeeze %dma_wait3A_272 : memref<1x80x64xf32, #tpu.memory_space<vmem>> -> memref<80x64xf32, #tpu.memory_space<vmem>>
      %dma_wait3A_274 = tpu.memref_slice %arg7[%mul3A_179] : memref<20000xi32, #tpu.memory_space<vmem>> -> memref<80xi32, #tpu.memory_space<vmem>>
      %dma_wait3A_275 = arith.constant 0 : i32
      %dma_wait3A_276 = arith.constant 0 : i32
      %dma_wait3A_277 = tpu.memref_slice %arg2[%arg0, %dma_wait3A_275, %dma_wait3A_276] : memref<2x10000x64xf32, #tpu.memory_space<hbm>> -> memref<1x10000x64xf32, #tpu.memory_space<hbm>>
      %dma_wait3A_278 = tpu.memref_squeeze %dma_wait3A_277 : memref<1x10000x64xf32, #tpu.memory_space<hbm>> -> memref<10000x64xf32, #tpu.memory_space<hbm>>
      %dma_wait3A_279 = arith.constant 0 : i32
      %dma_wait3A_280 = arith.constant 0 : i32
      %dma_wait3A_281 = tpu.memref_slice %dma_wait3A_278[%dma_wait3A_279, %dma_wait3A_280] : memref<10000x64xf32, #tpu.memory_space<hbm>> -> memref<10000x64xf32, #tpu.memory_space<hbm>>
      tpu.wait_indirect_dma semaphore(%arg15 : memref<!tpu.dma_semaphore, #tpu.memory_space<semaphore_mem>>) src(%dma_wait3A_281 : memref<10000x64xf32, #tpu.memory_space<hbm>>) dst(%dma_wait3A_273 : memref<80x64xf32, #tpu.memory_space<vmem>>)
      %jit3A = arith.constant 2 : i32
      %eq3A = arith.constant 0 : i32
      %eq3A_282 = arith.cmpi eq, %jit3A, %eq3A : i32
      %jit3A_283 = arith.constant 1 : i32
      %select_n3A = arith.select %eq3A_282, %jit3A_283, %jit3A : i32
      %rem3A = arith.remsi %scan3A_173, %select_n3A : i32
      %ne3A = arith.constant 0 : i32
      %ne3A_284 = arith.cmpi ne, %rem3A, %ne3A : i32
      %lt3A = arith.constant 0 : i32
      %lt3A_285 = arith.cmpi slt, %rem3A, %lt3A : i32
      %lt3A_286 = arith.constant 0 : i32
      %lt3A_287 = arith.cmpi slt, %select_n3A, %lt3A_286 : i32
      %ne3A_288 = arith.xori %lt3A_285, %lt3A_287 : i1
      %and3A = arith.andi %ne3A_288, %ne3A_284 : i1
      %add3A_289 = arith.addi %rem3A, %select_n3A : i32
      %select_n3A_290 = arith.select %and3A, %add3A_289, %rem3A : i32
      %eq3A_291 = arith.cmpi eq, %arg0, %select_n3A_290 : i32
      %convert_element_type3A = arith.extui %eq3A_291 : i1 to i32
      %cond3A = arith.constant 0 : i32
      %cond3A_292 = arith.cmpi ne, %convert_element_type3A, %cond3A : i32
      scf.if %cond3A_292 {
        %mul3A_469 = arith.constant 5 : i32
        %mul3A_470 = arith.muli %scan3A_173, %mul3A_469 : i32
        %add3A_471 = arith.constant 0 : i32
        %add3A_472 = arith.addi %mul3A_470, %add3A_471 : i32
        %dma_start3A_473 = arith.constant 0 : i32
        %dma_start3A_474 = tpu.memref_slice %arg8[%add3A_472, %dma_start3A_473] : memref<250x80xi32, #tpu.memory_space<vmem>> -> memref<1x80xi32, #tpu.memory_space<vmem>>
        %dma_start3A_475 = tpu.memref_squeeze %dma_start3A_474 : memref<1x80xi32, #tpu.memory_space<vmem>> -> memref<80xi32, #tpu.memory_space<vmem>>
        %dma_start3A_476 = arith.constant 0 : i32
        %dma_start3A_477 = arith.constant 0 : i32
        %dma_start3A_478 = tpu.memref_slice %arg14[%dma_start3A_476, %dma_start3A_477] : memref<10240x16xf32, #tpu.memory_space<vmem_shared>> -> memref<10240x16xf32, #tpu.memory_space<vmem_shared>>
        tpu.enqueue_indirect_dma source(%arg11 : memref<80x16xf32, #tpu.memory_space<vmem>>) target(%dma_start3A_478 : memref<10240x16xf32, #tpu.memory_space<vmem_shared>>) offsets(%dma_start3A_475 : memref<80xi32, #tpu.memory_space<vmem>>) semaphore(%arg17 : memref<!tpu.dma_semaphore, #tpu.memory_space<semaphore_mem>>) {add = true}
      } else {
      }
      %mul3A_293 = arith.constant 5 : i32
      %mul3A_294 = arith.muli %scan3A_173, %mul3A_293 : i32
      %add3A_295 = arith.constant 0 : i32
      %add3A_296 = arith.addi %mul3A_294, %add3A_295 : i32
      %run_scoped3A = arith.constant 0 : i32
      "tpu.region"() ({
        %run_scoped3A_469 = tpu.sem_alloc : memref<!tpu.dma_semaphore, #tpu.memory_space<semaphore_mem>>
        %dma_start3A_470 = arith.constant 0 : i32
        %dma_start3A_471 = arith.constant 0 : i32
        %dma_start3A_472 = tpu.memref_slice %arg9[%run_scoped3A, %dma_start3A_470, %dma_start3A_471] : memref<5x80x64xf32, #tpu.memory_space<vmem>> -> memref<1x80x64xf32, #tpu.memory_space<vmem>>
        %dma_start3A_473 = tpu.memref_squeeze %dma_start3A_472 : memref<1x80x64xf32, #tpu.memory_space<vmem>> -> memref<80x64xf32, #tpu.memory_space<vmem>>
        %dma_start3A_474 = arith.constant 0 : i32
        %dma_start3A_475 = tpu.memref_slice %arg8[%add3A_296, %dma_start3A_474] : memref<250x80xi32, #tpu.memory_space<vmem>> -> memref<1x80xi32, #tpu.memory_space<vmem>>
        %dma_start3A_476 = tpu.memref_squeeze %dma_start3A_475 : memref<1x80xi32, #tpu.memory_space<vmem>> -> memref<80xi32, #tpu.memory_space<vmem>>
        %dma_start3A_477 = arith.constant 0 : i32
        %dma_start3A_478 = arith.constant 0 : i32
        %dma_start3A_479 = tpu.memref_slice %arg13[%dma_start3A_477, %dma_start3A_478] : memref<10240x64xf32, #tpu.memory_space<vmem_shared>> -> memref<10240x64xf32, #tpu.memory_space<vmem_shared>>
        tpu.enqueue_indirect_dma source(%dma_start3A_473 : memref<80x64xf32, #tpu.memory_space<vmem>>) target(%dma_start3A_479 : memref<10240x64xf32, #tpu.memory_space<vmem_shared>>) offsets(%dma_start3A_476 : memref<80xi32, #tpu.memory_space<vmem>>) semaphore(%run_scoped3A_469 : memref<!tpu.dma_semaphore, #tpu.memory_space<semaphore_mem>>) {add = true}
        %dma_wait3A_480 = arith.constant 0 : i32
        %dma_wait3A_481 = arith.constant 0 : i32
        %dma_wait3A_482 = tpu.memref_slice %arg9[%run_scoped3A, %dma_wait3A_480, %dma_wait3A_481] : memref<5x80x64xf32, #tpu.memory_space<vmem>> -> memref<1x80x64xf32, #tpu.memory_space<vmem>>
        %dma_wait3A_483 = tpu.memref_squeeze %dma_wait3A_482 : memref<1x80x64xf32, #tpu.memory_space<vmem>> -> memref<80x64xf32, #tpu.memory_space<vmem>>
        %dma_wait3A_484 = arith.constant 0 : i32
        %dma_wait3A_485 = tpu.memref_slice %arg8[%add3A_296, %dma_wait3A_484] : memref<250x80xi32, #tpu.memory_space<vmem>> -> memref<1x80xi32, #tpu.memory_space<vmem>>
        %dma_wait3A_486 = tpu.memref_squeeze %dma_wait3A_485 : memref<1x80xi32, #tpu.memory_space<vmem>> -> memref<80xi32, #tpu.memory_space<vmem>>
        %dma_wait3A_487 = arith.constant 0 : i32
        %dma_wait3A_488 = arith.constant 0 : i32
        %dma_wait3A_489 = tpu.memref_slice %arg13[%dma_wait3A_487, %dma_wait3A_488] : memref<10240x64xf32, #tpu.memory_space<vmem_shared>> -> memref<10240x64xf32, #tpu.memory_space<vmem_shared>>
        tpu.wait_indirect_dma semaphore(%run_scoped3A_469 : memref<!tpu.dma_semaphore, #tpu.memory_space<semaphore_mem>>) src(%dma_wait3A_483 : memref<80x64xf32, #tpu.memory_space<vmem>>) dst(%dma_wait3A_489 : memref<10240x64xf32, #tpu.memory_space<vmem_shared>>)
        tpu.yield
      }) : () -> ()
      %dma_wait3A_297 = arith.constant 1 : i32
      %dma_wait3A_298 = arith.constant 0 : i32
      %dma_wait3A_299 = arith.constant 0 : i32
      %dma_wait3A_300 = tpu.memref_slice %arg9[%dma_wait3A_297, %dma_wait3A_298, %dma_wait3A_299] : memref<5x80x64xf32, #tpu.memory_space<vmem>> -> memref<1x80x64xf32, #tpu.memory_space<vmem>>
      %dma_wait3A_301 = tpu.memref_squeeze %dma_wait3A_300 : memref<1x80x64xf32, #tpu.memory_space<vmem>> -> memref<80x64xf32, #tpu.memory_space<vmem>>
      %dma_wait3A_302 = tpu.memref_slice %arg7[%mul3A_198] : memref<20000xi32, #tpu.memory_space<vmem>> -> memref<80xi32, #tpu.memory_space<vmem>>
      %dma_wait3A_303 = arith.constant 0 : i32
      %dma_wait3A_304 = arith.constant 0 : i32
      %dma_wait3A_305 = tpu.memref_slice %arg2[%arg0, %dma_wait3A_303, %dma_wait3A_304] : memref<2x10000x64xf32, #tpu.memory_space<hbm>> -> memref<1x10000x64xf32, #tpu.memory_space<hbm>>
      %dma_wait3A_306 = tpu.memref_squeeze %dma_wait3A_305 : memref<1x10000x64xf32, #tpu.memory_space<hbm>> -> memref<10000x64xf32, #tpu.memory_space<hbm>>
      %dma_wait3A_307 = arith.constant 0 : i32
      %dma_wait3A_308 = arith.constant 0 : i32
      %dma_wait3A_309 = tpu.memref_slice %dma_wait3A_306[%dma_wait3A_307, %dma_wait3A_308] : memref<10000x64xf32, #tpu.memory_space<hbm>> -> memref<10000x64xf32, #tpu.memory_space<hbm>>
      tpu.wait_indirect_dma semaphore(%arg15 : memref<!tpu.dma_semaphore, #tpu.memory_space<semaphore_mem>>) src(%dma_wait3A_309 : memref<10000x64xf32, #tpu.memory_space<hbm>>) dst(%dma_wait3A_301 : memref<80x64xf32, #tpu.memory_space<vmem>>)
      %jit3A_310 = arith.constant 2 : i32
      %eq3A_311 = arith.constant 0 : i32
      %eq3A_312 = arith.cmpi eq, %jit3A_310, %eq3A_311 : i32
      %jit3A_313 = arith.constant 1 : i32
      %select_n3A_314 = arith.select %eq3A_312, %jit3A_313, %jit3A_310 : i32
      %rem3A_315 = arith.remsi %scan3A_173, %select_n3A_314 : i32
      %ne3A_316 = arith.constant 0 : i32
      %ne3A_317 = arith.cmpi ne, %rem3A_315, %ne3A_316 : i32
      %lt3A_318 = arith.constant 0 : i32
      %lt3A_319 = arith.cmpi slt, %rem3A_315, %lt3A_318 : i32
      %lt3A_320 = arith.constant 0 : i32
      %lt3A_321 = arith.cmpi slt, %select_n3A_314, %lt3A_320 : i32
      %ne3A_322 = arith.xori %lt3A_319, %lt3A_321 : i1
      %and3A_323 = arith.andi %ne3A_322, %ne3A_317 : i1
      %add3A_324 = arith.addi %rem3A_315, %select_n3A_314 : i32
      %select_n3A_325 = arith.select %and3A_323, %add3A_324, %rem3A_315 : i32
      %eq3A_326 = arith.cmpi eq, %arg0, %select_n3A_325 : i32
      %convert_element_type3A_327 = arith.extui %eq3A_326 : i1 to i32
      %cond3A_328 = arith.constant 0 : i32
      %cond3A_329 = arith.cmpi ne, %convert_element_type3A_327, %cond3A_328 : i32
      scf.if %cond3A_329 {
        %mul3A_469 = arith.constant 5 : i32
        %mul3A_470 = arith.muli %scan3A_173, %mul3A_469 : i32
        %add3A_471 = arith.constant 1 : i32
        %add3A_472 = arith.addi %mul3A_470, %add3A_471 : i32
        %dma_start3A_473 = arith.constant 0 : i32
        %dma_start3A_474 = tpu.memref_slice %arg8[%add3A_472, %dma_start3A_473] : memref<250x80xi32, #tpu.memory_space<vmem>> -> memref<1x80xi32, #tpu.memory_space<vmem>>
        %dma_start3A_475 = tpu.memref_squeeze %dma_start3A_474 : memref<1x80xi32, #tpu.memory_space<vmem>> -> memref<80xi32, #tpu.memory_space<vmem>>
        %dma_start3A_476 = arith.constant 0 : i32
        %dma_start3A_477 = arith.constant 0 : i32
        %dma_start3A_478 = tpu.memref_slice %arg14[%dma_start3A_476, %dma_start3A_477] : memref<10240x16xf32, #tpu.memory_space<vmem_shared>> -> memref<10240x16xf32, #tpu.memory_space<vmem_shared>>
        tpu.enqueue_indirect_dma source(%arg11 : memref<80x16xf32, #tpu.memory_space<vmem>>) target(%dma_start3A_478 : memref<10240x16xf32, #tpu.memory_space<vmem_shared>>) offsets(%dma_start3A_475 : memref<80xi32, #tpu.memory_space<vmem>>) semaphore(%arg17 : memref<!tpu.dma_semaphore, #tpu.memory_space<semaphore_mem>>) {add = true}
      } else {
      }
      %mul3A_330 = arith.constant 5 : i32
      %mul3A_331 = arith.muli %scan3A_173, %mul3A_330 : i32
      %add3A_332 = arith.constant 1 : i32
      %add3A_333 = arith.addi %mul3A_331, %add3A_332 : i32
      %run_scoped3A_334 = arith.constant 1 : i32
      "tpu.region"() ({
        %run_scoped3A_469 = tpu.sem_alloc : memref<!tpu.dma_semaphore, #tpu.memory_space<semaphore_mem>>
        %dma_start3A_470 = arith.constant 0 : i32
        %dma_start3A_471 = arith.constant 0 : i32
        %dma_start3A_472 = tpu.memref_slice %arg9[%run_scoped3A_334, %dma_start3A_470, %dma_start3A_471] : memref<5x80x64xf32, #tpu.memory_space<vmem>> -> memref<1x80x64xf32, #tpu.memory_space<vmem>>
        %dma_start3A_473 = tpu.memref_squeeze %dma_start3A_472 : memref<1x80x64xf32, #tpu.memory_space<vmem>> -> memref<80x64xf32, #tpu.memory_space<vmem>>
        %dma_start3A_474 = arith.constant 0 : i32
        %dma_start3A_475 = tpu.memref_slice %arg8[%add3A_333, %dma_start3A_474] : memref<250x80xi32, #tpu.memory_space<vmem>> -> memref<1x80xi32, #tpu.memory_space<vmem>>
        %dma_start3A_476 = tpu.memref_squeeze %dma_start3A_475 : memref<1x80xi32, #tpu.memory_space<vmem>> -> memref<80xi32, #tpu.memory_space<vmem>>
        %dma_start3A_477 = arith.constant 0 : i32
        %dma_start3A_478 = arith.constant 0 : i32
        %dma_start3A_479 = tpu.memref_slice %arg13[%dma_start3A_477, %dma_start3A_478] : memref<10240x64xf32, #tpu.memory_space<vmem_shared>> -> memref<10240x64xf32, #tpu.memory_space<vmem_shared>>
        tpu.enqueue_indirect_dma source(%dma_start3A_473 : memref<80x64xf32, #tpu.memory_space<vmem>>) target(%dma_start3A_479 : memref<10240x64xf32, #tpu.memory_space<vmem_shared>>) offsets(%dma_start3A_476 : memref<80xi32, #tpu.memory_space<vmem>>) semaphore(%run_scoped3A_469 : memref<!tpu.dma_semaphore, #tpu.memory_space<semaphore_mem>>) {add = true}
        %dma_wait3A_480 = arith.constant 0 : i32
        %dma_wait3A_481 = arith.constant 0 : i32
        %dma_wait3A_482 = tpu.memref_slice %arg9[%run_scoped3A_334, %dma_wait3A_480, %dma_wait3A_481] : memref<5x80x64xf32, #tpu.memory_space<vmem>> -> memref<1x80x64xf32, #tpu.memory_space<vmem>>
        %dma_wait3A_483 = tpu.memref_squeeze %dma_wait3A_482 : memref<1x80x64xf32, #tpu.memory_space<vmem>> -> memref<80x64xf32, #tpu.memory_space<vmem>>
        %dma_wait3A_484 = arith.constant 0 : i32
        %dma_wait3A_485 = tpu.memref_slice %arg8[%add3A_333, %dma_wait3A_484] : memref<250x80xi32, #tpu.memory_space<vmem>> -> memref<1x80xi32, #tpu.memory_space<vmem>>
        %dma_wait3A_486 = tpu.memref_squeeze %dma_wait3A_485 : memref<1x80xi32, #tpu.memory_space<vmem>> -> memref<80xi32, #tpu.memory_space<vmem>>
        %dma_wait3A_487 = arith.constant 0 : i32
        %dma_wait3A_488 = arith.constant 0 : i32
        %dma_wait3A_489 = tpu.memref_slice %arg13[%dma_wait3A_487, %dma_wait3A_488] : memref<10240x64xf32, #tpu.memory_space<vmem_shared>> -> memref<10240x64xf32, #tpu.memory_space<vmem_shared>>
        tpu.wait_indirect_dma semaphore(%run_scoped3A_469 : memref<!tpu.dma_semaphore, #tpu.memory_space<semaphore_mem>>) src(%dma_wait3A_483 : memref<80x64xf32, #tpu.memory_space<vmem>>) dst(%dma_wait3A_489 : memref<10240x64xf32, #tpu.memory_space<vmem_shared>>)
        tpu.yield
      }) : () -> ()
      %dma_wait3A_335 = arith.constant 2 : i32
      %dma_wait3A_336 = arith.constant 0 : i32
      %dma_wait3A_337 = arith.constant 0 : i32
      %dma_wait3A_338 = tpu.memref_slice %arg9[%dma_wait3A_335, %dma_wait3A_336, %dma_wait3A_337] : memref<5x80x64xf32, #tpu.memory_space<vmem>> -> memref<1x80x64xf32, #tpu.memory_space<vmem>>
      %dma_wait3A_339 = tpu.memref_squeeze %dma_wait3A_338 : memref<1x80x64xf32, #tpu.memory_space<vmem>> -> memref<80x64xf32, #tpu.memory_space<vmem>>
      %dma_wait3A_340 = tpu.memref_slice %arg7[%mul3A_217] : memref<20000xi32, #tpu.memory_space<vmem>> -> memref<80xi32, #tpu.memory_space<vmem>>
      %dma_wait3A_341 = arith.constant 0 : i32
      %dma_wait3A_342 = arith.constant 0 : i32
      %dma_wait3A_343 = tpu.memref_slice %arg2[%arg0, %dma_wait3A_341, %dma_wait3A_342] : memref<2x10000x64xf32, #tpu.memory_space<hbm>> -> memref<1x10000x64xf32, #tpu.memory_space<hbm>>
      %dma_wait3A_344 = tpu.memref_squeeze %dma_wait3A_343 : memref<1x10000x64xf32, #tpu.memory_space<hbm>> -> memref<10000x64xf32, #tpu.memory_space<hbm>>
      %dma_wait3A_345 = arith.constant 0 : i32
      %dma_wait3A_346 = arith.constant 0 : i32
      %dma_wait3A_347 = tpu.memref_slice %dma_wait3A_344[%dma_wait3A_345, %dma_wait3A_346] : memref<10000x64xf32, #tpu.memory_space<hbm>> -> memref<10000x64xf32, #tpu.memory_space<hbm>>
      tpu.wait_indirect_dma semaphore(%arg15 : memref<!tpu.dma_semaphore, #tpu.memory_space<semaphore_mem>>) src(%dma_wait3A_347 : memref<10000x64xf32, #tpu.memory_space<hbm>>) dst(%dma_wait3A_339 : memref<80x64xf32, #tpu.memory_space<vmem>>)
      %jit3A_348 = arith.constant 2 : i32
      %eq3A_349 = arith.constant 0 : i32
      %eq3A_350 = arith.cmpi eq, %jit3A_348, %eq3A_349 : i32
      %jit3A_351 = arith.constant 1 : i32
      %select_n3A_352 = arith.select %eq3A_350, %jit3A_351, %jit3A_348 : i32
      %rem3A_353 = arith.remsi %scan3A_173, %select_n3A_352 : i32
      %ne3A_354 = arith.constant 0 : i32
      %ne3A_355 = arith.cmpi ne, %rem3A_353, %ne3A_354 : i32
      %lt3A_356 = arith.constant 0 : i32
      %lt3A_357 = arith.cmpi slt, %rem3A_353, %lt3A_356 : i32
      %lt3A_358 = arith.constant 0 : i32
      %lt3A_359 = arith.cmpi slt, %select_n3A_352, %lt3A_358 : i32
      %ne3A_360 = arith.xori %lt3A_357, %lt3A_359 : i1
      %and3A_361 = arith.andi %ne3A_360, %ne3A_355 : i1
      %add3A_362 = arith.addi %rem3A_353, %select_n3A_352 : i32
      %select_n3A_363 = arith.select %and3A_361, %add3A_362, %rem3A_353 : i32
      %eq3A_364 = arith.cmpi eq, %arg0, %select_n3A_363 : i32
      %convert_element_type3A_365 = arith.extui %eq3A_364 : i1 to i32
      %cond3A_366 = arith.constant 0 : i32
      %cond3A_367 = arith.cmpi ne, %convert_element_type3A_365, %cond3A_366 : i32
      scf.if %cond3A_367 {
        %mul3A_469 = arith.constant 5 : i32
        %mul3A_470 = arith.muli %scan3A_173, %mul3A_469 : i32
        %add3A_471 = arith.constant 2 : i32
        %add3A_472 = arith.addi %mul3A_470, %add3A_471 : i32
        %dma_start3A_473 = arith.constant 0 : i32
        %dma_start3A_474 = tpu.memref_slice %arg8[%add3A_472, %dma_start3A_473] : memref<250x80xi32, #tpu.memory_space<vmem>> -> memref<1x80xi32, #tpu.memory_space<vmem>>
        %dma_start3A_475 = tpu.memref_squeeze %dma_start3A_474 : memref<1x80xi32, #tpu.memory_space<vmem>> -> memref<80xi32, #tpu.memory_space<vmem>>
        %dma_start3A_476 = arith.constant 0 : i32
        %dma_start3A_477 = arith.constant 0 : i32
        %dma_start3A_478 = tpu.memref_slice %arg14[%dma_start3A_476, %dma_start3A_477] : memref<10240x16xf32, #tpu.memory_space<vmem_shared>> -> memref<10240x16xf32, #tpu.memory_space<vmem_shared>>
        tpu.enqueue_indirect_dma source(%arg11 : memref<80x16xf32, #tpu.memory_space<vmem>>) target(%dma_start3A_478 : memref<10240x16xf32, #tpu.memory_space<vmem_shared>>) offsets(%dma_start3A_475 : memref<80xi32, #tpu.memory_space<vmem>>) semaphore(%arg17 : memref<!tpu.dma_semaphore, #tpu.memory_space<semaphore_mem>>) {add = true}
      } else {
      }
      %mul3A_368 = arith.constant 5 : i32
      %mul3A_369 = arith.muli %scan3A_173, %mul3A_368 : i32
      %add3A_370 = arith.constant 2 : i32
      %add3A_371 = arith.addi %mul3A_369, %add3A_370 : i32
      %run_scoped3A_372 = arith.constant 2 : i32
      "tpu.region"() ({
        %run_scoped3A_469 = tpu.sem_alloc : memref<!tpu.dma_semaphore, #tpu.memory_space<semaphore_mem>>
        %dma_start3A_470 = arith.constant 0 : i32
        %dma_start3A_471 = arith.constant 0 : i32
        %dma_start3A_472 = tpu.memref_slice %arg9[%run_scoped3A_372, %dma_start3A_470, %dma_start3A_471] : memref<5x80x64xf32, #tpu.memory_space<vmem>> -> memref<1x80x64xf32, #tpu.memory_space<vmem>>
        %dma_start3A_473 = tpu.memref_squeeze %dma_start3A_472 : memref<1x80x64xf32, #tpu.memory_space<vmem>> -> memref<80x64xf32, #tpu.memory_space<vmem>>
        %dma_start3A_474 = arith.constant 0 : i32
        %dma_start3A_475 = tpu.memref_slice %arg8[%add3A_371, %dma_start3A_474] : memref<250x80xi32, #tpu.memory_space<vmem>> -> memref<1x80xi32, #tpu.memory_space<vmem>>
        %dma_start3A_476 = tpu.memref_squeeze %dma_start3A_475 : memref<1x80xi32, #tpu.memory_space<vmem>> -> memref<80xi32, #tpu.memory_space<vmem>>
        %dma_start3A_477 = arith.constant 0 : i32
        %dma_start3A_478 = arith.constant 0 : i32
        %dma_start3A_479 = tpu.memref_slice %arg13[%dma_start3A_477, %dma_start3A_478] : memref<10240x64xf32, #tpu.memory_space<vmem_shared>> -> memref<10240x64xf32, #tpu.memory_space<vmem_shared>>
        tpu.enqueue_indirect_dma source(%dma_start3A_473 : memref<80x64xf32, #tpu.memory_space<vmem>>) target(%dma_start3A_479 : memref<10240x64xf32, #tpu.memory_space<vmem_shared>>) offsets(%dma_start3A_476 : memref<80xi32, #tpu.memory_space<vmem>>) semaphore(%run_scoped3A_469 : memref<!tpu.dma_semaphore, #tpu.memory_space<semaphore_mem>>) {add = true}
        %dma_wait3A_480 = arith.constant 0 : i32
        %dma_wait3A_481 = arith.constant 0 : i32
        %dma_wait3A_482 = tpu.memref_slice %arg9[%run_scoped3A_372, %dma_wait3A_480, %dma_wait3A_481] : memref<5x80x64xf32, #tpu.memory_space<vmem>> -> memref<1x80x64xf32, #tpu.memory_space<vmem>>
        %dma_wait3A_483 = tpu.memref_squeeze %dma_wait3A_482 : memref<1x80x64xf32, #tpu.memory_space<vmem>> -> memref<80x64xf32, #tpu.memory_space<vmem>>
        %dma_wait3A_484 = arith.constant 0 : i32
        %dma_wait3A_485 = tpu.memref_slice %arg8[%add3A_371, %dma_wait3A_484] : memref<250x80xi32, #tpu.memory_space<vmem>> -> memref<1x80xi32, #tpu.memory_space<vmem>>
        %dma_wait3A_486 = tpu.memref_squeeze %dma_wait3A_485 : memref<1x80xi32, #tpu.memory_space<vmem>> -> memref<80xi32, #tpu.memory_space<vmem>>
        %dma_wait3A_487 = arith.constant 0 : i32
        %dma_wait3A_488 = arith.constant 0 : i32
        %dma_wait3A_489 = tpu.memref_slice %arg13[%dma_wait3A_487, %dma_wait3A_488] : memref<10240x64xf32, #tpu.memory_space<vmem_shared>> -> memref<10240x64xf32, #tpu.memory_space<vmem_shared>>
        tpu.wait_indirect_dma semaphore(%run_scoped3A_469 : memref<!tpu.dma_semaphore, #tpu.memory_space<semaphore_mem>>) src(%dma_wait3A_483 : memref<80x64xf32, #tpu.memory_space<vmem>>) dst(%dma_wait3A_489 : memref<10240x64xf32, #tpu.memory_space<vmem_shared>>)
        tpu.yield
      }) : () -> ()
      %dma_wait3A_373 = arith.constant 3 : i32
      %dma_wait3A_374 = arith.constant 0 : i32
      %dma_wait3A_375 = arith.constant 0 : i32
      %dma_wait3A_376 = tpu.memref_slice %arg9[%dma_wait3A_373, %dma_wait3A_374, %dma_wait3A_375] : memref<5x80x64xf32, #tpu.memory_space<vmem>> -> memref<1x80x64xf32, #tpu.memory_space<vmem>>
      %dma_wait3A_377 = tpu.memref_squeeze %dma_wait3A_376 : memref<1x80x64xf32, #tpu.memory_space<vmem>> -> memref<80x64xf32, #tpu.memory_space<vmem>>
      %dma_wait3A_378 = tpu.memref_slice %arg7[%mul3A_236] : memref<20000xi32, #tpu.memory_space<vmem>> -> memref<80xi32, #tpu.memory_space<vmem>>
      %dma_wait3A_379 = arith.constant 0 : i32
      %dma_wait3A_380 = arith.constant 0 : i32
      %dma_wait3A_381 = tpu.memref_slice %arg2[%arg0, %dma_wait3A_379, %dma_wait3A_380] : memref<2x10000x64xf32, #tpu.memory_space<hbm>> -> memref<1x10000x64xf32, #tpu.memory_space<hbm>>
      %dma_wait3A_382 = tpu.memref_squeeze %dma_wait3A_381 : memref<1x10000x64xf32, #tpu.memory_space<hbm>> -> memref<10000x64xf32, #tpu.memory_space<hbm>>
      %dma_wait3A_383 = arith.constant 0 : i32
      %dma_wait3A_384 = arith.constant 0 : i32
      %dma_wait3A_385 = tpu.memref_slice %dma_wait3A_382[%dma_wait3A_383, %dma_wait3A_384] : memref<10000x64xf32, #tpu.memory_space<hbm>> -> memref<10000x64xf32, #tpu.memory_space<hbm>>
      tpu.wait_indirect_dma semaphore(%arg15 : memref<!tpu.dma_semaphore, #tpu.memory_space<semaphore_mem>>) src(%dma_wait3A_385 : memref<10000x64xf32, #tpu.memory_space<hbm>>) dst(%dma_wait3A_377 : memref<80x64xf32, #tpu.memory_space<vmem>>)
      %jit3A_386 = arith.constant 2 : i32
      %eq3A_387 = arith.constant 0 : i32
      %eq3A_388 = arith.cmpi eq, %jit3A_386, %eq3A_387 : i32
      %jit3A_389 = arith.constant 1 : i32
      %select_n3A_390 = arith.select %eq3A_388, %jit3A_389, %jit3A_386 : i32
      %rem3A_391 = arith.remsi %scan3A_173, %select_n3A_390 : i32
      %ne3A_392 = arith.constant 0 : i32
      %ne3A_393 = arith.cmpi ne, %rem3A_391, %ne3A_392 : i32
      %lt3A_394 = arith.constant 0 : i32
      %lt3A_395 = arith.cmpi slt, %rem3A_391, %lt3A_394 : i32
      %lt3A_396 = arith.constant 0 : i32
      %lt3A_397 = arith.cmpi slt, %select_n3A_390, %lt3A_396 : i32
      %ne3A_398 = arith.xori %lt3A_395, %lt3A_397 : i1
      %and3A_399 = arith.andi %ne3A_398, %ne3A_393 : i1
      %add3A_400 = arith.addi %rem3A_391, %select_n3A_390 : i32
      %select_n3A_401 = arith.select %and3A_399, %add3A_400, %rem3A_391 : i32
      %eq3A_402 = arith.cmpi eq, %arg0, %select_n3A_401 : i32
      %convert_element_type3A_403 = arith.extui %eq3A_402 : i1 to i32
      %cond3A_404 = arith.constant 0 : i32
      %cond3A_405 = arith.cmpi ne, %convert_element_type3A_403, %cond3A_404 : i32
      scf.if %cond3A_405 {
        %mul3A_469 = arith.constant 5 : i32
        %mul3A_470 = arith.muli %scan3A_173, %mul3A_469 : i32
        %add3A_471 = arith.constant 3 : i32
        %add3A_472 = arith.addi %mul3A_470, %add3A_471 : i32
        %dma_start3A_473 = arith.constant 0 : i32
        %dma_start3A_474 = tpu.memref_slice %arg8[%add3A_472, %dma_start3A_473] : memref<250x80xi32, #tpu.memory_space<vmem>> -> memref<1x80xi32, #tpu.memory_space<vmem>>
        %dma_start3A_475 = tpu.memref_squeeze %dma_start3A_474 : memref<1x80xi32, #tpu.memory_space<vmem>> -> memref<80xi32, #tpu.memory_space<vmem>>
        %dma_start3A_476 = arith.constant 0 : i32
        %dma_start3A_477 = arith.constant 0 : i32
        %dma_start3A_478 = tpu.memref_slice %arg14[%dma_start3A_476, %dma_start3A_477] : memref<10240x16xf32, #tpu.memory_space<vmem_shared>> -> memref<10240x16xf32, #tpu.memory_space<vmem_shared>>
        tpu.enqueue_indirect_dma source(%arg11 : memref<80x16xf32, #tpu.memory_space<vmem>>) target(%dma_start3A_478 : memref<10240x16xf32, #tpu.memory_space<vmem_shared>>) offsets(%dma_start3A_475 : memref<80xi32, #tpu.memory_space<vmem>>) semaphore(%arg17 : memref<!tpu.dma_semaphore, #tpu.memory_space<semaphore_mem>>) {add = true}
      } else {
      }
      %mul3A_406 = arith.constant 5 : i32
      %mul3A_407 = arith.muli %scan3A_173, %mul3A_406 : i32
      %add3A_408 = arith.constant 3 : i32
      %add3A_409 = arith.addi %mul3A_407, %add3A_408 : i32
      %run_scoped3A_410 = arith.constant 3 : i32
      "tpu.region"() ({
        %run_scoped3A_469 = tpu.sem_alloc : memref<!tpu.dma_semaphore, #tpu.memory_space<semaphore_mem>>
        %dma_start3A_470 = arith.constant 0 : i32
        %dma_start3A_471 = arith.constant 0 : i32
        %dma_start3A_472 = tpu.memref_slice %arg9[%run_scoped3A_410, %dma_start3A_470, %dma_start3A_471] : memref<5x80x64xf32, #tpu.memory_space<vmem>> -> memref<1x80x64xf32, #tpu.memory_space<vmem>>
        %dma_start3A_473 = tpu.memref_squeeze %dma_start3A_472 : memref<1x80x64xf32, #tpu.memory_space<vmem>> -> memref<80x64xf32, #tpu.memory_space<vmem>>
        %dma_start3A_474 = arith.constant 0 : i32
        %dma_start3A_475 = tpu.memref_slice %arg8[%add3A_409, %dma_start3A_474] : memref<250x80xi32, #tpu.memory_space<vmem>> -> memref<1x80xi32, #tpu.memory_space<vmem>>
        %dma_start3A_476 = tpu.memref_squeeze %dma_start3A_475 : memref<1x80xi32, #tpu.memory_space<vmem>> -> memref<80xi32, #tpu.memory_space<vmem>>
        %dma_start3A_477 = arith.constant 0 : i32
        %dma_start3A_478 = arith.constant 0 : i32
        %dma_start3A_479 = tpu.memref_slice %arg13[%dma_start3A_477, %dma_start3A_478] : memref<10240x64xf32, #tpu.memory_space<vmem_shared>> -> memref<10240x64xf32, #tpu.memory_space<vmem_shared>>
        tpu.enqueue_indirect_dma source(%dma_start3A_473 : memref<80x64xf32, #tpu.memory_space<vmem>>) target(%dma_start3A_479 : memref<10240x64xf32, #tpu.memory_space<vmem_shared>>) offsets(%dma_start3A_476 : memref<80xi32, #tpu.memory_space<vmem>>) semaphore(%run_scoped3A_469 : memref<!tpu.dma_semaphore, #tpu.memory_space<semaphore_mem>>) {add = true}
        %dma_wait3A_480 = arith.constant 0 : i32
        %dma_wait3A_481 = arith.constant 0 : i32
        %dma_wait3A_482 = tpu.memref_slice %arg9[%run_scoped3A_410, %dma_wait3A_480, %dma_wait3A_481] : memref<5x80x64xf32, #tpu.memory_space<vmem>> -> memref<1x80x64xf32, #tpu.memory_space<vmem>>
        %dma_wait3A_483 = tpu.memref_squeeze %dma_wait3A_482 : memref<1x80x64xf32, #tpu.memory_space<vmem>> -> memref<80x64xf32, #tpu.memory_space<vmem>>
        %dma_wait3A_484 = arith.constant 0 : i32
        %dma_wait3A_485 = tpu.memref_slice %arg8[%add3A_409, %dma_wait3A_484] : memref<250x80xi32, #tpu.memory_space<vmem>> -> memref<1x80xi32, #tpu.memory_space<vmem>>
        %dma_wait3A_486 = tpu.memref_squeeze %dma_wait3A_485 : memref<1x80xi32, #tpu.memory_space<vmem>> -> memref<80xi32, #tpu.memory_space<vmem>>
        %dma_wait3A_487 = arith.constant 0 : i32
        %dma_wait3A_488 = arith.constant 0 : i32
        %dma_wait3A_489 = tpu.memref_slice %arg13[%dma_wait3A_487, %dma_wait3A_488] : memref<10240x64xf32, #tpu.memory_space<vmem_shared>> -> memref<10240x64xf32, #tpu.memory_space<vmem_shared>>
        tpu.wait_indirect_dma semaphore(%run_scoped3A_469 : memref<!tpu.dma_semaphore, #tpu.memory_space<semaphore_mem>>) src(%dma_wait3A_483 : memref<80x64xf32, #tpu.memory_space<vmem>>) dst(%dma_wait3A_489 : memref<10240x64xf32, #tpu.memory_space<vmem_shared>>)
        tpu.yield
      }) : () -> ()
      %dma_wait3A_411 = arith.constant 4 : i32
      %dma_wait3A_412 = arith.constant 0 : i32
      %dma_wait3A_413 = arith.constant 0 : i32
      %dma_wait3A_414 = tpu.memref_slice %arg9[%dma_wait3A_411, %dma_wait3A_412, %dma_wait3A_413] : memref<5x80x64xf32, #tpu.memory_space<vmem>> -> memref<1x80x64xf32, #tpu.memory_space<vmem>>
      %dma_wait3A_415 = tpu.memref_squeeze %dma_wait3A_414 : memref<1x80x64xf32, #tpu.memory_space<vmem>> -> memref<80x64xf32, #tpu.memory_space<vmem>>
      %dma_wait3A_416 = tpu.memref_slice %arg7[%mul3A_255] : memref<20000xi32, #tpu.memory_space<vmem>> -> memref<80xi32, #tpu.memory_space<vmem>>
      %dma_wait3A_417 = arith.constant 0 : i32
      %dma_wait3A_418 = arith.constant 0 : i32
      %dma_wait3A_419 = tpu.memref_slice %arg2[%arg0, %dma_wait3A_417, %dma_wait3A_418] : memref<2x10000x64xf32, #tpu.memory_space<hbm>> -> memref<1x10000x64xf32, #tpu.memory_space<hbm>>
      %dma_wait3A_420 = tpu.memref_squeeze %dma_wait3A_419 : memref<1x10000x64xf32, #tpu.memory_space<hbm>> -> memref<10000x64xf32, #tpu.memory_space<hbm>>
      %dma_wait3A_421 = arith.constant 0 : i32
      %dma_wait3A_422 = arith.constant 0 : i32
      %dma_wait3A_423 = tpu.memref_slice %dma_wait3A_420[%dma_wait3A_421, %dma_wait3A_422] : memref<10000x64xf32, #tpu.memory_space<hbm>> -> memref<10000x64xf32, #tpu.memory_space<hbm>>
      tpu.wait_indirect_dma semaphore(%arg15 : memref<!tpu.dma_semaphore, #tpu.memory_space<semaphore_mem>>) src(%dma_wait3A_423 : memref<10000x64xf32, #tpu.memory_space<hbm>>) dst(%dma_wait3A_415 : memref<80x64xf32, #tpu.memory_space<vmem>>)
      %jit3A_424 = arith.constant 2 : i32
      %eq3A_425 = arith.constant 0 : i32
      %eq3A_426 = arith.cmpi eq, %jit3A_424, %eq3A_425 : i32
      %jit3A_427 = arith.constant 1 : i32
      %select_n3A_428 = arith.select %eq3A_426, %jit3A_427, %jit3A_424 : i32
      %rem3A_429 = arith.remsi %scan3A_173, %select_n3A_428 : i32
      %ne3A_430 = arith.constant 0 : i32
      %ne3A_431 = arith.cmpi ne, %rem3A_429, %ne3A_430 : i32
      %lt3A_432 = arith.constant 0 : i32
      %lt3A_433 = arith.cmpi slt, %rem3A_429, %lt3A_432 : i32
      %lt3A_434 = arith.constant 0 : i32
      %lt3A_435 = arith.cmpi slt, %select_n3A_428, %lt3A_434 : i32
      %ne3A_436 = arith.xori %lt3A_433, %lt3A_435 : i1
      %and3A_437 = arith.andi %ne3A_436, %ne3A_431 : i1
      %add3A_438 = arith.addi %rem3A_429, %select_n3A_428 : i32
      %select_n3A_439 = arith.select %and3A_437, %add3A_438, %rem3A_429 : i32
      %eq3A_440 = arith.cmpi eq, %arg0, %select_n3A_439 : i32
      %convert_element_type3A_441 = arith.extui %eq3A_440 : i1 to i32
      %cond3A_442 = arith.constant 0 : i32
      %cond3A_443 = arith.cmpi ne, %convert_element_type3A_441, %cond3A_442 : i32
      scf.if %cond3A_443 {
        %mul3A_469 = arith.constant 5 : i32
        %mul3A_470 = arith.muli %scan3A_173, %mul3A_469 : i32
        %add3A_471 = arith.constant 4 : i32
        %add3A_472 = arith.addi %mul3A_470, %add3A_471 : i32
        %dma_start3A_473 = arith.constant 0 : i32
        %dma_start3A_474 = tpu.memref_slice %arg8[%add3A_472, %dma_start3A_473] : memref<250x80xi32, #tpu.memory_space<vmem>> -> memref<1x80xi32, #tpu.memory_space<vmem>>
        %dma_start3A_475 = tpu.memref_squeeze %dma_start3A_474 : memref<1x80xi32, #tpu.memory_space<vmem>> -> memref<80xi32, #tpu.memory_space<vmem>>
        %dma_start3A_476 = arith.constant 0 : i32
        %dma_start3A_477 = arith.constant 0 : i32
        %dma_start3A_478 = tpu.memref_slice %arg14[%dma_start3A_476, %dma_start3A_477] : memref<10240x16xf32, #tpu.memory_space<vmem_shared>> -> memref<10240x16xf32, #tpu.memory_space<vmem_shared>>
        tpu.enqueue_indirect_dma source(%arg11 : memref<80x16xf32, #tpu.memory_space<vmem>>) target(%dma_start3A_478 : memref<10240x16xf32, #tpu.memory_space<vmem_shared>>) offsets(%dma_start3A_475 : memref<80xi32, #tpu.memory_space<vmem>>) semaphore(%arg17 : memref<!tpu.dma_semaphore, #tpu.memory_space<semaphore_mem>>) {add = true}
      } else {
      }
      %mul3A_444 = arith.constant 5 : i32
      %mul3A_445 = arith.muli %scan3A_173, %mul3A_444 : i32
      %add3A_446 = arith.constant 4 : i32
      %add3A_447 = arith.addi %mul3A_445, %add3A_446 : i32
      %run_scoped3A_448 = arith.constant 4 : i32
      "tpu.region"() ({
        %run_scoped3A_469 = tpu.sem_alloc : memref<!tpu.dma_semaphore, #tpu.memory_space<semaphore_mem>>
        %dma_start3A_470 = arith.constant 0 : i32
        %dma_start3A_471 = arith.constant 0 : i32
        %dma_start3A_472 = tpu.memref_slice %arg9[%run_scoped3A_448, %dma_start3A_470, %dma_start3A_471] : memref<5x80x64xf32, #tpu.memory_space<vmem>> -> memref<1x80x64xf32, #tpu.memory_space<vmem>>
        %dma_start3A_473 = tpu.memref_squeeze %dma_start3A_472 : memref<1x80x64xf32, #tpu.memory_space<vmem>> -> memref<80x64xf32, #tpu.memory_space<vmem>>
        %dma_start3A_474 = arith.constant 0 : i32
        %dma_start3A_475 = tpu.memref_slice %arg8[%add3A_447, %dma_start3A_474] : memref<250x80xi32, #tpu.memory_space<vmem>> -> memref<1x80xi32, #tpu.memory_space<vmem>>
        %dma_start3A_476 = tpu.memref_squeeze %dma_start3A_475 : memref<1x80xi32, #tpu.memory_space<vmem>> -> memref<80xi32, #tpu.memory_space<vmem>>
        %dma_start3A_477 = arith.constant 0 : i32
        %dma_start3A_478 = arith.constant 0 : i32
        %dma_start3A_479 = tpu.memref_slice %arg13[%dma_start3A_477, %dma_start3A_478] : memref<10240x64xf32, #tpu.memory_space<vmem_shared>> -> memref<10240x64xf32, #tpu.memory_space<vmem_shared>>
        tpu.enqueue_indirect_dma source(%dma_start3A_473 : memref<80x64xf32, #tpu.memory_space<vmem>>) target(%dma_start3A_479 : memref<10240x64xf32, #tpu.memory_space<vmem_shared>>) offsets(%dma_start3A_476 : memref<80xi32, #tpu.memory_space<vmem>>) semaphore(%run_scoped3A_469 : memref<!tpu.dma_semaphore, #tpu.memory_space<semaphore_mem>>) {add = true}
        %dma_wait3A_480 = arith.constant 0 : i32
        %dma_wait3A_481 = arith.constant 0 : i32
        %dma_wait3A_482 = tpu.memref_slice %arg9[%run_scoped3A_448, %dma_wait3A_480, %dma_wait3A_481] : memref<5x80x64xf32, #tpu.memory_space<vmem>> -> memref<1x80x64xf32, #tpu.memory_space<vmem>>
        %dma_wait3A_483 = tpu.memref_squeeze %dma_wait3A_482 : memref<1x80x64xf32, #tpu.memory_space<vmem>> -> memref<80x64xf32, #tpu.memory_space<vmem>>
        %dma_wait3A_484 = arith.constant 0 : i32
        %dma_wait3A_485 = tpu.memref_slice %arg8[%add3A_447, %dma_wait3A_484] : memref<250x80xi32, #tpu.memory_space<vmem>> -> memref<1x80xi32, #tpu.memory_space<vmem>>
        %dma_wait3A_486 = tpu.memref_squeeze %dma_wait3A_485 : memref<1x80xi32, #tpu.memory_space<vmem>> -> memref<80xi32, #tpu.memory_space<vmem>>
        %dma_wait3A_487 = arith.constant 0 : i32
        %dma_wait3A_488 = arith.constant 0 : i32
        %dma_wait3A_489 = tpu.memref_slice %arg13[%dma_wait3A_487, %dma_wait3A_488] : memref<10240x64xf32, #tpu.memory_space<vmem_shared>> -> memref<10240x64xf32, #tpu.memory_space<vmem_shared>>
        tpu.wait_indirect_dma semaphore(%run_scoped3A_469 : memref<!tpu.dma_semaphore, #tpu.memory_space<semaphore_mem>>) src(%dma_wait3A_483 : memref<80x64xf32, #tpu.memory_space<vmem>>) dst(%dma_wait3A_489 : memref<10240x64xf32, #tpu.memory_space<vmem_shared>>)
        tpu.yield
      }) : () -> ()
      %jit3A_449 = arith.constant 2 : i32
      %eq3A_450 = arith.constant 0 : i32
      %eq3A_451 = arith.cmpi eq, %jit3A_449, %eq3A_450 : i32
      %jit3A_452 = arith.constant 1 : i32
      %select_n3A_453 = arith.select %eq3A_451, %jit3A_452, %jit3A_449 : i32
      %rem3A_454 = arith.remsi %scan3A_173, %select_n3A_453 : i32
      %ne3A_455 = arith.constant 0 : i32
      %ne3A_456 = arith.cmpi ne, %rem3A_454, %ne3A_455 : i32
      %lt3A_457 = arith.constant 0 : i32
      %lt3A_458 = arith.cmpi slt, %rem3A_454, %lt3A_457 : i32
      %lt3A_459 = arith.constant 0 : i32
      %lt3A_460 = arith.cmpi slt, %select_n3A_453, %lt3A_459 : i32
      %ne3A_461 = arith.xori %lt3A_458, %lt3A_460 : i1
      %and3A_462 = arith.andi %ne3A_461, %ne3A_456 : i1
      %add3A_463 = arith.addi %rem3A_454, %select_n3A_453 : i32
      %select_n3A_464 = arith.select %and3A_462, %add3A_463, %rem3A_454 : i32
      %eq3A_465 = arith.cmpi eq, %arg0, %select_n3A_464 : i32
      %convert_element_type3A_466 = arith.extui %eq3A_465 : i1 to i32
      %cond3A_467 = arith.constant 0 : i32
      %cond3A_468 = arith.cmpi ne, %convert_element_type3A_466, %cond3A_467 : i32
      scf.if %cond3A_468 {
        %mul3A_469 = arith.constant 5 : i32
        %mul3A_470 = arith.muli %scan3A_173, %mul3A_469 : i32
        %add3A_471 = arith.constant 0 : i32
        %add3A_472 = arith.addi %mul3A_470, %add3A_471 : i32
        %dma_wait3A_473 = arith.constant 0 : i32
        %dma_wait3A_474 = tpu.memref_slice %arg8[%add3A_472, %dma_wait3A_473] : memref<250x80xi32, #tpu.memory_space<vmem>> -> memref<1x80xi32, #tpu.memory_space<vmem>>
        %dma_wait3A_475 = tpu.memref_squeeze %dma_wait3A_474 : memref<1x80xi32, #tpu.memory_space<vmem>> -> memref<80xi32, #tpu.memory_space<vmem>>
        %dma_wait3A_476 = arith.constant 0 : i32
        %dma_wait3A_477 = arith.constant 0 : i32
        %dma_wait3A_478 = tpu.memref_slice %arg14[%dma_wait3A_476, %dma_wait3A_477] : memref<10240x16xf32, #tpu.memory_space<vmem_shared>> -> memref<10240x16xf32, #tpu.memory_space<vmem_shared>>
        tpu.wait_indirect_dma semaphore(%arg17 : memref<!tpu.dma_semaphore, #tpu.memory_space<semaphore_mem>>) src(%arg11 : memref<80x16xf32, #tpu.memory_space<vmem>>) dst(%dma_wait3A_478 : memref<10240x16xf32, #tpu.memory_space<vmem_shared>>)
        %mul3A_479 = arith.constant 5 : i32
        %mul3A_480 = arith.muli %scan3A_173, %mul3A_479 : i32
        %add3A_481 = arith.constant 1 : i32
        %add3A_482 = arith.addi %mul3A_480, %add3A_481 : i32
        %dma_wait3A_483 = arith.constant 0 : i32
        %dma_wait3A_484 = tpu.memref_slice %arg8[%add3A_482, %dma_wait3A_483] : memref<250x80xi32, #tpu.memory_space<vmem>> -> memref<1x80xi32, #tpu.memory_space<vmem>>
        %dma_wait3A_485 = tpu.memref_squeeze %dma_wait3A_484 : memref<1x80xi32, #tpu.memory_space<vmem>> -> memref<80xi32, #tpu.memory_space<vmem>>
        %dma_wait3A_486 = arith.constant 0 : i32
        %dma_wait3A_487 = arith.constant 0 : i32
        %dma_wait3A_488 = tpu.memref_slice %arg14[%dma_wait3A_486, %dma_wait3A_487] : memref<10240x16xf32, #tpu.memory_space<vmem_shared>> -> memref<10240x16xf32, #tpu.memory_space<vmem_shared>>
        tpu.wait_indirect_dma semaphore(%arg17 : memref<!tpu.dma_semaphore, #tpu.memory_space<semaphore_mem>>) src(%arg11 : memref<80x16xf32, #tpu.memory_space<vmem>>) dst(%dma_wait3A_488 : memref<10240x16xf32, #tpu.memory_space<vmem_shared>>)
        %mul3A_489 = arith.constant 5 : i32
        %mul3A_490 = arith.muli %scan3A_173, %mul3A_489 : i32
        %add3A_491 = arith.constant 2 : i32
        %add3A_492 = arith.addi %mul3A_490, %add3A_491 : i32
        %dma_wait3A_493 = arith.constant 0 : i32
        %dma_wait3A_494 = tpu.memref_slice %arg8[%add3A_492, %dma_wait3A_493] : memref<250x80xi32, #tpu.memory_space<vmem>> -> memref<1x80xi32, #tpu.memory_space<vmem>>
        %dma_wait3A_495 = tpu.memref_squeeze %dma_wait3A_494 : memref<1x80xi32, #tpu.memory_space<vmem>> -> memref<80xi32, #tpu.memory_space<vmem>>
        %dma_wait3A_496 = arith.constant 0 : i32
        %dma_wait3A_497 = arith.constant 0 : i32
        %dma_wait3A_498 = tpu.memref_slice %arg14[%dma_wait3A_496, %dma_wait3A_497] : memref<10240x16xf32, #tpu.memory_space<vmem_shared>> -> memref<10240x16xf32, #tpu.memory_space<vmem_shared>>
        tpu.wait_indirect_dma semaphore(%arg17 : memref<!tpu.dma_semaphore, #tpu.memory_space<semaphore_mem>>) src(%arg11 : memref<80x16xf32, #tpu.memory_space<vmem>>) dst(%dma_wait3A_498 : memref<10240x16xf32, #tpu.memory_space<vmem_shared>>)
        %mul3A_499 = arith.constant 5 : i32
        %mul3A_500 = arith.muli %scan3A_173, %mul3A_499 : i32
        %add3A_501 = arith.constant 3 : i32
        %add3A_502 = arith.addi %mul3A_500, %add3A_501 : i32
        %dma_wait3A_503 = arith.constant 0 : i32
        %dma_wait3A_504 = tpu.memref_slice %arg8[%add3A_502, %dma_wait3A_503] : memref<250x80xi32, #tpu.memory_space<vmem>> -> memref<1x80xi32, #tpu.memory_space<vmem>>
        %dma_wait3A_505 = tpu.memref_squeeze %dma_wait3A_504 : memref<1x80xi32, #tpu.memory_space<vmem>> -> memref<80xi32, #tpu.memory_space<vmem>>
        %dma_wait3A_506 = arith.constant 0 : i32
        %dma_wait3A_507 = arith.constant 0 : i32
        %dma_wait3A_508 = tpu.memref_slice %arg14[%dma_wait3A_506, %dma_wait3A_507] : memref<10240x16xf32, #tpu.memory_space<vmem_shared>> -> memref<10240x16xf32, #tpu.memory_space<vmem_shared>>
        tpu.wait_indirect_dma semaphore(%arg17 : memref<!tpu.dma_semaphore, #tpu.memory_space<semaphore_mem>>) src(%arg11 : memref<80x16xf32, #tpu.memory_space<vmem>>) dst(%dma_wait3A_508 : memref<10240x16xf32, #tpu.memory_space<vmem_shared>>)
        %mul3A_509 = arith.constant 5 : i32
        %mul3A_510 = arith.muli %scan3A_173, %mul3A_509 : i32
        %add3A_511 = arith.constant 4 : i32
        %add3A_512 = arith.addi %mul3A_510, %add3A_511 : i32
        %dma_wait3A_513 = arith.constant 0 : i32
        %dma_wait3A_514 = tpu.memref_slice %arg8[%add3A_512, %dma_wait3A_513] : memref<250x80xi32, #tpu.memory_space<vmem>> -> memref<1x80xi32, #tpu.memory_space<vmem>>
        %dma_wait3A_515 = tpu.memref_squeeze %dma_wait3A_514 : memref<1x80xi32, #tpu.memory_space<vmem>> -> memref<80xi32, #tpu.memory_space<vmem>>
        %dma_wait3A_516 = arith.constant 0 : i32
        %dma_wait3A_517 = arith.constant 0 : i32
        %dma_wait3A_518 = tpu.memref_slice %arg14[%dma_wait3A_516, %dma_wait3A_517] : memref<10240x16xf32, #tpu.memory_space<vmem_shared>> -> memref<10240x16xf32, #tpu.memory_space<vmem_shared>>
        tpu.wait_indirect_dma semaphore(%arg17 : memref<!tpu.dma_semaphore, #tpu.memory_space<semaphore_mem>>) src(%arg11 : memref<80x16xf32, #tpu.memory_space<vmem>>) dst(%dma_wait3A_518 : memref<10240x16xf32, #tpu.memory_space<vmem_shared>>)
      } else {
      }
    }
    %scan3A_163 = arith.constant 50 : i32
    %barrier3A_164 = arith.constant 0 : index
    tpu.barrier barrier_id(%barrier3A_164)
    %mul3A_165 = arith.constant 640 : i32
    %mul3A_166 = arith.muli %arg1, %mul3A_165 : i32
    %mul3A_167 = arith.constant 640 : i32
    %mul3A_168 = arith.muli %arg1, %mul3A_167 : i32
    "tpu.region"() ({
      %run_scoped3A = tpu.sem_alloc : memref<!tpu.dma_semaphore, #tpu.memory_space<semaphore_mem>>
      %dma_start3A_173 = arith.constant 0 : i32
      %dma_start3A_174 = tpu.memref_slice %arg5[%arg0, %mul3A_168, %dma_start3A_173] : memref<2x10240x64xf32, #tpu.memory_space<hbm>> -> memref<1x640x64xf32, #tpu.memory_space<hbm>>
      %dma_start3A_175 = tpu.memref_squeeze %dma_start3A_174 : memref<1x640x64xf32, #tpu.memory_space<hbm>> -> memref<640x64xf32, #tpu.memory_space<hbm>>
      %dma_start3A_176 = arith.constant 0 : i32
      %dma_start3A_177 = tpu.memref_slice %arg13[%mul3A_166, %dma_start3A_176] : memref<10240x64xf32, #tpu.memory_space<vmem_shared>> -> memref<640x64xf32, #tpu.memory_space<vmem_shared>>
      tpu.enqueue_dma source(%dma_start3A_177 : memref<640x64xf32, #tpu.memory_space<vmem_shared>>) target(%dma_start3A_175 : memref<640x64xf32, #tpu.memory_space<hbm>>) target_semaphore(%run_scoped3A : memref<!tpu.dma_semaphore, #tpu.memory_space<semaphore_mem>>)
      %dma_wait3A_178 = arith.constant 0 : i32
      %dma_wait3A_179 = tpu.memref_slice %arg5[%arg0, %mul3A_168, %dma_wait3A_178] : memref<2x10240x64xf32, #tpu.memory_space<hbm>> -> memref<1x640x64xf32, #tpu.memory_space<hbm>>
      %dma_wait3A_180 = tpu.memref_squeeze %dma_wait3A_179 : memref<1x640x64xf32, #tpu.memory_space<hbm>> -> memref<640x64xf32, #tpu.memory_space<hbm>>
      %dma_wait3A_181 = arith.constant 0 : i32
      %dma_wait3A_182 = tpu.memref_slice %arg13[%mul3A_166, %dma_wait3A_181] : memref<10240x64xf32, #tpu.memory_space<vmem_shared>> -> memref<640x64xf32, #tpu.memory_space<vmem_shared>>
      tpu.wait_dma2 semaphore(%run_scoped3A : memref<!tpu.dma_semaphore, #tpu.memory_space<semaphore_mem>>) src(%dma_wait3A_182 : memref<640x64xf32, #tpu.memory_space<vmem_shared>>) dst(%dma_wait3A_180 : memref<640x64xf32, #tpu.memory_space<hbm>>)
      tpu.yield
    }) : () -> ()
    %mul3A_169 = arith.constant 640 : i32
    %mul3A_170 = arith.muli %arg1, %mul3A_169 : i32
    %mul3A_171 = arith.constant 640 : i32
    %mul3A_172 = arith.muli %arg1, %mul3A_171 : i32
    "tpu.region"() ({
      %run_scoped3A = tpu.sem_alloc : memref<!tpu.dma_semaphore, #tpu.memory_space<semaphore_mem>>
      %dma_start3A_173 = arith.constant 0 : i32
      %dma_start3A_174 = tpu.memref_slice %arg6[%arg0, %mul3A_172, %dma_start3A_173] : memref<2x10240x16xf32, #tpu.memory_space<hbm>> -> memref<1x640x16xf32, #tpu.memory_space<hbm>>
      %dma_start3A_175 = tpu.memref_squeeze %dma_start3A_174 : memref<1x640x16xf32, #tpu.memory_space<hbm>> -> memref<640x16xf32, #tpu.memory_space<hbm>>
      %dma_start3A_176 = arith.constant 0 : i32
      %dma_start3A_177 = tpu.memref_slice %arg14[%mul3A_170, %dma_start3A_176] : memref<10240x16xf32, #tpu.memory_space<vmem_shared>> -> memref<640x16xf32, #tpu.memory_space<vmem_shared>>
      tpu.enqueue_dma source(%dma_start3A_177 : memref<640x16xf32, #tpu.memory_space<vmem_shared>>) target(%dma_start3A_175 : memref<640x16xf32, #tpu.memory_space<hbm>>) target_semaphore(%run_scoped3A : memref<!tpu.dma_semaphore, #tpu.memory_space<semaphore_mem>>)
      %dma_wait3A_178 = arith.constant 0 : i32
      %dma_wait3A_179 = tpu.memref_slice %arg6[%arg0, %mul3A_172, %dma_wait3A_178] : memref<2x10240x16xf32, #tpu.memory_space<hbm>> -> memref<1x640x16xf32, #tpu.memory_space<hbm>>
      %dma_wait3A_180 = tpu.memref_squeeze %dma_wait3A_179 : memref<1x640x16xf32, #tpu.memory_space<hbm>> -> memref<640x16xf32, #tpu.memory_space<hbm>>
      %dma_wait3A_181 = arith.constant 0 : i32
      %dma_wait3A_182 = tpu.memref_slice %arg14[%mul3A_170, %dma_wait3A_181] : memref<10240x16xf32, #tpu.memory_space<vmem_shared>> -> memref<640x16xf32, #tpu.memory_space<vmem_shared>>
      tpu.wait_dma2 semaphore(%run_scoped3A : memref<!tpu.dma_semaphore, #tpu.memory_space<semaphore_mem>>) src(%dma_wait3A_182 : memref<640x16xf32, #tpu.memory_space<vmem_shared>>) dst(%dma_wait3A_180 : memref<640x16xf32, #tpu.memory_space<hbm>>)
      tpu.yield
    }) : () -> ()
    return
  }
}

#map = affine_map<(d0, d1) -> (0, 0, 0)>
#map1 = affine_map<(d0, d1) -> (0)>
module attributes {stable_mosaic.version = 14 : i64} {
  func.func @body(%arg0: i32, %arg1: i32, %arg2: memref<2x10000x64xf32, #tpu.memory_space<hbm>>, %arg3: memref<320000xi32, #tpu.memory_space<hbm>>, %arg4: memref<16x250x80xi32, #tpu.memory_space<hbm>>, %arg5: memref<2x10240x64xf32, #tpu.memory_space<hbm>>, %arg6: memref<20000xi32, #tpu.memory_space<vmem>>, %arg7: memref<250x80xi32, #tpu.memory_space<vmem>>, %arg8: memref<5x80x64xf32, #tpu.memory_space<vmem>>, %arg9: memref<128x64xf32, #tpu.memory_space<vmem>>, %arg10: memref<80x16xf32, #tpu.memory_space<vmem>>, %arg11: memref<128x16xf32, #tpu.memory_space<vmem>>, %arg12: memref<10240x64xf32, #tpu.memory_space<vmem_shared>>, %arg13: memref<10240x16xf32, #tpu.memory_space<vmem_shared>>, %arg14: memref<!tpu.dma_semaphore, #tpu.memory_space<semaphore_mem>>, %arg15: memref<!tpu.dma_semaphore, #tpu.memory_space<semaphore_mem>>, %arg16: memref<!tpu.dma_semaphore, #tpu.memory_space<semaphore_mem>>) attributes {dimension_semantics = [#tpu.dimension_semantics<core_parallel>, #tpu.dimension_semantics<subcore_parallel>], iteration_bounds = array<i64: 2, 16>, scalar_prefetch = 0 : i64, scratch_operands = 11 : i64, tpu.core_type = #tpu.core_type<sc_vector_subcore>, window_params = [{transform_indices = #map}, {transform_indices = #map1}, {transform_indices = #map}, {transform_indices = #map}]} {
    %broadcast_in_dim3A = arith.constant 0.000000e+00 : f32
    %broadcast_in_dim3A_0 = vector.broadcast %broadcast_in_dim3A : f32 to vector<16xf32>
    %broadcast_in_dim3A_1 = arith.constant 1.000000e+00 : f32
    %broadcast_in_dim3A_2 = vector.broadcast %broadcast_in_dim3A_1 : f32 to vector<16xf32>
    %mul3A = arith.constant 20000 : i32
    %mul3A_3 = arith.muli %arg1, %mul3A : i32
    %dma_start3A = tpu.memref_slice %arg3[%mul3A_3] : memref<320000xi32, #tpu.memory_space<hbm>> -> memref<20000xi32, #tpu.memory_space<hbm>>
    %dma_start3A_4 = tpu.memref_slice %arg3[%mul3A_3] : memref<320000xi32, #tpu.memory_space<hbm>> -> memref<20000xi32, #tpu.memory_space<hbm>>
    tpu.enqueue_dma source(%dma_start3A_4 : memref<20000xi32, #tpu.memory_space<hbm>>) target(%arg6 : memref<20000xi32, #tpu.memory_space<vmem>>) target_semaphore(%arg14 : memref<!tpu.dma_semaphore, #tpu.memory_space<semaphore_mem>>)
    %dma_start3A_5 = arith.constant 0 : i32
    %dma_start3A_6 = arith.constant 0 : i32
    %dma_start3A_7 = tpu.memref_slice %arg4[%arg1, %dma_start3A_5, %dma_start3A_6] : memref<16x250x80xi32, #tpu.memory_space<hbm>> -> memref<1x250x80xi32, #tpu.memory_space<hbm>>
    %dma_start3A_8 = tpu.memref_squeeze %dma_start3A_7 : memref<1x250x80xi32, #tpu.memory_space<hbm>> -> memref<250x80xi32, #tpu.memory_space<hbm>>
    %dma_start3A_9 = arith.constant 0 : i32
    %dma_start3A_10 = arith.constant 0 : i32
    %dma_start3A_11 = tpu.memref_slice %arg4[%arg1, %dma_start3A_9, %dma_start3A_10] : memref<16x250x80xi32, #tpu.memory_space<hbm>> -> memref<1x250x80xi32, #tpu.memory_space<hbm>>
    %dma_start3A_12 = tpu.memref_squeeze %dma_start3A_11 : memref<1x250x80xi32, #tpu.memory_space<hbm>> -> memref<250x80xi32, #tpu.memory_space<hbm>>
    tpu.enqueue_dma source(%dma_start3A_12 : memref<250x80xi32, #tpu.memory_space<hbm>>) target(%arg7 : memref<250x80xi32, #tpu.memory_space<vmem>>) target_semaphore(%arg14 : memref<!tpu.dma_semaphore, #tpu.memory_space<semaphore_mem>>)
    %scan3A = arith.constant 0 : i32
    %scan3A_13 = arith.constant 0 : i32
    %scan3A_14 = arith.constant 128 : i32
    %scan3A_15 = arith.addi %scan3A_13, %scan3A_14 : i32
    %scan3A_16 = arith.constant 1 : i32
    scf.for %scan3A_97 = %scan3A_13 to %scan3A_15 step %scan3A_16  : i32 {
      %swap3A = arith.index_cast %scan3A_97 : i32 to index
      %swap3A_98 = arith.constant 0 : index
      %swap3A_99 = tpu.vector_load %arg9[%swap3A, %swap3A_98] {strides = array<i32>} : memref<128x64xf32, #tpu.memory_space<vmem>>, vector<1x16xf32>,
      %swap3A_100 = vector.shape_cast %swap3A_99 : vector<1x16xf32> to vector<16xf32>
      %swap3A_101 = vector.shape_cast %broadcast_in_dim3A_0 : vector<16xf32> to vector<1x16xf32>
      tpu.vector_store %arg9[%swap3A, %swap3A_98], %swap3A_101 {strides = array<i32>} : memref<128x64xf32, #tpu.memory_space<vmem>>, vector<1x16xf32>,
      %swap3A_102 = arith.index_cast %scan3A_97 : i32 to index
      %swap3A_103 = arith.constant 16 : index
      %swap3A_104 = tpu.vector_load %arg9[%swap3A_102, %swap3A_103] {strides = array<i32>} : memref<128x64xf32, #tpu.memory_space<vmem>>, vector<1x16xf32>,
      %swap3A_105 = vector.shape_cast %swap3A_104 : vector<1x16xf32> to vector<16xf32>
      %swap3A_106 = vector.shape_cast %broadcast_in_dim3A_0 : vector<16xf32> to vector<1x16xf32>
      tpu.vector_store %arg9[%swap3A_102, %swap3A_103], %swap3A_106 {strides = array<i32>} : memref<128x64xf32, #tpu.memory_space<vmem>>, vector<1x16xf32>,
      %swap3A_107 = arith.index_cast %scan3A_97 : i32 to index
      %swap3A_108 = arith.constant 32 : index
      %swap3A_109 = tpu.vector_load %arg9[%swap3A_107, %swap3A_108] {strides = array<i32>} : memref<128x64xf32, #tpu.memory_space<vmem>>, vector<1x16xf32>,
      %swap3A_110 = vector.shape_cast %swap3A_109 : vector<1x16xf32> to vector<16xf32>
      %swap3A_111 = vector.shape_cast %broadcast_in_dim3A_0 : vector<16xf32> to vector<1x16xf32>
      tpu.vector_store %arg9[%swap3A_107, %swap3A_108], %swap3A_111 {strides = array<i32>} : memref<128x64xf32, #tpu.memory_space<vmem>>, vector<1x16xf32>,
      %swap3A_112 = arith.index_cast %scan3A_97 : i32 to index
      %swap3A_113 = arith.constant 48 : index
      %swap3A_114 = tpu.vector_load %arg9[%swap3A_112, %swap3A_113] {strides = array<i32>} : memref<128x64xf32, #tpu.memory_space<vmem>>, vector<1x16xf32>,
      %swap3A_115 = vector.shape_cast %swap3A_114 : vector<1x16xf32> to vector<16xf32>
      %swap3A_116 = vector.shape_cast %broadcast_in_dim3A_0 : vector<16xf32> to vector<1x16xf32>
      tpu.vector_store %arg9[%swap3A_112, %swap3A_113], %swap3A_116 {strides = array<i32>} : memref<128x64xf32, #tpu.memory_space<vmem>>, vector<1x16xf32>,
    }
    %scan3A_17 = arith.constant 128 : i32
    %mul3A_18 = arith.constant 640 : i32
    %mul3A_19 = arith.muli %arg1, %mul3A_18 : i32
    %add3A = arith.constant 0 : i32
    %add3A_20 = arith.addi %mul3A_19, %add3A : i32
    %dma_start3A_21 = arith.constant 0 : i32
    %dma_start3A_22 = tpu.memref_slice %arg12[%add3A_20, %dma_start3A_21] : memref<10240x64xf32, #tpu.memory_space<vmem_shared>> -> memref<128x64xf32, #tpu.memory_space<vmem_shared>>
    %dma_start3A_23 = arith.constant 0 : i32
    %dma_start3A_24 = tpu.memref_slice %arg12[%add3A_20, %dma_start3A_23] : memref<10240x64xf32, #tpu.memory_space<vmem_shared>> -> memref<128x64xf32, #tpu.memory_space<vmem_shared>>
    tpu.enqueue_dma source(%arg9 : memref<128x64xf32, #tpu.memory_space<vmem>>) target(%dma_start3A_24 : memref<128x64xf32, #tpu.memory_space<vmem_shared>>) target_semaphore(%arg15 : memref<!tpu.dma_semaphore, #tpu.memory_space<semaphore_mem>>)
    %mul3A_25 = arith.constant 640 : i32
    %mul3A_26 = arith.muli %arg1, %mul3A_25 : i32
    %add3A_27 = arith.constant 128 : i32
    %add3A_28 = arith.addi %mul3A_26, %add3A_27 : i32
    %dma_start3A_29 = arith.constant 0 : i32
    %dma_start3A_30 = tpu.memref_slice %arg12[%add3A_28, %dma_start3A_29] : memref<10240x64xf32, #tpu.memory_space<vmem_shared>> -> memref<128x64xf32, #tpu.memory_space<vmem_shared>>
    %dma_start3A_31 = arith.constant 0 : i32
    %dma_start3A_32 = tpu.memref_slice %arg12[%add3A_28, %dma_start3A_31] : memref<10240x64xf32, #tpu.memory_space<vmem_shared>> -> memref<128x64xf32, #tpu.memory_space<vmem_shared>>
    tpu.enqueue_dma source(%arg9 : memref<128x64xf32, #tpu.memory_space<vmem>>) target(%dma_start3A_32 : memref<128x64xf32, #tpu.memory_space<vmem_shared>>) target_semaphore(%arg15 : memref<!tpu.dma_semaphore, #tpu.memory_space<semaphore_mem>>)
    %mul3A_33 = arith.constant 640 : i32
    %mul3A_34 = arith.muli %arg1, %mul3A_33 : i32
    %add3A_35 = arith.constant 256 : i32
    %add3A_36 = arith.addi %mul3A_34, %add3A_35 : i32
    %dma_start3A_37 = arith.constant 0 : i32
    %dma_start3A_38 = tpu.memref_slice %arg12[%add3A_36, %dma_start3A_37] : memref<10240x64xf32, #tpu.memory_space<vmem_shared>> -> memref<128x64xf32, #tpu.memory_space<vmem_shared>>
    %dma_start3A_39 = arith.constant 0 : i32
    %dma_start3A_40 = tpu.memref_slice %arg12[%add3A_36, %dma_start3A_39] : memref<10240x64xf32, #tpu.memory_space<vmem_shared>> -> memref<128x64xf32, #tpu.memory_space<vmem_shared>>
    tpu.enqueue_dma source(%arg9 : memref<128x64xf32, #tpu.memory_space<vmem>>) target(%dma_start3A_40 : memref<128x64xf32, #tpu.memory_space<vmem_shared>>) target_semaphore(%arg15 : memref<!tpu.dma_semaphore, #tpu.memory_space<semaphore_mem>>)
    %mul3A_41 = arith.constant 640 : i32
    %mul3A_42 = arith.muli %arg1, %mul3A_41 : i32
    %add3A_43 = arith.constant 384 : i32
    %add3A_44 = arith.addi %mul3A_42, %add3A_43 : i32
    %dma_start3A_45 = arith.constant 0 : i32
    %dma_start3A_46 = tpu.memref_slice %arg12[%add3A_44, %dma_start3A_45] : memref<10240x64xf32, #tpu.memory_space<vmem_shared>> -> memref<128x64xf32, #tpu.memory_space<vmem_shared>>
    %dma_start3A_47 = arith.constant 0 : i32
    %dma_start3A_48 = tpu.memref_slice %arg12[%add3A_44, %dma_start3A_47] : memref<10240x64xf32, #tpu.memory_space<vmem_shared>> -> memref<128x64xf32, #tpu.memory_space<vmem_shared>>
    tpu.enqueue_dma source(%arg9 : memref<128x64xf32, #tpu.memory_space<vmem>>) target(%dma_start3A_48 : memref<128x64xf32, #tpu.memory_space<vmem_shared>>) target_semaphore(%arg15 : memref<!tpu.dma_semaphore, #tpu.memory_space<semaphore_mem>>)
    %mul3A_49 = arith.constant 640 : i32
    %mul3A_50 = arith.muli %arg1, %mul3A_49 : i32
    %add3A_51 = arith.constant 512 : i32
    %add3A_52 = arith.addi %mul3A_50, %add3A_51 : i32
    %dma_start3A_53 = arith.constant 0 : i32
    %dma_start3A_54 = tpu.memref_slice %arg12[%add3A_52, %dma_start3A_53] : memref<10240x64xf32, #tpu.memory_space<vmem_shared>> -> memref<128x64xf32, #tpu.memory_space<vmem_shared>>
    %dma_start3A_55 = arith.constant 0 : i32
    %dma_start3A_56 = tpu.memref_slice %arg12[%add3A_52, %dma_start3A_55] : memref<10240x64xf32, #tpu.memory_space<vmem_shared>> -> memref<128x64xf32, #tpu.memory_space<vmem_shared>>
    tpu.enqueue_dma source(%arg9 : memref<128x64xf32, #tpu.memory_space<vmem>>) target(%dma_start3A_56 : memref<128x64xf32, #tpu.memory_space<vmem_shared>>) target_semaphore(%arg15 : memref<!tpu.dma_semaphore, #tpu.memory_space<semaphore_mem>>)
    %dma_wait3A = tpu.memref_slice %arg3[%mul3A_3] : memref<320000xi32, #tpu.memory_space<hbm>> -> memref<20000xi32, #tpu.memory_space<hbm>>
    %dma_wait3A_57 = tpu.memref_slice %arg3[%mul3A_3] : memref<320000xi32, #tpu.memory_space<hbm>> -> memref<20000xi32, #tpu.memory_space<hbm>>
    tpu.wait_dma2 semaphore(%arg14 : memref<!tpu.dma_semaphore, #tpu.memory_space<semaphore_mem>>) src(%dma_wait3A_57 : memref<20000xi32, #tpu.memory_space<hbm>>) dst(%arg6 : memref<20000xi32, #tpu.memory_space<vmem>>)
    %dma_wait3A_58 = arith.constant 0 : i32
    %dma_wait3A_59 = arith.constant 0 : i32
    %dma_wait3A_60 = tpu.memref_slice %arg4[%arg1, %dma_wait3A_58, %dma_wait3A_59] : memref<16x250x80xi32, #tpu.memory_space<hbm>> -> memref<1x250x80xi32, #tpu.memory_space<hbm>>
    %dma_wait3A_61 = tpu.memref_squeeze %dma_wait3A_60 : memref<1x250x80xi32, #tpu.memory_space<hbm>> -> memref<250x80xi32, #tpu.memory_space<hbm>>
    %dma_wait3A_62 = arith.constant 0 : i32
    %dma_wait3A_63 = arith.constant 0 : i32
    %dma_wait3A_64 = tpu.memref_slice %arg4[%arg1, %dma_wait3A_62, %dma_wait3A_63] : memref<16x250x80xi32, #tpu.memory_space<hbm>> -> memref<1x250x80xi32, #tpu.memory_space<hbm>>
    %dma_wait3A_65 = tpu.memref_squeeze %dma_wait3A_64 : memref<1x250x80xi32, #tpu.memory_space<hbm>> -> memref<250x80xi32, #tpu.memory_space<hbm>>
    tpu.wait_dma2 semaphore(%arg14 : memref<!tpu.dma_semaphore, #tpu.memory_space<semaphore_mem>>) src(%dma_wait3A_65 : memref<250x80xi32, #tpu.memory_space<hbm>>) dst(%arg7 : memref<250x80xi32, #tpu.memory_space<vmem>>)
    %dma_wait3A_66 = arith.constant 0 : i32
    %dma_wait3A_67 = tpu.memref_slice %arg12[%add3A_20, %dma_wait3A_66] : memref<10240x64xf32, #tpu.memory_space<vmem_shared>> -> memref<128x64xf32, #tpu.memory_space<vmem_shared>>
    %dma_wait3A_68 = arith.constant 0 : i32
    %dma_wait3A_69 = tpu.memref_slice %arg12[%add3A_20, %dma_wait3A_68] : memref<10240x64xf32, #tpu.memory_space<vmem_shared>> -> memref<128x64xf32, #tpu.memory_space<vmem_shared>>
    tpu.wait_dma2 semaphore(%arg15 : memref<!tpu.dma_semaphore, #tpu.memory_space<semaphore_mem>>) src(%arg9 : memref<128x64xf32, #tpu.memory_space<vmem>>) dst(%dma_wait3A_69 : memref<128x64xf32, #tpu.memory_space<vmem_shared>>)
    %dma_wait3A_70 = arith.constant 0 : i32
    %dma_wait3A_71 = tpu.memref_slice %arg12[%add3A_28, %dma_wait3A_70] : memref<10240x64xf32, #tpu.memory_space<vmem_shared>> -> memref<128x64xf32, #tpu.memory_space<vmem_shared>>
    %dma_wait3A_72 = arith.constant 0 : i32
    %dma_wait3A_73 = tpu.memref_slice %arg12[%add3A_28, %dma_wait3A_72] : memref<10240x64xf32, #tpu.memory_space<vmem_shared>> -> memref<128x64xf32, #tpu.memory_space<vmem_shared>>
    tpu.wait_dma2 semaphore(%arg15 : memref<!tpu.dma_semaphore, #tpu.memory_space<semaphore_mem>>) src(%arg9 : memref<128x64xf32, #tpu.memory_space<vmem>>) dst(%dma_wait3A_73 : memref<128x64xf32, #tpu.memory_space<vmem_shared>>)
    %dma_wait3A_74 = arith.constant 0 : i32
    %dma_wait3A_75 = tpu.memref_slice %arg12[%add3A_36, %dma_wait3A_74] : memref<10240x64xf32, #tpu.memory_space<vmem_shared>> -> memref<128x64xf32, #tpu.memory_space<vmem_shared>>
    %dma_wait3A_76 = arith.constant 0 : i32
    %dma_wait3A_77 = tpu.memref_slice %arg12[%add3A_36, %dma_wait3A_76] : memref<10240x64xf32, #tpu.memory_space<vmem_shared>> -> memref<128x64xf32, #tpu.memory_space<vmem_shared>>
    tpu.wait_dma2 semaphore(%arg15 : memref<!tpu.dma_semaphore, #tpu.memory_space<semaphore_mem>>) src(%arg9 : memref<128x64xf32, #tpu.memory_space<vmem>>) dst(%dma_wait3A_77 : memref<128x64xf32, #tpu.memory_space<vmem_shared>>)
    %dma_wait3A_78 = arith.constant 0 : i32
    %dma_wait3A_79 = tpu.memref_slice %arg12[%add3A_44, %dma_wait3A_78] : memref<10240x64xf32, #tpu.memory_space<vmem_shared>> -> memref<128x64xf32, #tpu.memory_space<vmem_shared>>
    %dma_wait3A_80 = arith.constant 0 : i32
    %dma_wait3A_81 = tpu.memref_slice %arg12[%add3A_44, %dma_wait3A_80] : memref<10240x64xf32, #tpu.memory_space<vmem_shared>> -> memref<128x64xf32, #tpu.memory_space<vmem_shared>>
    tpu.wait_dma2 semaphore(%arg15 : memref<!tpu.dma_semaphore, #tpu.memory_space<semaphore_mem>>) src(%arg9 : memref<128x64xf32, #tpu.memory_space<vmem>>) dst(%dma_wait3A_81 : memref<128x64xf32, #tpu.memory_space<vmem_shared>>)
    %dma_wait3A_82 = arith.constant 0 : i32
    %dma_wait3A_83 = tpu.memref_slice %arg12[%add3A_52, %dma_wait3A_82] : memref<10240x64xf32, #tpu.memory_space<vmem_shared>> -> memref<128x64xf32, #tpu.memory_space<vmem_shared>>
    %dma_wait3A_84 = arith.constant 0 : i32
    %dma_wait3A_85 = tpu.memref_slice %arg12[%add3A_52, %dma_wait3A_84] : memref<10240x64xf32, #tpu.memory_space<vmem_shared>> -> memref<128x64xf32, #tpu.memory_space<vmem_shared>>
    tpu.wait_dma2 semaphore(%arg15 : memref<!tpu.dma_semaphore, #tpu.memory_space<semaphore_mem>>) src(%arg9 : memref<128x64xf32, #tpu.memory_space<vmem>>) dst(%dma_wait3A_85 : memref<128x64xf32, #tpu.memory_space<vmem_shared>>)
    %barrier3A = arith.constant 0 : index
    tpu.barrier barrier_id(%barrier3A)
    %scan3A_86 = arith.constant 0 : i32
    %scan3A_87 = arith.constant 0 : i32
    %scan3A_88 = arith.constant 50 : i32
    %scan3A_89 = arith.addi %scan3A_87, %scan3A_88 : i32
    %scan3A_90 = arith.constant 1 : i32
    scf.for %scan3A_97 = %scan3A_87 to %scan3A_89 step %scan3A_90  : i32 {
      %mul3A_98 = arith.constant 5 : i32
      %mul3A_99 = arith.muli %scan3A_97, %mul3A_98 : i32
      %add3A_100 = arith.constant 0 : i32
      %add3A_101 = arith.addi %mul3A_99, %add3A_100 : i32
      %mul3A_102 = arith.constant 80 : i32
      %mul3A_103 = arith.muli %add3A_101, %mul3A_102 : i32
      %dma_start3A_104 = arith.constant 0 : i32
      %dma_start3A_105 = arith.constant 0 : i32
      %dma_start3A_106 = arith.constant 0 : i32
      %dma_start3A_107 = tpu.memref_slice %arg8[%dma_start3A_104, %dma_start3A_105, %dma_start3A_106] : memref<5x80x64xf32, #tpu.memory_space<vmem>> -> memref<1x80x64xf32, #tpu.memory_space<vmem>>
      %dma_start3A_108 = tpu.memref_squeeze %dma_start3A_107 : memref<1x80x64xf32, #tpu.memory_space<vmem>> -> memref<80x64xf32, #tpu.memory_space<vmem>>
      %dma_start3A_109 = tpu.memref_slice %arg6[%mul3A_103] : memref<20000xi32, #tpu.memory_space<vmem>> -> memref<80xi32, #tpu.memory_space<vmem>>
      %dma_start3A_110 = arith.constant 0 : i32
      %dma_start3A_111 = arith.constant 0 : i32
      %dma_start3A_112 = tpu.memref_slice %arg2[%arg0, %dma_start3A_110, %dma_start3A_111] : memref<2x10000x64xf32, #tpu.memory_space<hbm>> -> memref<1x10000x64xf32, #tpu.memory_space<hbm>>
      %dma_start3A_113 = tpu.memref_squeeze %dma_start3A_112 : memref<1x10000x64xf32, #tpu.memory_space<hbm>> -> memref<10000x64xf32, #tpu.memory_space<hbm>>
      %dma_start3A_114 = arith.constant 0 : i32
      %dma_start3A_115 = arith.constant 0 : i32
      %dma_start3A_116 = tpu.memref_slice %dma_start3A_113[%dma_start3A_114, %dma_start3A_115] : memref<10000x64xf32, #tpu.memory_space<hbm>> -> memref<10000x64xf32, #tpu.memory_space<hbm>>
      tpu.enqueue_indirect_dma source(%dma_start3A_116 : memref<10000x64xf32, #tpu.memory_space<hbm>>) target(%dma_start3A_108 : memref<80x64xf32, #tpu.memory_space<vmem>>) offsets(%dma_start3A_109 : memref<80xi32, #tpu.memory_space<vmem>>) semaphore(%arg14 : memref<!tpu.dma_semaphore, #tpu.memory_space<semaphore_mem>>)
      %mul3A_117 = arith.constant 5 : i32
      %mul3A_118 = arith.muli %scan3A_97, %mul3A_117 : i32
      %add3A_119 = arith.constant 1 : i32
      %add3A_120 = arith.addi %mul3A_118, %add3A_119 : i32
      %mul3A_121 = arith.constant 80 : i32
      %mul3A_122 = arith.muli %add3A_120, %mul3A_121 : i32
      %dma_start3A_123 = arith.constant 1 : i32
      %dma_start3A_124 = arith.constant 0 : i32
      %dma_start3A_125 = arith.constant 0 : i32
      %dma_start3A_126 = tpu.memref_slice %arg8[%dma_start3A_123, %dma_start3A_124, %dma_start3A_125] : memref<5x80x64xf32, #tpu.memory_space<vmem>> -> memref<1x80x64xf32, #tpu.memory_space<vmem>>
      %dma_start3A_127 = tpu.memref_squeeze %dma_start3A_126 : memref<1x80x64xf32, #tpu.memory_space<vmem>> -> memref<80x64xf32, #tpu.memory_space<vmem>>
      %dma_start3A_128 = tpu.memref_slice %arg6[%mul3A_122] : memref<20000xi32, #tpu.memory_space<vmem>> -> memref<80xi32, #tpu.memory_space<vmem>>
      %dma_start3A_129 = arith.constant 0 : i32
      %dma_start3A_130 = arith.constant 0 : i32
      %dma_start3A_131 = tpu.memref_slice %arg2[%arg0, %dma_start3A_129, %dma_start3A_130] : memref<2x10000x64xf32, #tpu.memory_space<hbm>> -> memref<1x10000x64xf32, #tpu.memory_space<hbm>>
      %dma_start3A_132 = tpu.memref_squeeze %dma_start3A_131 : memref<1x10000x64xf32, #tpu.memory_space<hbm>> -> memref<10000x64xf32, #tpu.memory_space<hbm>>
      %dma_start3A_133 = arith.constant 0 : i32
      %dma_start3A_134 = arith.constant 0 : i32
      %dma_start3A_135 = tpu.memref_slice %dma_start3A_132[%dma_start3A_133, %dma_start3A_134] : memref<10000x64xf32, #tpu.memory_space<hbm>> -> memref<10000x64xf32, #tpu.memory_space<hbm>>
      tpu.enqueue_indirect_dma source(%dma_start3A_135 : memref<10000x64xf32, #tpu.memory_space<hbm>>) target(%dma_start3A_127 : memref<80x64xf32, #tpu.memory_space<vmem>>) offsets(%dma_start3A_128 : memref<80xi32, #tpu.memory_space<vmem>>) semaphore(%arg14 : memref<!tpu.dma_semaphore, #tpu.memory_space<semaphore_mem>>)
      %mul3A_136 = arith.constant 5 : i32
      %mul3A_137 = arith.muli %scan3A_97, %mul3A_136 : i32
      %add3A_138 = arith.constant 2 : i32
      %add3A_139 = arith.addi %mul3A_137, %add3A_138 : i32
      %mul3A_140 = arith.constant 80 : i32
      %mul3A_141 = arith.muli %add3A_139, %mul3A_140 : i32
      %dma_start3A_142 = arith.constant 2 : i32
      %dma_start3A_143 = arith.constant 0 : i32
      %dma_start3A_144 = arith.constant 0 : i32
      %dma_start3A_145 = tpu.memref_slice %arg8[%dma_start3A_142, %dma_start3A_143, %dma_start3A_144] : memref<5x80x64xf32, #tpu.memory_space<vmem>> -> memref<1x80x64xf32, #tpu.memory_space<vmem>>
      %dma_start3A_146 = tpu.memref_squeeze %dma_start3A_145 : memref<1x80x64xf32, #tpu.memory_space<vmem>> -> memref<80x64xf32, #tpu.memory_space<vmem>>
      %dma_start3A_147 = tpu.memref_slice %arg6[%mul3A_141] : memref<20000xi32, #tpu.memory_space<vmem>> -> memref<80xi32, #tpu.memory_space<vmem>>
      %dma_start3A_148 = arith.constant 0 : i32
      %dma_start3A_149 = arith.constant 0 : i32
      %dma_start3A_150 = tpu.memref_slice %arg2[%arg0, %dma_start3A_148, %dma_start3A_149] : memref<2x10000x64xf32, #tpu.memory_space<hbm>> -> memref<1x10000x64xf32, #tpu.memory_space<hbm>>
      %dma_start3A_151 = tpu.memref_squeeze %dma_start3A_150 : memref<1x10000x64xf32, #tpu.memory_space<hbm>> -> memref<10000x64xf32, #tpu.memory_space<hbm>>
      %dma_start3A_152 = arith.constant 0 : i32
      %dma_start3A_153 = arith.constant 0 : i32
      %dma_start3A_154 = tpu.memref_slice %dma_start3A_151[%dma_start3A_152, %dma_start3A_153] : memref<10000x64xf32, #tpu.memory_space<hbm>> -> memref<10000x64xf32, #tpu.memory_space<hbm>>
      tpu.enqueue_indirect_dma source(%dma_start3A_154 : memref<10000x64xf32, #tpu.memory_space<hbm>>) target(%dma_start3A_146 : memref<80x64xf32, #tpu.memory_space<vmem>>) offsets(%dma_start3A_147 : memref<80xi32, #tpu.memory_space<vmem>>) semaphore(%arg14 : memref<!tpu.dma_semaphore, #tpu.memory_space<semaphore_mem>>)
      %mul3A_155 = arith.constant 5 : i32
      %mul3A_156 = arith.muli %scan3A_97, %mul3A_155 : i32
      %add3A_157 = arith.constant 3 : i32
      %add3A_158 = arith.addi %mul3A_156, %add3A_157 : i32
      %mul3A_159 = arith.constant 80 : i32
      %mul3A_160 = arith.muli %add3A_158, %mul3A_159 : i32
      %dma_start3A_161 = arith.constant 3 : i32
      %dma_start3A_162 = arith.constant 0 : i32
      %dma_start3A_163 = arith.constant 0 : i32
      %dma_start3A_164 = tpu.memref_slice %arg8[%dma_start3A_161, %dma_start3A_162, %dma_start3A_163] : memref<5x80x64xf32, #tpu.memory_space<vmem>> -> memref<1x80x64xf32, #tpu.memory_space<vmem>>
      %dma_start3A_165 = tpu.memref_squeeze %dma_start3A_164 : memref<1x80x64xf32, #tpu.memory_space<vmem>> -> memref<80x64xf32, #tpu.memory_space<vmem>>
      %dma_start3A_166 = tpu.memref_slice %arg6[%mul3A_160] : memref<20000xi32, #tpu.memory_space<vmem>> -> memref<80xi32, #tpu.memory_space<vmem>>
      %dma_start3A_167 = arith.constant 0 : i32
      %dma_start3A_168 = arith.constant 0 : i32
      %dma_start3A_169 = tpu.memref_slice %arg2[%arg0, %dma_start3A_167, %dma_start3A_168] : memref<2x10000x64xf32, #tpu.memory_space<hbm>> -> memref<1x10000x64xf32, #tpu.memory_space<hbm>>
      %dma_start3A_170 = tpu.memref_squeeze %dma_start3A_169 : memref<1x10000x64xf32, #tpu.memory_space<hbm>> -> memref<10000x64xf32, #tpu.memory_space<hbm>>
      %dma_start3A_171 = arith.constant 0 : i32
      %dma_start3A_172 = arith.constant 0 : i32
      %dma_start3A_173 = tpu.memref_slice %dma_start3A_170[%dma_start3A_171, %dma_start3A_172] : memref<10000x64xf32, #tpu.memory_space<hbm>> -> memref<10000x64xf32, #tpu.memory_space<hbm>>
      tpu.enqueue_indirect_dma source(%dma_start3A_173 : memref<10000x64xf32, #tpu.memory_space<hbm>>) target(%dma_start3A_165 : memref<80x64xf32, #tpu.memory_space<vmem>>) offsets(%dma_start3A_166 : memref<80xi32, #tpu.memory_space<vmem>>) semaphore(%arg14 : memref<!tpu.dma_semaphore, #tpu.memory_space<semaphore_mem>>)
      %mul3A_174 = arith.constant 5 : i32
      %mul3A_175 = arith.muli %scan3A_97, %mul3A_174 : i32
      %add3A_176 = arith.constant 4 : i32
      %add3A_177 = arith.addi %mul3A_175, %add3A_176 : i32
      %mul3A_178 = arith.constant 80 : i32
      %mul3A_179 = arith.muli %add3A_177, %mul3A_178 : i32
      %dma_start3A_180 = arith.constant 4 : i32
      %dma_start3A_181 = arith.constant 0 : i32
      %dma_start3A_182 = arith.constant 0 : i32
      %dma_start3A_183 = tpu.memref_slice %arg8[%dma_start3A_180, %dma_start3A_181, %dma_start3A_182] : memref<5x80x64xf32, #tpu.memory_space<vmem>> -> memref<1x80x64xf32, #tpu.memory_space<vmem>>
      %dma_start3A_184 = tpu.memref_squeeze %dma_start3A_183 : memref<1x80x64xf32, #tpu.memory_space<vmem>> -> memref<80x64xf32, #tpu.memory_space<vmem>>
      %dma_start3A_185 = tpu.memref_slice %arg6[%mul3A_179] : memref<20000xi32, #tpu.memory_space<vmem>> -> memref<80xi32, #tpu.memory_space<vmem>>
      %dma_start3A_186 = arith.constant 0 : i32
      %dma_start3A_187 = arith.constant 0 : i32
      %dma_start3A_188 = tpu.memref_slice %arg2[%arg0, %dma_start3A_186, %dma_start3A_187] : memref<2x10000x64xf32, #tpu.memory_space<hbm>> -> memref<1x10000x64xf32, #tpu.memory_space<hbm>>
      %dma_start3A_189 = tpu.memref_squeeze %dma_start3A_188 : memref<1x10000x64xf32, #tpu.memory_space<hbm>> -> memref<10000x64xf32, #tpu.memory_space<hbm>>
      %dma_start3A_190 = arith.constant 0 : i32
      %dma_start3A_191 = arith.constant 0 : i32
      %dma_start3A_192 = tpu.memref_slice %dma_start3A_189[%dma_start3A_190, %dma_start3A_191] : memref<10000x64xf32, #tpu.memory_space<hbm>> -> memref<10000x64xf32, #tpu.memory_space<hbm>>
      tpu.enqueue_indirect_dma source(%dma_start3A_192 : memref<10000x64xf32, #tpu.memory_space<hbm>>) target(%dma_start3A_184 : memref<80x64xf32, #tpu.memory_space<vmem>>) offsets(%dma_start3A_185 : memref<80xi32, #tpu.memory_space<vmem>>) semaphore(%arg14 : memref<!tpu.dma_semaphore, #tpu.memory_space<semaphore_mem>>)
      %dma_wait3A_193 = arith.constant 0 : i32
      %dma_wait3A_194 = arith.constant 0 : i32
      %dma_wait3A_195 = arith.constant 0 : i32
      %dma_wait3A_196 = tpu.memref_slice %arg8[%dma_wait3A_193, %dma_wait3A_194, %dma_wait3A_195] : memref<5x80x64xf32, #tpu.memory_space<vmem>> -> memref<1x80x64xf32, #tpu.memory_space<vmem>>
      %dma_wait3A_197 = tpu.memref_squeeze %dma_wait3A_196 : memref<1x80x64xf32, #tpu.memory_space<vmem>> -> memref<80x64xf32, #tpu.memory_space<vmem>>
      %dma_wait3A_198 = tpu.memref_slice %arg6[%mul3A_103] : memref<20000xi32, #tpu.memory_space<vmem>> -> memref<80xi32, #tpu.memory_space<vmem>>
      %dma_wait3A_199 = arith.constant 0 : i32
      %dma_wait3A_200 = arith.constant 0 : i32
      %dma_wait3A_201 = tpu.memref_slice %arg2[%arg0, %dma_wait3A_199, %dma_wait3A_200] : memref<2x10000x64xf32, #tpu.memory_space<hbm>> -> memref<1x10000x64xf32, #tpu.memory_space<hbm>>
      %dma_wait3A_202 = tpu.memref_squeeze %dma_wait3A_201 : memref<1x10000x64xf32, #tpu.memory_space<hbm>> -> memref<10000x64xf32, #tpu.memory_space<hbm>>
      %dma_wait3A_203 = arith.constant 0 : i32
      %dma_wait3A_204 = arith.constant 0 : i32
      %dma_wait3A_205 = tpu.memref_slice %dma_wait3A_202[%dma_wait3A_203, %dma_wait3A_204] : memref<10000x64xf32, #tpu.memory_space<hbm>> -> memref<10000x64xf32, #tpu.memory_space<hbm>>
      tpu.wait_indirect_dma semaphore(%arg14 : memref<!tpu.dma_semaphore, #tpu.memory_space<semaphore_mem>>) src(%dma_wait3A_205 : memref<10000x64xf32, #tpu.memory_space<hbm>>) dst(%dma_wait3A_197 : memref<80x64xf32, #tpu.memory_space<vmem>>)
      %mul3A_206 = arith.constant 5 : i32
      %mul3A_207 = arith.muli %scan3A_97, %mul3A_206 : i32
      %add3A_208 = arith.constant 0 : i32
      %add3A_209 = arith.addi %mul3A_207, %add3A_208 : i32
      %run_scoped3A = arith.constant 0 : i32
      "tpu.region"() ({
        %run_scoped3A_282 = tpu.sem_alloc : memref<!tpu.dma_semaphore, #tpu.memory_space<semaphore_mem>>
        %dma_start3A_283 = arith.constant 0 : i32
        %dma_start3A_284 = arith.constant 0 : i32
        %dma_start3A_285 = tpu.memref_slice %arg8[%run_scoped3A, %dma_start3A_283, %dma_start3A_284] : memref<5x80x64xf32, #tpu.memory_space<vmem>> -> memref<1x80x64xf32, #tpu.memory_space<vmem>>
        %dma_start3A_286 = tpu.memref_squeeze %dma_start3A_285 : memref<1x80x64xf32, #tpu.memory_space<vmem>> -> memref<80x64xf32, #tpu.memory_space<vmem>>
        %dma_start3A_287 = arith.constant 0 : i32
        %dma_start3A_288 = tpu.memref_slice %arg7[%add3A_209, %dma_start3A_287] : memref<250x80xi32, #tpu.memory_space<vmem>> -> memref<1x80xi32, #tpu.memory_space<vmem>>
        %dma_start3A_289 = tpu.memref_squeeze %dma_start3A_288 : memref<1x80xi32, #tpu.memory_space<vmem>> -> memref<80xi32, #tpu.memory_space<vmem>>
        %dma_start3A_290 = arith.constant 0 : i32
        %dma_start3A_291 = arith.constant 0 : i32
        %dma_start3A_292 = tpu.memref_slice %arg12[%dma_start3A_290, %dma_start3A_291] : memref<10240x64xf32, #tpu.memory_space<vmem_shared>> -> memref<10240x64xf32, #tpu.memory_space<vmem_shared>>
        tpu.enqueue_indirect_dma source(%dma_start3A_286 : memref<80x64xf32, #tpu.memory_space<vmem>>) target(%dma_start3A_292 : memref<10240x64xf32, #tpu.memory_space<vmem_shared>>) offsets(%dma_start3A_289 : memref<80xi32, #tpu.memory_space<vmem>>) semaphore(%run_scoped3A_282 : memref<!tpu.dma_semaphore, #tpu.memory_space<semaphore_mem>>) {add = true}
        %dma_wait3A_293 = arith.constant 0 : i32
        %dma_wait3A_294 = arith.constant 0 : i32
        %dma_wait3A_295 = tpu.memref_slice %arg8[%run_scoped3A, %dma_wait3A_293, %dma_wait3A_294] : memref<5x80x64xf32, #tpu.memory_space<vmem>> -> memref<1x80x64xf32, #tpu.memory_space<vmem>>
        %dma_wait3A_296 = tpu.memref_squeeze %dma_wait3A_295 : memref<1x80x64xf32, #tpu.memory_space<vmem>> -> memref<80x64xf32, #tpu.memory_space<vmem>>
        %dma_wait3A_297 = arith.constant 0 : i32
        %dma_wait3A_298 = tpu.memref_slice %arg7[%add3A_209, %dma_wait3A_297] : memref<250x80xi32, #tpu.memory_space<vmem>> -> memref<1x80xi32, #tpu.memory_space<vmem>>
        %dma_wait3A_299 = tpu.memref_squeeze %dma_wait3A_298 : memref<1x80xi32, #tpu.memory_space<vmem>> -> memref<80xi32, #tpu.memory_space<vmem>>
        %dma_wait3A_300 = arith.constant 0 : i32
        %dma_wait3A_301 = arith.constant 0 : i32
        %dma_wait3A_302 = tpu.memref_slice %arg12[%dma_wait3A_300, %dma_wait3A_301] : memref<10240x64xf32, #tpu.memory_space<vmem_shared>> -> memref<10240x64xf32, #tpu.memory_space<vmem_shared>>
        tpu.wait_indirect_dma semaphore(%run_scoped3A_282 : memref<!tpu.dma_semaphore, #tpu.memory_space<semaphore_mem>>) src(%dma_wait3A_296 : memref<80x64xf32, #tpu.memory_space<vmem>>) dst(%dma_wait3A_302 : memref<10240x64xf32, #tpu.memory_space<vmem_shared>>)
        tpu.yield
      }) : () -> ()
      %dma_wait3A_210 = arith.constant 1 : i32
      %dma_wait3A_211 = arith.constant 0 : i32
      %dma_wait3A_212 = arith.constant 0 : i32
      %dma_wait3A_213 = tpu.memref_slice %arg8[%dma_wait3A_210, %dma_wait3A_211, %dma_wait3A_212] : memref<5x80x64xf32, #tpu.memory_space<vmem>> -> memref<1x80x64xf32, #tpu.memory_space<vmem>>
      %dma_wait3A_214 = tpu.memref_squeeze %dma_wait3A_213 : memref<1x80x64xf32, #tpu.memory_space<vmem>> -> memref<80x64xf32, #tpu.memory_space<vmem>>
      %dma_wait3A_215 = tpu.memref_slice %arg6[%mul3A_122] : memref<20000xi32, #tpu.memory_space<vmem>> -> memref<80xi32, #tpu.memory_space<vmem>>
      %dma_wait3A_216 = arith.constant 0 : i32
      %dma_wait3A_217 = arith.constant 0 : i32
      %dma_wait3A_218 = tpu.memref_slice %arg2[%arg0, %dma_wait3A_216, %dma_wait3A_217] : memref<2x10000x64xf32, #tpu.memory_space<hbm>> -> memref<1x10000x64xf32, #tpu.memory_space<hbm>>
      %dma_wait3A_219 = tpu.memref_squeeze %dma_wait3A_218 : memref<1x10000x64xf32, #tpu.memory_space<hbm>> -> memref<10000x64xf32, #tpu.memory_space<hbm>>
      %dma_wait3A_220 = arith.constant 0 : i32
      %dma_wait3A_221 = arith.constant 0 : i32
      %dma_wait3A_222 = tpu.memref_slice %dma_wait3A_219[%dma_wait3A_220, %dma_wait3A_221] : memref<10000x64xf32, #tpu.memory_space<hbm>> -> memref<10000x64xf32, #tpu.memory_space<hbm>>
      tpu.wait_indirect_dma semaphore(%arg14 : memref<!tpu.dma_semaphore, #tpu.memory_space<semaphore_mem>>) src(%dma_wait3A_222 : memref<10000x64xf32, #tpu.memory_space<hbm>>) dst(%dma_wait3A_214 : memref<80x64xf32, #tpu.memory_space<vmem>>)
      %mul3A_223 = arith.constant 5 : i32
      %mul3A_224 = arith.muli %scan3A_97, %mul3A_223 : i32
      %add3A_225 = arith.constant 1 : i32
      %add3A_226 = arith.addi %mul3A_224, %add3A_225 : i32
      %run_scoped3A_227 = arith.constant 1 : i32
      "tpu.region"() ({
        %run_scoped3A_282 = tpu.sem_alloc : memref<!tpu.dma_semaphore, #tpu.memory_space<semaphore_mem>>
        %dma_start3A_283 = arith.constant 0 : i32
        %dma_start3A_284 = arith.constant 0 : i32
        %dma_start3A_285 = tpu.memref_slice %arg8[%run_scoped3A_227, %dma_start3A_283, %dma_start3A_284] : memref<5x80x64xf32, #tpu.memory_space<vmem>> -> memref<1x80x64xf32, #tpu.memory_space<vmem>>
        %dma_start3A_286 = tpu.memref_squeeze %dma_start3A_285 : memref<1x80x64xf32, #tpu.memory_space<vmem>> -> memref<80x64xf32, #tpu.memory_space<vmem>>
        %dma_start3A_287 = arith.constant 0 : i32
        %dma_start3A_288 = tpu.memref_slice %arg7[%add3A_226, %dma_start3A_287] : memref<250x80xi32, #tpu.memory_space<vmem>> -> memref<1x80xi32, #tpu.memory_space<vmem>>
        %dma_start3A_289 = tpu.memref_squeeze %dma_start3A_288 : memref<1x80xi32, #tpu.memory_space<vmem>> -> memref<80xi32, #tpu.memory_space<vmem>>
        %dma_start3A_290 = arith.constant 0 : i32
        %dma_start3A_291 = arith.constant 0 : i32
        %dma_start3A_292 = tpu.memref_slice %arg12[%dma_start3A_290, %dma_start3A_291] : memref<10240x64xf32, #tpu.memory_space<vmem_shared>> -> memref<10240x64xf32, #tpu.memory_space<vmem_shared>>
        tpu.enqueue_indirect_dma source(%dma_start3A_286 : memref<80x64xf32, #tpu.memory_space<vmem>>) target(%dma_start3A_292 : memref<10240x64xf32, #tpu.memory_space<vmem_shared>>) offsets(%dma_start3A_289 : memref<80xi32, #tpu.memory_space<vmem>>) semaphore(%run_scoped3A_282 : memref<!tpu.dma_semaphore, #tpu.memory_space<semaphore_mem>>) {add = true}
        %dma_wait3A_293 = arith.constant 0 : i32
        %dma_wait3A_294 = arith.constant 0 : i32
        %dma_wait3A_295 = tpu.memref_slice %arg8[%run_scoped3A_227, %dma_wait3A_293, %dma_wait3A_294] : memref<5x80x64xf32, #tpu.memory_space<vmem>> -> memref<1x80x64xf32, #tpu.memory_space<vmem>>
        %dma_wait3A_296 = tpu.memref_squeeze %dma_wait3A_295 : memref<1x80x64xf32, #tpu.memory_space<vmem>> -> memref<80x64xf32, #tpu.memory_space<vmem>>
        %dma_wait3A_297 = arith.constant 0 : i32
        %dma_wait3A_298 = tpu.memref_slice %arg7[%add3A_226, %dma_wait3A_297] : memref<250x80xi32, #tpu.memory_space<vmem>> -> memref<1x80xi32, #tpu.memory_space<vmem>>
        %dma_wait3A_299 = tpu.memref_squeeze %dma_wait3A_298 : memref<1x80xi32, #tpu.memory_space<vmem>> -> memref<80xi32, #tpu.memory_space<vmem>>
        %dma_wait3A_300 = arith.constant 0 : i32
        %dma_wait3A_301 = arith.constant 0 : i32
        %dma_wait3A_302 = tpu.memref_slice %arg12[%dma_wait3A_300, %dma_wait3A_301] : memref<10240x64xf32, #tpu.memory_space<vmem_shared>> -> memref<10240x64xf32, #tpu.memory_space<vmem_shared>>
        tpu.wait_indirect_dma semaphore(%run_scoped3A_282 : memref<!tpu.dma_semaphore, #tpu.memory_space<semaphore_mem>>) src(%dma_wait3A_296 : memref<80x64xf32, #tpu.memory_space<vmem>>) dst(%dma_wait3A_302 : memref<10240x64xf32, #tpu.memory_space<vmem_shared>>)
        tpu.yield
      }) : () -> ()
      %dma_wait3A_228 = arith.constant 2 : i32
      %dma_wait3A_229 = arith.constant 0 : i32
      %dma_wait3A_230 = arith.constant 0 : i32
      %dma_wait3A_231 = tpu.memref_slice %arg8[%dma_wait3A_228, %dma_wait3A_229, %dma_wait3A_230] : memref<5x80x64xf32, #tpu.memory_space<vmem>> -> memref<1x80x64xf32, #tpu.memory_space<vmem>>
      %dma_wait3A_232 = tpu.memref_squeeze %dma_wait3A_231 : memref<1x80x64xf32, #tpu.memory_space<vmem>> -> memref<80x64xf32, #tpu.memory_space<vmem>>
      %dma_wait3A_233 = tpu.memref_slice %arg6[%mul3A_141] : memref<20000xi32, #tpu.memory_space<vmem>> -> memref<80xi32, #tpu.memory_space<vmem>>
      %dma_wait3A_234 = arith.constant 0 : i32
      %dma_wait3A_235 = arith.constant 0 : i32
      %dma_wait3A_236 = tpu.memref_slice %arg2[%arg0, %dma_wait3A_234, %dma_wait3A_235] : memref<2x10000x64xf32, #tpu.memory_space<hbm>> -> memref<1x10000x64xf32, #tpu.memory_space<hbm>>
      %dma_wait3A_237 = tpu.memref_squeeze %dma_wait3A_236 : memref<1x10000x64xf32, #tpu.memory_space<hbm>> -> memref<10000x64xf32, #tpu.memory_space<hbm>>
      %dma_wait3A_238 = arith.constant 0 : i32
      %dma_wait3A_239 = arith.constant 0 : i32
      %dma_wait3A_240 = tpu.memref_slice %dma_wait3A_237[%dma_wait3A_238, %dma_wait3A_239] : memref<10000x64xf32, #tpu.memory_space<hbm>> -> memref<10000x64xf32, #tpu.memory_space<hbm>>
      tpu.wait_indirect_dma semaphore(%arg14 : memref<!tpu.dma_semaphore, #tpu.memory_space<semaphore_mem>>) src(%dma_wait3A_240 : memref<10000x64xf32, #tpu.memory_space<hbm>>) dst(%dma_wait3A_232 : memref<80x64xf32, #tpu.memory_space<vmem>>)
      %mul3A_241 = arith.constant 5 : i32
      %mul3A_242 = arith.muli %scan3A_97, %mul3A_241 : i32
      %add3A_243 = arith.constant 2 : i32
      %add3A_244 = arith.addi %mul3A_242, %add3A_243 : i32
      %run_scoped3A_245 = arith.constant 2 : i32
      "tpu.region"() ({
        %run_scoped3A_282 = tpu.sem_alloc : memref<!tpu.dma_semaphore, #tpu.memory_space<semaphore_mem>>
        %dma_start3A_283 = arith.constant 0 : i32
        %dma_start3A_284 = arith.constant 0 : i32
        %dma_start3A_285 = tpu.memref_slice %arg8[%run_scoped3A_245, %dma_start3A_283, %dma_start3A_284] : memref<5x80x64xf32, #tpu.memory_space<vmem>> -> memref<1x80x64xf32, #tpu.memory_space<vmem>>
        %dma_start3A_286 = tpu.memref_squeeze %dma_start3A_285 : memref<1x80x64xf32, #tpu.memory_space<vmem>> -> memref<80x64xf32, #tpu.memory_space<vmem>>
        %dma_start3A_287 = arith.constant 0 : i32
        %dma_start3A_288 = tpu.memref_slice %arg7[%add3A_244, %dma_start3A_287] : memref<250x80xi32, #tpu.memory_space<vmem>> -> memref<1x80xi32, #tpu.memory_space<vmem>>
        %dma_start3A_289 = tpu.memref_squeeze %dma_start3A_288 : memref<1x80xi32, #tpu.memory_space<vmem>> -> memref<80xi32, #tpu.memory_space<vmem>>
        %dma_start3A_290 = arith.constant 0 : i32
        %dma_start3A_291 = arith.constant 0 : i32
        %dma_start3A_292 = tpu.memref_slice %arg12[%dma_start3A_290, %dma_start3A_291] : memref<10240x64xf32, #tpu.memory_space<vmem_shared>> -> memref<10240x64xf32, #tpu.memory_space<vmem_shared>>
        tpu.enqueue_indirect_dma source(%dma_start3A_286 : memref<80x64xf32, #tpu.memory_space<vmem>>) target(%dma_start3A_292 : memref<10240x64xf32, #tpu.memory_space<vmem_shared>>) offsets(%dma_start3A_289 : memref<80xi32, #tpu.memory_space<vmem>>) semaphore(%run_scoped3A_282 : memref<!tpu.dma_semaphore, #tpu.memory_space<semaphore_mem>>) {add = true}
        %dma_wait3A_293 = arith.constant 0 : i32
        %dma_wait3A_294 = arith.constant 0 : i32
        %dma_wait3A_295 = tpu.memref_slice %arg8[%run_scoped3A_245, %dma_wait3A_293, %dma_wait3A_294] : memref<5x80x64xf32, #tpu.memory_space<vmem>> -> memref<1x80x64xf32, #tpu.memory_space<vmem>>
        %dma_wait3A_296 = tpu.memref_squeeze %dma_wait3A_295 : memref<1x80x64xf32, #tpu.memory_space<vmem>> -> memref<80x64xf32, #tpu.memory_space<vmem>>
        %dma_wait3A_297 = arith.constant 0 : i32
        %dma_wait3A_298 = tpu.memref_slice %arg7[%add3A_244, %dma_wait3A_297] : memref<250x80xi32, #tpu.memory_space<vmem>> -> memref<1x80xi32, #tpu.memory_space<vmem>>
        %dma_wait3A_299 = tpu.memref_squeeze %dma_wait3A_298 : memref<1x80xi32, #tpu.memory_space<vmem>> -> memref<80xi32, #tpu.memory_space<vmem>>
        %dma_wait3A_300 = arith.constant 0 : i32
        %dma_wait3A_301 = arith.constant 0 : i32
        %dma_wait3A_302 = tpu.memref_slice %arg12[%dma_wait3A_300, %dma_wait3A_301] : memref<10240x64xf32, #tpu.memory_space<vmem_shared>> -> memref<10240x64xf32, #tpu.memory_space<vmem_shared>>
        tpu.wait_indirect_dma semaphore(%run_scoped3A_282 : memref<!tpu.dma_semaphore, #tpu.memory_space<semaphore_mem>>) src(%dma_wait3A_296 : memref<80x64xf32, #tpu.memory_space<vmem>>) dst(%dma_wait3A_302 : memref<10240x64xf32, #tpu.memory_space<vmem_shared>>)
        tpu.yield
      }) : () -> ()
      %dma_wait3A_246 = arith.constant 3 : i32
      %dma_wait3A_247 = arith.constant 0 : i32
      %dma_wait3A_248 = arith.constant 0 : i32
      %dma_wait3A_249 = tpu.memref_slice %arg8[%dma_wait3A_246, %dma_wait3A_247, %dma_wait3A_248] : memref<5x80x64xf32, #tpu.memory_space<vmem>> -> memref<1x80x64xf32, #tpu.memory_space<vmem>>
      %dma_wait3A_250 = tpu.memref_squeeze %dma_wait3A_249 : memref<1x80x64xf32, #tpu.memory_space<vmem>> -> memref<80x64xf32, #tpu.memory_space<vmem>>
      %dma_wait3A_251 = tpu.memref_slice %arg6[%mul3A_160] : memref<20000xi32, #tpu.memory_space<vmem>> -> memref<80xi32, #tpu.memory_space<vmem>>
      %dma_wait3A_252 = arith.constant 0 : i32
      %dma_wait3A_253 = arith.constant 0 : i32
      %dma_wait3A_254 = tpu.memref_slice %arg2[%arg0, %dma_wait3A_252, %dma_wait3A_253] : memref<2x10000x64xf32, #tpu.memory_space<hbm>> -> memref<1x10000x64xf32, #tpu.memory_space<hbm>>
      %dma_wait3A_255 = tpu.memref_squeeze %dma_wait3A_254 : memref<1x10000x64xf32, #tpu.memory_space<hbm>> -> memref<10000x64xf32, #tpu.memory_space<hbm>>
      %dma_wait3A_256 = arith.constant 0 : i32
      %dma_wait3A_257 = arith.constant 0 : i32
      %dma_wait3A_258 = tpu.memref_slice %dma_wait3A_255[%dma_wait3A_256, %dma_wait3A_257] : memref<10000x64xf32, #tpu.memory_space<hbm>> -> memref<10000x64xf32, #tpu.memory_space<hbm>>
      tpu.wait_indirect_dma semaphore(%arg14 : memref<!tpu.dma_semaphore, #tpu.memory_space<semaphore_mem>>) src(%dma_wait3A_258 : memref<10000x64xf32, #tpu.memory_space<hbm>>) dst(%dma_wait3A_250 : memref<80x64xf32, #tpu.memory_space<vmem>>)
      %mul3A_259 = arith.constant 5 : i32
      %mul3A_260 = arith.muli %scan3A_97, %mul3A_259 : i32
      %add3A_261 = arith.constant 3 : i32
      %add3A_262 = arith.addi %mul3A_260, %add3A_261 : i32
      %run_scoped3A_263 = arith.constant 3 : i32
      "tpu.region"() ({
        %run_scoped3A_282 = tpu.sem_alloc : memref<!tpu.dma_semaphore, #tpu.memory_space<semaphore_mem>>
        %dma_start3A_283 = arith.constant 0 : i32
        %dma_start3A_284 = arith.constant 0 : i32
        %dma_start3A_285 = tpu.memref_slice %arg8[%run_scoped3A_263, %dma_start3A_283, %dma_start3A_284] : memref<5x80x64xf32, #tpu.memory_space<vmem>> -> memref<1x80x64xf32, #tpu.memory_space<vmem>>
        %dma_start3A_286 = tpu.memref_squeeze %dma_start3A_285 : memref<1x80x64xf32, #tpu.memory_space<vmem>> -> memref<80x64xf32, #tpu.memory_space<vmem>>
        %dma_start3A_287 = arith.constant 0 : i32
        %dma_start3A_288 = tpu.memref_slice %arg7[%add3A_262, %dma_start3A_287] : memref<250x80xi32, #tpu.memory_space<vmem>> -> memref<1x80xi32, #tpu.memory_space<vmem>>
        %dma_start3A_289 = tpu.memref_squeeze %dma_start3A_288 : memref<1x80xi32, #tpu.memory_space<vmem>> -> memref<80xi32, #tpu.memory_space<vmem>>
        %dma_start3A_290 = arith.constant 0 : i32
        %dma_start3A_291 = arith.constant 0 : i32
        %dma_start3A_292 = tpu.memref_slice %arg12[%dma_start3A_290, %dma_start3A_291] : memref<10240x64xf32, #tpu.memory_space<vmem_shared>> -> memref<10240x64xf32, #tpu.memory_space<vmem_shared>>
        tpu.enqueue_indirect_dma source(%dma_start3A_286 : memref<80x64xf32, #tpu.memory_space<vmem>>) target(%dma_start3A_292 : memref<10240x64xf32, #tpu.memory_space<vmem_shared>>) offsets(%dma_start3A_289 : memref<80xi32, #tpu.memory_space<vmem>>) semaphore(%run_scoped3A_282 : memref<!tpu.dma_semaphore, #tpu.memory_space<semaphore_mem>>) {add = true}
        %dma_wait3A_293 = arith.constant 0 : i32
        %dma_wait3A_294 = arith.constant 0 : i32
        %dma_wait3A_295 = tpu.memref_slice %arg8[%run_scoped3A_263, %dma_wait3A_293, %dma_wait3A_294] : memref<5x80x64xf32, #tpu.memory_space<vmem>> -> memref<1x80x64xf32, #tpu.memory_space<vmem>>
        %dma_wait3A_296 = tpu.memref_squeeze %dma_wait3A_295 : memref<1x80x64xf32, #tpu.memory_space<vmem>> -> memref<80x64xf32, #tpu.memory_space<vmem>>
        %dma_wait3A_297 = arith.constant 0 : i32
        %dma_wait3A_298 = tpu.memref_slice %arg7[%add3A_262, %dma_wait3A_297] : memref<250x80xi32, #tpu.memory_space<vmem>> -> memref<1x80xi32, #tpu.memory_space<vmem>>
        %dma_wait3A_299 = tpu.memref_squeeze %dma_wait3A_298 : memref<1x80xi32, #tpu.memory_space<vmem>> -> memref<80xi32, #tpu.memory_space<vmem>>
        %dma_wait3A_300 = arith.constant 0 : i32
        %dma_wait3A_301 = arith.constant 0 : i32
        %dma_wait3A_302 = tpu.memref_slice %arg12[%dma_wait3A_300, %dma_wait3A_301] : memref<10240x64xf32, #tpu.memory_space<vmem_shared>> -> memref<10240x64xf32, #tpu.memory_space<vmem_shared>>
        tpu.wait_indirect_dma semaphore(%run_scoped3A_282 : memref<!tpu.dma_semaphore, #tpu.memory_space<semaphore_mem>>) src(%dma_wait3A_296 : memref<80x64xf32, #tpu.memory_space<vmem>>) dst(%dma_wait3A_302 : memref<10240x64xf32, #tpu.memory_space<vmem_shared>>)
        tpu.yield
      }) : () -> ()
      %dma_wait3A_264 = arith.constant 4 : i32
      %dma_wait3A_265 = arith.constant 0 : i32
      %dma_wait3A_266 = arith.constant 0 : i32
      %dma_wait3A_267 = tpu.memref_slice %arg8[%dma_wait3A_264, %dma_wait3A_265, %dma_wait3A_266] : memref<5x80x64xf32, #tpu.memory_space<vmem>> -> memref<1x80x64xf32, #tpu.memory_space<vmem>>
      %dma_wait3A_268 = tpu.memref_squeeze %dma_wait3A_267 : memref<1x80x64xf32, #tpu.memory_space<vmem>> -> memref<80x64xf32, #tpu.memory_space<vmem>>
      %dma_wait3A_269 = tpu.memref_slice %arg6[%mul3A_179] : memref<20000xi32, #tpu.memory_space<vmem>> -> memref<80xi32, #tpu.memory_space<vmem>>
      %dma_wait3A_270 = arith.constant 0 : i32
      %dma_wait3A_271 = arith.constant 0 : i32
      %dma_wait3A_272 = tpu.memref_slice %arg2[%arg0, %dma_wait3A_270, %dma_wait3A_271] : memref<2x10000x64xf32, #tpu.memory_space<hbm>> -> memref<1x10000x64xf32, #tpu.memory_space<hbm>>
      %dma_wait3A_273 = tpu.memref_squeeze %dma_wait3A_272 : memref<1x10000x64xf32, #tpu.memory_space<hbm>> -> memref<10000x64xf32, #tpu.memory_space<hbm>>
      %dma_wait3A_274 = arith.constant 0 : i32
      %dma_wait3A_275 = arith.constant 0 : i32
      %dma_wait3A_276 = tpu.memref_slice %dma_wait3A_273[%dma_wait3A_274, %dma_wait3A_275] : memref<10000x64xf32, #tpu.memory_space<hbm>> -> memref<10000x64xf32, #tpu.memory_space<hbm>>
      tpu.wait_indirect_dma semaphore(%arg14 : memref<!tpu.dma_semaphore, #tpu.memory_space<semaphore_mem>>) src(%dma_wait3A_276 : memref<10000x64xf32, #tpu.memory_space<hbm>>) dst(%dma_wait3A_268 : memref<80x64xf32, #tpu.memory_space<vmem>>)
      %mul3A_277 = arith.constant 5 : i32
      %mul3A_278 = arith.muli %scan3A_97, %mul3A_277 : i32
      %add3A_279 = arith.constant 4 : i32
      %add3A_280 = arith.addi %mul3A_278, %add3A_279 : i32
      %run_scoped3A_281 = arith.constant 4 : i32
      "tpu.region"() ({
        %run_scoped3A_282 = tpu.sem_alloc : memref<!tpu.dma_semaphore, #tpu.memory_space<semaphore_mem>>
        %dma_start3A_283 = arith.constant 0 : i32
        %dma_start3A_284 = arith.constant 0 : i32
        %dma_start3A_285 = tpu.memref_slice %arg8[%run_scoped3A_281, %dma_start3A_283, %dma_start3A_284] : memref<5x80x64xf32, #tpu.memory_space<vmem>> -> memref<1x80x64xf32, #tpu.memory_space<vmem>>
        %dma_start3A_286 = tpu.memref_squeeze %dma_start3A_285 : memref<1x80x64xf32, #tpu.memory_space<vmem>> -> memref<80x64xf32, #tpu.memory_space<vmem>>
        %dma_start3A_287 = arith.constant 0 : i32
        %dma_start3A_288 = tpu.memref_slice %arg7[%add3A_280, %dma_start3A_287] : memref<250x80xi32, #tpu.memory_space<vmem>> -> memref<1x80xi32, #tpu.memory_space<vmem>>
        %dma_start3A_289 = tpu.memref_squeeze %dma_start3A_288 : memref<1x80xi32, #tpu.memory_space<vmem>> -> memref<80xi32, #tpu.memory_space<vmem>>
        %dma_start3A_290 = arith.constant 0 : i32
        %dma_start3A_291 = arith.constant 0 : i32
        %dma_start3A_292 = tpu.memref_slice %arg12[%dma_start3A_290, %dma_start3A_291] : memref<10240x64xf32, #tpu.memory_space<vmem_shared>> -> memref<10240x64xf32, #tpu.memory_space<vmem_shared>>
        tpu.enqueue_indirect_dma source(%dma_start3A_286 : memref<80x64xf32, #tpu.memory_space<vmem>>) target(%dma_start3A_292 : memref<10240x64xf32, #tpu.memory_space<vmem_shared>>) offsets(%dma_start3A_289 : memref<80xi32, #tpu.memory_space<vmem>>) semaphore(%run_scoped3A_282 : memref<!tpu.dma_semaphore, #tpu.memory_space<semaphore_mem>>) {add = true}
        %dma_wait3A_293 = arith.constant 0 : i32
        %dma_wait3A_294 = arith.constant 0 : i32
        %dma_wait3A_295 = tpu.memref_slice %arg8[%run_scoped3A_281, %dma_wait3A_293, %dma_wait3A_294] : memref<5x80x64xf32, #tpu.memory_space<vmem>> -> memref<1x80x64xf32, #tpu.memory_space<vmem>>
        %dma_wait3A_296 = tpu.memref_squeeze %dma_wait3A_295 : memref<1x80x64xf32, #tpu.memory_space<vmem>> -> memref<80x64xf32, #tpu.memory_space<vmem>>
        %dma_wait3A_297 = arith.constant 0 : i32
        %dma_wait3A_298 = tpu.memref_slice %arg7[%add3A_280, %dma_wait3A_297] : memref<250x80xi32, #tpu.memory_space<vmem>> -> memref<1x80xi32, #tpu.memory_space<vmem>>
        %dma_wait3A_299 = tpu.memref_squeeze %dma_wait3A_298 : memref<1x80xi32, #tpu.memory_space<vmem>> -> memref<80xi32, #tpu.memory_space<vmem>>
        %dma_wait3A_300 = arith.constant 0 : i32
        %dma_wait3A_301 = arith.constant 0 : i32
        %dma_wait3A_302 = tpu.memref_slice %arg12[%dma_wait3A_300, %dma_wait3A_301] : memref<10240x64xf32, #tpu.memory_space<vmem_shared>> -> memref<10240x64xf32, #tpu.memory_space<vmem_shared>>
        tpu.wait_indirect_dma semaphore(%run_scoped3A_282 : memref<!tpu.dma_semaphore, #tpu.memory_space<semaphore_mem>>) src(%dma_wait3A_296 : memref<80x64xf32, #tpu.memory_space<vmem>>) dst(%dma_wait3A_302 : memref<10240x64xf32, #tpu.memory_space<vmem_shared>>)
        tpu.yield
      }) : () -> ()
    }
    %scan3A_91 = arith.constant 50 : i32
    %barrier3A_92 = arith.constant 0 : index
    tpu.barrier barrier_id(%barrier3A_92)
    %mul3A_93 = arith.constant 640 : i32
    %mul3A_94 = arith.muli %arg1, %mul3A_93 : i32
    %mul3A_95 = arith.constant 640 : i32
    %mul3A_96 = arith.muli %arg1, %mul3A_95 : i32
    "tpu.region"() ({
      %run_scoped3A = tpu.sem_alloc : memref<!tpu.dma_semaphore, #tpu.memory_space<semaphore_mem>>
      %dma_start3A_97 = arith.constant 0 : i32
      %dma_start3A_98 = tpu.memref_slice %arg5[%arg0, %mul3A_96, %dma_start3A_97] : memref<2x10240x64xf32, #tpu.memory_space<hbm>> -> memref<1x640x64xf32, #tpu.memory_space<hbm>>
      %dma_start3A_99 = tpu.memref_squeeze %dma_start3A_98 : memref<1x640x64xf32, #tpu.memory_space<hbm>> -> memref<640x64xf32, #tpu.memory_space<hbm>>
      %dma_start3A_100 = arith.constant 0 : i32
      %dma_start3A_101 = tpu.memref_slice %arg12[%mul3A_94, %dma_start3A_100] : memref<10240x64xf32, #tpu.memory_space<vmem_shared>> -> memref<640x64xf32, #tpu.memory_space<vmem_shared>>
      tpu.enqueue_dma source(%dma_start3A_101 : memref<640x64xf32, #tpu.memory_space<vmem_shared>>) target(%dma_start3A_99 : memref<640x64xf32, #tpu.memory_space<hbm>>) target_semaphore(%run_scoped3A : memref<!tpu.dma_semaphore, #tpu.memory_space<semaphore_mem>>)
      %dma_wait3A_102 = arith.constant 0 : i32
      %dma_wait3A_103 = tpu.memref_slice %arg5[%arg0, %mul3A_96, %dma_wait3A_102] : memref<2x10240x64xf32, #tpu.memory_space<hbm>> -> memref<1x640x64xf32, #tpu.memory_space<hbm>>
      %dma_wait3A_104 = tpu.memref_squeeze %dma_wait3A_103 : memref<1x640x64xf32, #tpu.memory_space<hbm>> -> memref<640x64xf32, #tpu.memory_space<hbm>>
      %dma_wait3A_105 = arith.constant 0 : i32
      %dma_wait3A_106 = tpu.memref_slice %arg12[%mul3A_94, %dma_wait3A_105] : memref<10240x64xf32, #tpu.memory_space<vmem_shared>> -> memref<640x64xf32, #tpu.memory_space<vmem_shared>>
      tpu.wait_dma2 semaphore(%run_scoped3A : memref<!tpu.dma_semaphore, #tpu.memory_space<semaphore_mem>>) src(%dma_wait3A_106 : memref<640x64xf32, #tpu.memory_space<vmem_shared>>) dst(%dma_wait3A_104 : memref<640x64xf32, #tpu.memory_space<hbm>>)
      tpu.yield
    }) : () -> ()
    return
  }
}

module attributes {stable_mosaic.version = 14 : i64} {
  func.func @_tc1_body(%arg0: i32, %arg1: memref<2x2000x64xf32, #tpu.memory_space<vmem>>, %arg2: memref<2x2000x16xf32, #tpu.memory_space<vmem>>, %arg3: memref<128x128xf32, #tpu.memory_space<vmem>>, %arg4: memref<1x128xf32, #tpu.memory_space<vmem>>, %arg5: memref<2x2000x64xf32, #tpu.memory_space<vmem>>) attributes {dimension_semantics = [#tpu.dimension_semantics<arbitrary>], iteration_bounds = array<i64: 5>, scalar_prefetch = 0 : i64, scratch_operands = 0 : i64, tpu.core_type = #tpu.core_type<tc>, window_params = [{transform_indices = @transform_0, window_bounds = array<i64: 2, 2000, 64>}, {transform_indices = @transform_1, window_bounds = array<i64: 2, 2000, 16>}, {pipeline_mode = #tpu.pipeline_mode<synchronous>, transform_indices = @transform_2, window_bounds = array<i64: 128, 128>}, {pipeline_mode = #tpu.pipeline_mode<synchronous>, transform_indices = @transform_3, window_bounds = array<i64: 1, 128>}, {transform_indices = @transform_4, window_bounds = array<i64: 2, 2000, 64>}]} {
    %get3A = arith.constant 0 : index
    %get3A_0 = arith.constant 0 : index
    %get3A_1 = arith.constant 0 : index
    %get3A_2 = vector.load %arg2[%get3A, %get3A_0, %get3A_1] : memref<2x2000x16xf32, #tpu.memory_space<vmem>>, vector<1x2000x1xf32>
    %get3A_3 = vector.shape_cast %get3A_2 : vector<1x2000x1xf32> to vector<2000xf32>
    %get3A_4 = arith.constant 1 : index
    %get3A_5 = arith.constant 0 : index
    %get3A_6 = arith.constant 0 : index
    %get3A_7 = vector.load %arg2[%get3A_4, %get3A_5, %get3A_6] : memref<2x2000x16xf32, #tpu.memory_space<vmem>>, vector<1x2000x1xf32>
    %get3A_8 = vector.shape_cast %get3A_7 : vector<1x2000x1xf32> to vector<2000xf32>
    %add3A = arith.addf %get3A_3, %get3A_8 : vector<2000xf32>
    %max3A = arith.constant 1.000000e+00 : f32
    %max3A_9 = vector.broadcast %max3A : f32 to vector<2000xf32>
    %max3A_10 = arith.maximumf %add3A, %max3A_9 : vector<2000xf32>
    %div3A = arith.constant 1.000000e+00 : f32
    %div3A_11 = vector.broadcast %div3A : f32 to vector<2000xf32>
    %div3A_12 = arith.divf %div3A_11, %max3A_10 : vector<2000xf32>
    %get3A_13 = arith.constant 0 : index
    %get3A_14 = arith.constant 0 : index
    %get3A_15 = arith.constant 0 : index
    %get3A_16 = vector.load %arg1[%get3A_13, %get3A_14, %get3A_15] : memref<2x2000x64xf32, #tpu.memory_space<vmem>>, vector<1x2000x64xf32>
    %get3A_17 = vector.shape_cast %get3A_16 : vector<1x2000x64xf32> to vector<2000x64xf32>
    %get3A_18 = arith.constant 1 : index
    %get3A_19 = arith.constant 0 : index
    %get3A_20 = arith.constant 0 : index
    %get3A_21 = vector.load %arg1[%get3A_18, %get3A_19, %get3A_20] : memref<2x2000x64xf32, #tpu.memory_space<vmem>>, vector<1x2000x64xf32>
    %get3A_22 = vector.shape_cast %get3A_21 : vector<1x2000x64xf32> to vector<2000x64xf32>
    %concatenate3A = tpu.concatenate %get3A_17, %get3A_22 in 1 : vector<2000x64xf32>, vector<2000x64xf32> -> vector<2000x128xf32>
    %broadcast_in_dim3A = vector.shape_cast %div3A_12 : vector<2000xf32> to vector<2000x1xf32>
    %mul3A = vector.broadcast %broadcast_in_dim3A : vector<2000x1xf32> to vector<2000x128xf32>
    %mul3A_23 = arith.mulf %concatenate3A, %mul3A : vector<2000x128xf32>
    %get3A_24 = arith.constant 0 : index
    %get3A_25 = arith.constant 0 : index
    %get3A_26 = vector.load %arg3[%get3A_24, %get3A_25] : memref<128x128xf32, #tpu.memory_space<vmem>>, vector<128x128xf32>
    %dot_general3A = arith.constant dense<0.000000e+00> : vector<2000x128xf32>
    %dot_general3A_27 = tpu.matmul %mul3A_23, %get3A_26, %dot_general3A {dimension_numbers = #tpu.dot_dimension_numbers<[1], [0], [0], [1], [0, 0, 1, 1], [], []>, transpose_lhs_hint = false} : vector<2000x128xf32>, vector<128x128xf32>, vector<2000x128xf32> -> vector<2000x128xf32>
    %get3A_28 = arith.constant 0 : index
    %get3A_29 = arith.constant 0 : index
    %get3A_30 = vector.load %arg4[%get3A_28, %get3A_29] : memref<1x128xf32, #tpu.memory_space<vmem>>, vector<1x128xf32>
    %add3A_31 = vector.broadcast %get3A_30 : vector<1x128xf32> to vector<2000x128xf32>
    %add3A_32 = arith.addf %dot_general3A_27, %add3A_31 : vector<2000x128xf32>
    %max3A_33 = arith.constant 0.000000e+00 : f32
    %max3A_34 = vector.broadcast %max3A_33 : f32 to vector<2000x128xf32>
    %max3A_35 = arith.maximumf %add3A_32, %max3A_34 : vector<2000x128xf32>
    %slice3A = vector.extract_strided_slice %max3A_35 {offsets = [0, 0], sizes = [2000, 64], strides = [1, 1]} : vector<2000x128xf32> to vector<2000x64xf32>
    %swap3A = arith.constant 0 : index
    %swap3A_36 = arith.constant 0 : index
    %swap3A_37 = arith.constant 0 : index
    %swap3A_38 = vector.load %arg5[%swap3A, %swap3A_36, %swap3A_37] : memref<2x2000x64xf32, #tpu.memory_space<vmem>>, vector<1x2000x64xf32>
    %swap3A_39 = vector.shape_cast %swap3A_38 : vector<1x2000x64xf32> to vector<2000x64xf32>
    %swap3A_40 = vector.shape_cast %slice3A : vector<2000x64xf32> to vector<1x2000x64xf32>
    tpu.vector_store %arg5[%swap3A, %swap3A_36, %swap3A_37], %swap3A_40 {strides = array<i32>} : memref<2x2000x64xf32, #tpu.memory_space<vmem>>, vector<1x2000x64xf32>,
    %slice3A_41 = vector.extract_strided_slice %max3A_35 {offsets = [0, 64], sizes = [2000, 64], strides = [1, 1]} : vector<2000x128xf32> to vector<2000x64xf32>
    %swap3A_42 = arith.constant 1 : index
    %swap3A_43 = arith.constant 0 : index
    %swap3A_44 = arith.constant 0 : index
    %swap3A_45 = vector.load %arg5[%swap3A_42, %swap3A_43, %swap3A_44] : memref<2x2000x64xf32, #tpu.memory_space<vmem>>, vector<1x2000x64xf32>
    %swap3A_46 = vector.shape_cast %swap3A_45 : vector<1x2000x64xf32> to vector<2000x64xf32>
    %swap3A_47 = vector.shape_cast %slice3A_41 : vector<2000x64xf32> to vector<1x2000x64xf32>
    tpu.vector_store %arg5[%swap3A_42, %swap3A_43, %swap3A_44], %swap3A_47 {strides = array<i32>} : memref<2x2000x64xf32, #tpu.memory_space<vmem>>, vector<1x2000x64xf32>,
    return
  }
  func.func @transform_0(%arg0: i32) -> (i32, i32, i32) {
    %c0_i32 = arith.constant 0 : i32
    %c0_i32_0 = arith.constant 0 : i32
    %c0_i32_1 = arith.constant 0 : i32
    return %c0_i32, %arg0, %c0_i32_0 : i32, i32, i32
  }
  func.func @transform_1(%arg0: i32) -> (i32, i32, i32) {
    %c0_i32 = arith.constant 0 : i32
    %c0_i32_0 = arith.constant 0 : i32
    %c0_i32_1 = arith.constant 0 : i32
    return %c0_i32, %arg0, %c0_i32_0 : i32, i32, i32
  }
  func.func @transform_2(%arg0: i32) -> (i32, i32) {
    %c0_i32 = arith.constant 0 : i32
    %c0_i32_0 = arith.constant 0 : i32
    %c0_i32_1 = arith.constant 0 : i32
    return %c0_i32, %c0_i32_0 : i32, i32
  }
  func.func @transform_3(%arg0: i32) -> (i32, i32) {
    %c0_i32 = arith.constant 0 : i32
    %c0_i32_0 = arith.constant 0 : i32
    %c0_i32_1 = arith.constant 0 : i32
    return %c0_i32, %c0_i32_0 : i32, i32
  }
  func.func @transform_4(%arg0: i32) -> (i32, i32, i32) {
    %c0_i32 = arith.constant 0 : i32
    %c0_i32_0 = arith.constant 0 : i32
    %c0_i32_1 = arith.constant 0 : i32
    return %c0_i32, %arg0, %c0_i32_0 : i32, i32, i32
  }
}

module attributes {stable_mosaic.version = 14 : i64} {
  func.func @_tc2_body(%arg0: i32, %arg1: memref<2x2000x64xf32, #tpu.memory_space<vmem>>, %arg2: memref<2x2000x16xf32, #tpu.memory_space<vmem>>, %arg3: memref<128x128xf32, #tpu.memory_space<vmem>>, %arg4: memref<1x128xf32, #tpu.memory_space<vmem>>, %arg5: memref<128x256xf32, #tpu.memory_space<vmem>>, %arg6: memref<1x256xf32, #tpu.memory_space<vmem>>, %arg7: memref<256x128xf32, #tpu.memory_space<vmem>>, %arg8: memref<1x128xf32, #tpu.memory_space<vmem>>, %arg9: memref<2000x128xf32, #tpu.memory_space<vmem>>, %arg10: memref<1x128xf32, #tpu.memory_space<vmem>>) attributes {dimension_semantics = [#tpu.dimension_semantics<arbitrary>], iteration_bounds = array<i64: 5>, scalar_prefetch = 0 : i64, scratch_operands = 0 : i64, tpu.core_type = #tpu.core_type<tc>, window_params = [{transform_indices = @transform_0, window_bounds = array<i64: 2, 2000, 64>}, {transform_indices = @transform_1, window_bounds = array<i64: 2, 2000, 16>}, {pipeline_mode = #tpu.pipeline_mode<synchronous>, transform_indices = @transform_2, window_bounds = array<i64: 128, 128>}, {pipeline_mode = #tpu.pipeline_mode<synchronous>, transform_indices = @transform_3, window_bounds = array<i64: 1, 128>}, {pipeline_mode = #tpu.pipeline_mode<synchronous>, transform_indices = @transform_4, window_bounds = array<i64: 128, 256>}, {pipeline_mode = #tpu.pipeline_mode<synchronous>, transform_indices = @transform_5, window_bounds = array<i64: 1, 256>}, {pipeline_mode = #tpu.pipeline_mode<synchronous>, transform_indices = @transform_6, window_bounds = array<i64: 256, 128>}, {pipeline_mode = #tpu.pipeline_mode<synchronous>, transform_indices = @transform_7, window_bounds = array<i64: 1, 128>}, {transform_indices = @transform_8, window_bounds = array<i64: 2000, 128>}, {pipeline_mode = #tpu.pipeline_mode<synchronous>, transform_indices = @transform_9, window_bounds = array<i64: 1, 128>}]} {
    %get3A = arith.constant 0 : index
    %get3A_0 = arith.constant 0 : index
    %get3A_1 = arith.constant 0 : index
    %get3A_2 = vector.load %arg2[%get3A, %get3A_0, %get3A_1] : memref<2x2000x16xf32, #tpu.memory_space<vmem>>, vector<1x2000x1xf32>
    %get3A_3 = vector.shape_cast %get3A_2 : vector<1x2000x1xf32> to vector<2000xf32>
    %get3A_4 = arith.constant 1 : index
    %get3A_5 = arith.constant 0 : index
    %get3A_6 = arith.constant 0 : index
    %get3A_7 = vector.load %arg2[%get3A_4, %get3A_5, %get3A_6] : memref<2x2000x16xf32, #tpu.memory_space<vmem>>, vector<1x2000x1xf32>
    %get3A_8 = vector.shape_cast %get3A_7 : vector<1x2000x1xf32> to vector<2000xf32>
    %add3A = arith.addf %get3A_3, %get3A_8 : vector<2000xf32>
    %max3A = arith.constant 1.000000e+00 : f32
    %max3A_9 = vector.broadcast %max3A : f32 to vector<2000xf32>
    %max3A_10 = arith.maximumf %add3A, %max3A_9 : vector<2000xf32>
    %div3A = arith.constant 1.000000e+00 : f32
    %div3A_11 = vector.broadcast %div3A : f32 to vector<2000xf32>
    %div3A_12 = arith.divf %div3A_11, %max3A_10 : vector<2000xf32>
    %get3A_13 = arith.constant 0 : index
    %get3A_14 = arith.constant 0 : index
    %get3A_15 = arith.constant 0 : index
    %get3A_16 = vector.load %arg1[%get3A_13, %get3A_14, %get3A_15] : memref<2x2000x64xf32, #tpu.memory_space<vmem>>, vector<1x2000x64xf32>
    %get3A_17 = vector.shape_cast %get3A_16 : vector<1x2000x64xf32> to vector<2000x64xf32>
    %get3A_18 = arith.constant 1 : index
    %get3A_19 = arith.constant 0 : index
    %get3A_20 = arith.constant 0 : index
    %get3A_21 = vector.load %arg1[%get3A_18, %get3A_19, %get3A_20] : memref<2x2000x64xf32, #tpu.memory_space<vmem>>, vector<1x2000x64xf32>
    %get3A_22 = vector.shape_cast %get3A_21 : vector<1x2000x64xf32> to vector<2000x64xf32>
    %concatenate3A = tpu.concatenate %get3A_17, %get3A_22 in 1 : vector<2000x64xf32>, vector<2000x64xf32> -> vector<2000x128xf32>
    %broadcast_in_dim3A = vector.shape_cast %div3A_12 : vector<2000xf32> to vector<2000x1xf32>
    %mul3A = vector.broadcast %broadcast_in_dim3A : vector<2000x1xf32> to vector<2000x128xf32>
    %mul3A_23 = arith.mulf %concatenate3A, %mul3A : vector<2000x128xf32>
    %get3A_24 = arith.constant 0 : index
    %get3A_25 = arith.constant 0 : index
    %get3A_26 = vector.load %arg3[%get3A_24, %get3A_25] : memref<128x128xf32, #tpu.memory_space<vmem>>, vector<128x128xf32>
    %dot_general3A = arith.constant dense<0.000000e+00> : vector<2000x128xf32>
    %dot_general3A_27 = tpu.matmul %mul3A_23, %get3A_26, %dot_general3A {dimension_numbers = #tpu.dot_dimension_numbers<[1], [0], [0], [1], [0, 0, 1, 1], [], []>, transpose_lhs_hint = false} : vector<2000x128xf32>, vector<128x128xf32>, vector<2000x128xf32> -> vector<2000x128xf32>
    %get3A_28 = arith.constant 0 : index
    %get3A_29 = arith.constant 0 : index
    %get3A_30 = vector.load %arg4[%get3A_28, %get3A_29] : memref<1x128xf32, #tpu.memory_space<vmem>>, vector<1x128xf32>
    %add3A_31 = vector.broadcast %get3A_30 : vector<1x128xf32> to vector<2000x128xf32>
    %add3A_32 = arith.addf %dot_general3A_27, %add3A_31 : vector<2000x128xf32>
    %max3A_33 = arith.constant 0.000000e+00 : f32
    %max3A_34 = vector.broadcast %max3A_33 : f32 to vector<2000x128xf32>
    %max3A_35 = arith.maximumf %add3A_32, %max3A_34 : vector<2000x128xf32>
    %get3A_36 = arith.constant 0 : index
    %get3A_37 = arith.constant 0 : index
    %get3A_38 = vector.load %arg5[%get3A_36, %get3A_37] : memref<128x256xf32, #tpu.memory_space<vmem>>, vector<128x256xf32>
    %dot_general3A_39 = arith.constant dense<0.000000e+00> : vector<2000x256xf32>
    %dot_general3A_40 = tpu.matmul %max3A_35, %get3A_38, %dot_general3A_39 {dimension_numbers = #tpu.dot_dimension_numbers<[1], [0], [0], [1], [0, 0, 1, 1], [], []>, transpose_lhs_hint = false} : vector<2000x128xf32>, vector<128x256xf32>, vector<2000x256xf32> -> vector<2000x256xf32>
    %get3A_41 = arith.constant 0 : index
    %get3A_42 = arith.constant 0 : index
    %get3A_43 = vector.load %arg6[%get3A_41, %get3A_42] : memref<1x256xf32, #tpu.memory_space<vmem>>, vector<1x256xf32>
    %add3A_44 = vector.broadcast %get3A_43 : vector<1x256xf32> to vector<2000x256xf32>
    %add3A_45 = arith.addf %dot_general3A_40, %add3A_44 : vector<2000x256xf32>
    %max3A_46 = arith.constant 0.000000e+00 : f32
    %max3A_47 = vector.broadcast %max3A_46 : f32 to vector<2000x256xf32>
    %max3A_48 = arith.maximumf %add3A_45, %max3A_47 : vector<2000x256xf32>
    %get3A_49 = arith.constant 0 : index
    %get3A_50 = arith.constant 0 : index
    %get3A_51 = vector.load %arg7[%get3A_49, %get3A_50] : memref<256x128xf32, #tpu.memory_space<vmem>>, vector<256x128xf32>
    %dot_general3A_52 = arith.constant dense<0.000000e+00> : vector<2000x128xf32>
    %dot_general3A_53 = tpu.matmul %max3A_48, %get3A_51, %dot_general3A_52 {dimension_numbers = #tpu.dot_dimension_numbers<[1], [0], [0], [1], [0, 0, 1, 1], [], []>, transpose_lhs_hint = false} : vector<2000x256xf32>, vector<256x128xf32>, vector<2000x128xf32> -> vector<2000x128xf32>
    %get3A_54 = arith.constant 0 : index
    %get3A_55 = arith.constant 0 : index
    %get3A_56 = vector.load %arg8[%get3A_54, %get3A_55] : memref<1x128xf32, #tpu.memory_space<vmem>>, vector<1x128xf32>
    %add3A_57 = vector.broadcast %get3A_56 : vector<1x128xf32> to vector<2000x128xf32>
    %add3A_58 = arith.addf %dot_general3A_53, %add3A_57 : vector<2000x128xf32>
    %swap3A = arith.constant 0 : index
    %swap3A_59 = arith.constant 0 : index
    %swap3A_60 = vector.load %arg9[%swap3A, %swap3A_59] : memref<2000x128xf32, #tpu.memory_space<vmem>>, vector<2000x128xf32>
    tpu.vector_store %arg9[%swap3A, %swap3A_59], %add3A_58 {strides = array<i32>} : memref<2000x128xf32, #tpu.memory_space<vmem>>, vector<2000x128xf32>,
    %eq3A = arith.constant 0 : i32
    %eq3A_61 = arith.cmpi eq, %arg0, %eq3A : i32
    %convert_element_type3A = arith.extui %eq3A_61 : i1 to i32
    %cond3A = arith.constant 0 : i32
    %cond3A_62 = arith.cmpi ne, %convert_element_type3A, %cond3A : i32
    scf.if %cond3A_62 {
      %broadcast_in_dim3A_75 = arith.constant 0.000000e+00 : f32
      %broadcast_in_dim3A_76 = vector.broadcast %broadcast_in_dim3A_75 : f32 to vector<1x128xf32>
      %swap3A_77 = arith.constant 0 : index
      %swap3A_78 = arith.constant 0 : index
      %swap3A_79 = vector.load %arg10[%swap3A_77, %swap3A_78] : memref<1x128xf32, #tpu.memory_space<vmem>>, vector<1x128xf32>
      tpu.vector_store %arg10[%swap3A_77, %swap3A_78], %broadcast_in_dim3A_76 {strides = array<i32>} : memref<1x128xf32, #tpu.memory_space<vmem>>, vector<1x128xf32>,
    } else {
    }
    %get3A_63 = arith.constant 0 : index
    %get3A_64 = arith.constant 0 : index
    %get3A_65 = vector.load %arg10[%get3A_63, %get3A_64] : memref<1x128xf32, #tpu.memory_space<vmem>>, vector<1x128xf32>
    %reduce_sum3A = arith.constant dense<0.000000e+00> : vector<128xf32>
    %reduce_sum3A_66 = vector.multi_reduction <add>, %add3A_58, %reduce_sum3A [0] : vector<2000x128xf32> to vector<128xf32>
    %broadcast_in_dim3A_67 = vector.shape_cast %reduce_sum3A_66 : vector<128xf32> to vector<1x128xf32>
    %mul3A_68 = arith.constant 9.99999974E-5 : f32
    %mul3A_69 = vector.broadcast %mul3A_68 : f32 to vector<1x128xf32>
    %mul3A_70 = arith.mulf %broadcast_in_dim3A_67, %mul3A_69 : vector<1x128xf32>
    %add3A_71 = arith.addf %get3A_65, %mul3A_70 : vector<1x128xf32>
    %swap3A_72 = arith.constant 0 : index
    %swap3A_73 = arith.constant 0 : index
    %swap3A_74 = vector.load %arg10[%swap3A_72, %swap3A_73] : memref<1x128xf32, #tpu.memory_space<vmem>>, vector<1x128xf32>
    tpu.vector_store %arg10[%swap3A_72, %swap3A_73], %add3A_71 {strides = array<i32>} : memref<1x128xf32, #tpu.memory_space<vmem>>, vector<1x128xf32>,
    return
  }
  func.func @transform_0(%arg0: i32) -> (i32, i32, i32) {
    %c0_i32 = arith.constant 0 : i32
    %c0_i32_0 = arith.constant 0 : i32
    %c0_i32_1 = arith.constant 0 : i32
    return %c0_i32, %arg0, %c0_i32_0 : i32, i32, i32
  }
  func.func @transform_1(%arg0: i32) -> (i32, i32, i32) {
    %c0_i32 = arith.constant 0 : i32
    %c0_i32_0 = arith.constant 0 : i32
    %c0_i32_1 = arith.constant 0 : i32
    return %c0_i32, %arg0, %c0_i32_0 : i32, i32, i32
  }
  func.func @transform_2(%arg0: i32) -> (i32, i32) {
    %c0_i32 = arith.constant 0 : i32
    %c0_i32_0 = arith.constant 0 : i32
    %c0_i32_1 = arith.constant 0 : i32
    return %c0_i32, %c0_i32_0 : i32, i32
  }
  func.func @transform_3(%arg0: i32) -> (i32, i32) {
    %c0_i32 = arith.constant 0 : i32
    %c0_i32_0 = arith.constant 0 : i32
    %c0_i32_1 = arith.constant 0 : i32
    return %c0_i32, %c0_i32_0 : i32, i32
  }
  func.func @transform_4(%arg0: i32) -> (i32, i32) {
    %c0_i32 = arith.constant 0 : i32
    %c0_i32_0 = arith.constant 0 : i32
    %c0_i32_1 = arith.constant 0 : i32
    return %c0_i32, %c0_i32_0 : i32, i32
  }
  func.func @transform_5(%arg0: i32) -> (i32, i32) {
    %c0_i32 = arith.constant 0 : i32
    %c0_i32_0 = arith.constant 0 : i32
    %c0_i32_1 = arith.constant 0 : i32
    return %c0_i32, %c0_i32_0 : i32, i32
  }
  func.func @transform_6(%arg0: i32) -> (i32, i32) {
    %c0_i32 = arith.constant 0 : i32
    %c0_i32_0 = arith.constant 0 : i32
    %c0_i32_1 = arith.constant 0 : i32
    return %c0_i32, %c0_i32_0 : i32, i32
  }
  func.func @transform_7(%arg0: i32) -> (i32, i32) {
    %c0_i32 = arith.constant 0 : i32
    %c0_i32_0 = arith.constant 0 : i32
    %c0_i32_1 = arith.constant 0 : i32
    return %c0_i32, %c0_i32_0 : i32, i32
  }
  func.func @transform_8(%arg0: i32) -> (i32, i32) {
    %c0_i32 = arith.constant 0 : i32
    %c0_i32_0 = arith.constant 0 : i32
    return %arg0, %c0_i32 : i32, i32
  }
  func.func @transform_9(%arg0: i32) -> (i32, i32) {
    %c0_i32 = arith.constant 0 : i32
    %c0_i32_0 = arith.constant 0 : i32
    %c0_i32_1 = arith.constant 0 : i32
    return %c0_i32, %c0_i32_0 : i32, i32
  }
}

</mosaic_0001>

<sc_bundles>
// kernel: kernel.6.cloned.1.call-start
scs
__scs_entry_jumppad:
0x0: {  	(pc) =	sbr.rel $0x88, $3  }
0x1: {  	(tag) =	ssettag $0x0;
	lr =	simm.s32 $0x1  }
0x2: {  	[smem:$0x3F97] =	sst lr;
	_ =	strace $0xD0000000  }
0x3: {  	_ = 	snop  }
0x4: {  	_ = 	snop  }
0x5: {  	_ = 	snop  }
0x6: {  	_ = 	snop  }
0x7: {  	_ = 	snop  }
__scs_overlays_trampoline_lowered:
0x8: {  	[smem:$0x3FA6] =	sst s0  }
0x9: {  	[smem:$0x3FA7] =	sst s1  }
0xa: {  	[smem:$0x3FA8] =	sst s2  }
0xb: {  	[smem:$0x3FA9] =	sst s3  }
0xc: {  	[smem:$0x3FAA] =	sst s4  }
0xd: {  	[smem:$0x3FAB] =	sst s5  }
0xe: {  	[smem:$0x3FAC] =	sst s6  }
0xf: {  	[smem:$0x3FAD] =	sst s7  }
0x10: {  	[smem:$0x3FAE] =	sst s8  }
0x11: {  	[smem:$0x3FAF] =	sst s9;
	s0 =	simm.s32 @!p0 $0x0  }
0x12: {  	s1 =	sld [smem:$0x3F95];
	s0 =	simm.s32 @p0 $0x1  }
0x13: {  	[smem:$0x3FB0] =	sst s0;
	s0 =	simm.s32 @!p1 $0x0  }
0x14: {  	s2 =	sld [smem:$0x3F94];
	s0 =	simm.s32 @p1 $0x1  }
0x15: {  	[smem:$0x3FB1] =	sst s0;
	s0 =	simm.s32 @!p2 $0x0  }
0x16: {  	s3 =	sld [smem:$0x3FDB];
	s0 =	simm.s32 @p2 $0x1  }
0x17: {  	s4 =	simm.s32 $0x1BF5;
	[smem:$0x3FB3] =	sst s0  }
0x18: {  	s0 =	sld [smem:$0x3F96];
	_ =	swait.ge [sflag:s4], $0x0  }
0x19: {  	s7 =	sld [smem:$0x3F97]  }
0x1a: {  	s8 =	sadd.s32 $0xFFFFE003, lr  }
0x1b: {  	s9 =	sadd.s32 $0xFFFFFEF7, lr;
	s5 =	simm.s32 $0xFFFFFFFF;
	p2 =	slt.u32 s8, $0xFFFFF086  }
0x1c: {  	p1 =	slt.u32 s9, $0xF7A;
	s5 =	simm.s32 @!p2 $0x0  }
0x1d: {  	s5 =	simm.s32 @p1 $0x1;
	p0 =	seq.s32 s7, s2  }
0x1e: {  	s7 =	smul.u32 @!p0 $0xF7A, s2;
	p2 =	seq.s32 @!p0 s5, $0x0  }
0x1f: {  	s9 =	smul.u32 $0xF7A, s1;
	s8 =	simm.s32 @!p0 $0x1BF5;
	p2 =	por !p2, p0  }
0x20: {  	[sflag:s8] =	ssyncset.s32 @!p0 $0xFFFFF086;
	s6 =	sadd.s32 @!p0 s3, s7;
	s7 =	simm.s32 @!p0 $0x108  }
0x21: {  	s3 =	sadd.s32 s3, s9;
	s6 =	sadd.s32 @!p0 $0x88, s6;
	s7 =	simm.s32 @p2 $0x1082  }
0x22: {  	[simem:s7], [sflag:s8] =	dma.local @!p0 [hbm:s6], $0xF7A  }
0x23: {  	s9 =	sor.u32 $0xD0000000, s2;
	s6 =	simm.s32 $0x108;
	_ =	swait.ge @!p0 [sflag:s8], $0x0  }
0x24: {  	s3 =	sadd.s32 $0x88, s3;
	s6 =	simm.s32 @!p1 $0x1082;
	[sflag:s4] =	ssyncset.s32 $0xFFFFF086  }
0x25: {  	[simem:s6], [sflag:s4] =	dma.local [hbm:s3], $0xF7A  }
0x26: {  	[smem:$0x3F97] =	sst s1;
	(tag) =	ssettag s2;
	_ =	strace s9  }
0x27: {  	s1 =	sld [smem:$0x3FA7]  }
0x28: {  	s2 =	sld [smem:$0x3FA8]  }
0x29: {  	s4 =	sld [smem:$0x3FAA]  }
0x2a: {  	p0 =	seq.s32 s5, $0x0;
	s5 =	sld [smem:$0x3FAB]  }
0x2b: {  	s6 =	sld [smem:$0x3FAC]  }
0x2c: {  	s7 =	sld [smem:$0x3FAD]  }
0x2d: {  	s3 =	simm.s32 $0x108;
	s8 =	sld [smem:$0x3FAE]  }
0x2e: {  	s3 =	simm.s32 @!p0 $0x1082;
	s9 =	sld [smem:$0x3FAF]  }
0x2f: {  	lr =	sadd.s32 s0, s3;
	s0 =	sld [smem:$0x3FA6]  }
0x30: {  	s3 =	sld [smem:$0x3FA9]  }
0x31: {  	[smem:$0x3FB2] =	sst s10  }
0x32: {  	s10 =	sld [smem:$0x3FB0];
	_ =	sdelay $0x3  }
0x33: {  	p0 =	seq.s32 s10, $0x1;
	s10 =	sld [smem:$0x3FB2];
	_ =	sdelay $0x3  }
0x34: {  	[smem:$0x3FB2] =	sst s10  }
0x35: {  	s10 =	sld [smem:$0x3FB1];
	_ =	sdelay $0x3  }
0x36: {  	p1 =	seq.s32 s10, $0x1;
	s10 =	sld [smem:$0x3FB2];
	_ =	sdelay $0x3  }
0x37: {  	[smem:$0x3FB2] =	sst s10  }
0x38: {  	s10 =	sld [smem:$0x3FB3]  }
0x39: {  	_ = 	snop;
	(pc) =	sbr.ind lr, $3  }
0x3a: {  	_ = 	snop  }
0x3b: {  	_ = 	snop  }
0x3c: {  	p2 =	seq.s32 s10, $0x1;
	s10 =	sld [smem:$0x3FB2]  }
0x3d: {  	_ =	shalt  }
0x3e: {  	_ =	shalt  }
0x3f: {  	_ =	shalt  }
0x40: {  	_ =	shalt  }
0x41: {  	_ =	shalt  }
0x42: {  	_ =	shalt  }
0x43: {  	_ =	shalt  }
0x44: {  	_ =	shalt  }
0x45: {  	_ =	shalt  }
0x46: {  	_ =	shalt  }
0x47: {  	_ =	shalt  }
0x48: {  	_ =	shalt  }
0x49: {  	_ =	shalt  }
0x4a: {  	_ =	shalt  }
0x4b: {  	_ =	shalt  }
0x4c: {  	_ =	shalt  }
0x4d: {  	_ =	shalt  }
0x4e: {  	_ =	shalt  }
0x4f: {  	_ =	shalt  }
0x50: {  	_ =	shalt  }
0x51: {  	_ =	shalt  }
0x52: {  	_ =	shalt  }
0x53: {  	_ =	shalt  }
0x54: {  	_ =	shalt  }
0x55: {  	_ =	shalt  }
0x56: {  	_ =	shalt  }
0x57: {  	_ =	shalt  }
0x58: {  	_ =	shalt  }
0x59: {  	_ =	shalt  }
0x5a: {  	_ =	shalt  }
0x5b: {  	_ =	shalt  }
0x5c: {  	_ =	shalt  }
0x5d: {  	_ =	shalt  }
0x5e: {  	_ =	shalt  }
0x5f: {  	_ =	shalt  }
0x60: {  	_ =	shalt  }
0x61: {  	_ =	shalt  }
0x62: {  	_ =	shalt  }
0x63: {  	_ =	shalt  }
0x64: {  	_ =	shalt  }
0x65: {  	_ =	shalt  }
0x66: {  	_ =	shalt  }
0x67: {  	_ =	shalt  }
0x68: {  	_ =	shalt  }
0x69: {  	_ =	shalt  }
0x6a: {  	_ =	shalt  }
0x6b: {  	_ =	shalt  }
0x6c: {  	_ =	shalt  }
0x6d: {  	_ =	shalt  }
0x6e: {  	_ =	shalt  }
0x6f: {  	_ =	shalt  }
0x70: {  	_ =	shalt  }
0x71: {  	_ =	shalt  }
0x72: {  	_ =	shalt  }
0x73: {  	_ =	shalt  }
0x74: {  	_ =	shalt  }
0x75: {  	_ =	shalt  }
0x76: {  	_ =	shalt  }
0x77: {  	_ =	shalt  }
0x78: {  	_ =	shalt  }
0x79: {  	_ =	shalt  }
0x7a: {  	_ =	shalt  }
0x7b: {  	_ =	shalt  }
0x7c: {  	_ =	shalt  }
0x7d: {  	_ =	shalt  }
0x7e: {  	_ =	shalt  }
0x7f: {  	_ =	shalt  }
0x80: {  	_ =	shalt  }
0x81: {  	_ =	shalt  }
0x82: {  	_ =	shalt  }
0x83: {  	_ =	shalt  }
0x84: {  	_ =	shalt  }
0x85: {  	_ =	shalt  }
0x86: {  	_ =	shalt  }
0x87: {  	_ =	shalt  }
.Lfunc_end0:
.L_simem_size_0:
called_computation_lowered:
.L_overlay_start_0:
0x88: {  	s2 =	sld [smem:$0x3FD9]  }
0x89: {  	s3 =	sld [smem:$0x3FFE];
	_ =	sdelay $0x1  }
0x8a: {  	s1 =	srdreg.scid  }
0x8b: {  	s0 =	sand.u32 $0x1, s1  }
0x8c: {  	s14 =	sshll.u32 s0, $0xA;
	s2 =	sadd.s32 s3, s2  }
0x8d: {  	s2 =	sadd.s32 s2, s14  }
0x8e: {  	[smem:$0x3FBE] =	sst s2  }
0x8f: {  	_ = 	snop  }
0x90: {  	s2 =	sld [smem:$0x3FD0];
	_ =	sdelay $0x2  }
0x91: {  	s15 =	simm.s32 $0xA;
	s4 =	simm.s32 $0x10  }
0x92: {  	[smem:s4], [sflag:s15] =	dma.local [hbm:s2], $0x1  }
0x93: {  	_ =	swait.eq [sflag:s15], $0x1  }
0x94: {  	[sflag:s15] =	ssyncset.done $0x0  }
0x95: {  	[sflag:s15] =	ssyncadd.s32 $0xFFFFFFFF  }
0x96: {  	s16 =	sld [smem:$0x11];
	(tm) =	ssettm $0x1  }
0x97: {  	s17 =	sld [smem:$0x3FFB];
	_ =	sdelay $0x3  }
0x98: {  	_ =	strace s17  }
0x99: {  	s3 =	sld [smem:$0x3FFC];
	_ =	sdelay $0x3  }
0x9a: {  	_ =	strace s3  }
0x9b: {  	s3 =	sld [smem:$0x3FFD];
	_ =	sdelay $0x3  }
0x9c: {  	_ =	strace s3  }
0x9d: {  	_ =	strace $0x8FFFFFFF  }
0x9e: {  	s18 =	sld [smem:$0x3FDB];
	_ =	sdelay $0x1  }
0x9f: {  	s19 =	simm.s32 $_scs_section_size  }
0xa0: {  	s5 =	simm.s32 $_size__tile_overlayer_lowered;
	s6 =	simm.s32 $_tile_overlayer_lowered  }
0xa1: {  	s22 =	simm.s32 $0x1BFF;
	s21 =	sshll.u32 s6, $0x1;
	s3 =	sadd.s32 s19, s18  }
0xa2: {  	s7 =	simm.s32 $0x0;
	s20 =	sshll.u32 s5, $0x1;
	s5 =	sadd.s32 s21, s3  }
0xa3: {  	[timem:s7], [sflag:s22] =	dma.local [hbm:s5], s20  }
0xa4: {  	_ =	swait.ge [sflag:s22], s20  }
0xa5: {  	s4 =	ssub.s32 $0x0, s20;
	[sflag:s22] =	ssyncset.done $0x0  }
0xa6: {  	[sflag:s22] =	ssyncadd.s32 s4;
	_ =	sdelay $0x1  }
0xa7: {  	s23 =	simm.s32 $0x1B8B  }
0xa8: {  	_ =	swait.ge [sflag:s23], $0x1  }
0xa9: {  	[sflag:s23] =	ssyncset.done $0x0  }
0xaa: {  	s25 =	simm.s32 $0x1B8E;
	s24 =	sld [smem:$0x3FFE];
	[sflag:s23] =	ssyncadd.s32 $0xFFFFFFFF  }
0xab: {  	s26 =	simm.s32 $execute0_lowered;
	[smem:$0x3FD2] =	sst s25  }
0xac: {  	s5 =	sshll.u32 s26, $0x1;
	_ =	strace $0x80000046;
	[dreg:$0x1] =	wrdreg $0xFFFFFFFF  }
0xad: {  	s28 =	simm.s32 $_size_execute0_lowered;
	s3 =	sadd.s32 s3, s5;
	[dreg:$0x0] =	wrdreg $0x0  }
0xae: {  	s5 =	sshll.u32 s28, $0x1;
	[dreg:$0x2] =	wrdreg s3  }
0xaf: {  	[dreg:$0x3] =	wrdreg s5  }
0xb0: {  	[dreg:$0x4] =	wrdreg $0xC0  }
0xb1: {  	_ =	task [dreg:s7], $0x5FFFF  }
0xb2: {  	[dreg:$0x1] =	wrdreg $0xFFFFFFFF  }
0xb3: {  	[dreg:$0x0] =	wrdreg $0x60  }
0xb4: {  	[dreg:$0x2] =	wrdreg s16  }
0xb5: {  	[dreg:$0x3] =	wrdreg s24  }
0xb6: {  	[dreg:$0x4] =	wrdreg $0x12D400  }
0xb7: {  	[dreg:$0x5] =	wrdreg $0x1CD400  }
0xb8: {  	[dreg:$0x6] =	wrdreg $0x9  }
0xb9: {  	_ =	task.clear_ibuf [dreg:s7], $0x7FFFF;
	_ =	strace $0x90000046  }
0xba: {  	s29 =	simm.s32 $0x9;
	_ =	strace $0x80000048  }
0xbb: {  	_ =	swait.ge [sflag:s29], $0x1  }
0xbc: {  	[sflag:s29] =	ssyncadd.s32 $0xFFFFFFFF  }
0xbd: {  	_ =	strace $0x90000048  }
0xbe: {  	_ =	sfence  }
0xbf: {  	s30 =	sld [smem:$0x0];
	_ =	sdelay $0x2  }
0xc0: {  	s31 =	sshll.u32 s1, $0xD;
	s1 =	sshrl.u32 s1, $0x2  }
0xc1: {  	s3 =	sand.u32 $0x4000, s31;
	s1 =	sadd.s32 s1, s30  }
0xc2: {  	s0 =	sor.u32 s3, s0;
	s1 =	sshll.u32 s1, $0x11  }
0xc3: {  	s0 =	sor.u32 s1, s0  }
0xc4: {  	s0 =	sadd.s32 $0x8F2B, s0  }
0xc5: {  	[sflag:s0] =	ssyncadd.remote.s32 $0x1  }
0xc6: {  	_ =	sfence.sel $0xFFFF  }
0xc7: {  	[dreg:$0x0] =	wrdreg $0xFFFFFFFF;
	(pc) =	sbr.abs _section_cstart, $3  }
0xc8: {  	[dreg:$0x1] =	wrdreg $0xFFFFFFFF  }
0xc9: {  	_ =	task.clear_ibuf [dreg:s7], $0x2FFFF;
	_ =	strace $0x9FFFFFFF  }
0xca: {  	(tm) =	ssettm $0x7FFFFFFF  }
0xcb: {  	_ =	shalt  }
tec
execute0_lowered:
.L_overlay_start_1:
0x0: {  	(tag) =	ssettag $0x1  }
0x1: {  	s0 =	rddreg [dreg:$0x0]  }
0x2: {  	s1 =	rddreg [dreg:$0x1]  }
0x3: {  	s11 =	stileid.u32;
	s3 =	srdreg.scid  }
0x4: {  	s2 =	rddreg [dreg:$0x2];
	s5 =	smul.u32 $0x9C4, s11  }
0x5: {  	s4 =	rddreg [dreg:$0x3];
	s8 =	simm.s32 $0x0;
	s6 =	smul.u32 $0xA000, s11  }
0x6: {  	s28 =	simm.s32 $0x50;
	s29 =	simm.s32 $0x9C40;
	s9 =	smul.u32 $0x2800, s11  }
0x7: {  	s30 =	simm.s32 $0xC440;
	s3 =	sand.u32 $0x1, s3;
	s11 =	smul.u32 $0x280, s11  }
0x8: {  	s31 =	simm.s32 $0xEC40;
	[smem:$0x7FF] =	sst s8;
	s7 =	smul.u32 $0xA0000, s3  }
0x9: {  	s24 =	smul.u32 $0x28000, s3;
	_ =	strace $0x80000047;
	s10 =	ssub.s32 $0x2, s3  }
0xa: {  	s20 =	smul.u32 $0x13880, s3;
	s5 =	sadd.s32 s5, s1;
	s25 =	sshrl.u32 s10, $0x1  }
0xb: {  	s12 =	sadd.s32 $0x80, s11;
	s14 =	sadd.s32 $0x100, s11;
	s15 =	sadd.s32 $0x180, s11  }
0xc: {  	s19 =	sadd.s32 $0x200, s11;
	s7 =	sadd.s32 s6, s7;
	s8 =	sadd.s32 s9, s24  }
0xd: {  	s10 =	ssub.s32 s10, s25;
	s26 =	sadd.s32 $0xC600, s5;
	s5 =	sadd.s32 $0x2800, s5  }
0xe: {  	s9 =	sadd.s32 s9, s4;
	s13 =	sshll.u32 s12, $0x4;
	s16 =	sshll.u32 s14, $0x6  }
0xf: {  	s18 =	sshll.u32 s15, $0x4;
	s21 =	sshll.u32 s19, $0x6;
	[dreg:$0x7] =	wrdreg s26  }
0x10: {  	s25 =	simm.s32 $0xB040;
	s7 =	sshrl.u32 s7, $0x3;
	[dreg:$0x8] =	wrdreg s5  }
0x11: {  	s8 =	sshrl.u32 s8, $0x3;
	[dreg:$0x5] =	wrdreg s25;
	s26 =	simm.s32 $0xD840  }
0x12: {  	s7 =	sadd.s32 s7, s1;
	s1 =	sadd.s32 s8, s1;
	s8 =	sadd.s32 s6, s2  }
0x13: {  	s6 =	sshll.u32 s12, $0x6;
	s12 =	sadd.s32 s16, s2;
	[dreg:$0x6] =	wrdreg s26  }
0x14: {  	s25 =	simm.s32 $0x1;
	s5 =	sadd.s32 s6, s2;
	[dreg:$0xb] =	wrdreg s12  }
0x15: {  	s26 =	simm.s32 $0x2;
	s23 =	sadd.s32 $0x16400, s7;
	[dreg:$0x9] =	wrdreg s5  }
0x16: {  	s6 =	sshll.u32 s19, $0x4;
	s24 =	sadd.s32 $0x3E400, s1;
	[dreg:$0x11] =	wrdreg s23  }
0x17: {  	s1 =	simm.s32 $0x4;
	s5 =	sadd.s32 s13, s4;
	[dreg:$0x12] =	wrdreg s24  }
0x18: {  	s13 =	sshll.u32 s15, $0x6;
	s22 =	sadd.s32 s6, s4;
	[dreg:$0xa] =	wrdreg s5  }
0x19: {  	s5 =	sshll.u32 s14, $0x4;
	s17 =	sadd.s32 s13, s2;
	[dreg:$0x10] =	wrdreg s22  }
0x1a: {  	s23 =	simm.s32 $0x10040;
	s5 =	sadd.s32 s5, s4;
	[dreg:$0xd] =	wrdreg s17  }
0x1b: {  	s24 =	simm.s32 $0x12540;
	[dreg:$0xc] =	wrdreg s5;
	s5 =	sadd.s32 s18, s4  }
0x1c: {  	s22 =	simm.s32 $0x0;
	[dreg:$0xe] =	wrdreg s5;
	s5 =	sadd.s32 s21, s2  }
0x1d: {  	v0 =	vimm.f32 $0.0e+00;
	v1 =	vimm.f32 $1.000000000e+00;
	s18 =	sadd.s32 s0, s20;
	s21 =	smax.u32 s10, $0x1;
	[dreg:$0xf] =	wrdreg s5  }
.LBB2_1:
0x1e: {  	s0 =	simm.s32 $0x0;
	s5 =	rddreg [dreg:$0x7]  }
0x1f: {  	[tilespmem:s0], [sflag:$0x1] =	stream.linear.gather [hbm4b:s5+s0], $0x4E20, $0x38;
	[tilespmem:$0x1F540] =	vst v63  }
0x20: {  	s20 =	rddreg [dreg:$0x8];
	s6 =	simm.s32 $0x4E20  }
0x21: {  	[tilespmem:s6], [sflag:$0x1] =	stream.linear.gather [hbm4b:s20+s0], $0x4E20, $0x38;
	[tilespmem:$0x1F540] =	vst v63  }
0x22: {  	s5 =	simm.s32 $0x100;
	s0 =	simm.s32 $0x0  }
.LBB2_2:
0x23: {  	p0 =	sne.s32 s5, $0x7F00;
	[tilespmem:s0+$0x10070] =	vst v0;
	s6 =	smov.u32 s5;
	s5 =	sadd.s32 $0x100, s5  }
.Ltmp0:
0x24: {  	[tilespmem:s0+$0x10060] =	vst v0;
	(pc) =	sbr.rel @p0 .LBB2_2-.Ltmp0, $3  }
0x25: {  	[tilespmem:s0+$0x10040] =	vst v0  }
0x26: {  	[tilespmem:s0+$0x10050] =	vst v0;
	_ =	sdelay $0x1  }
0x27: {  	s0 =	sshra.s32 s6, $0x2  }
0x28: {  	[tilespmem:s0+$0x10070] =	vst v0  }
0x29: {  	[tilespmem:s0+$0x10060] =	vst v0  }
0x2a: {  	[tilespmem:s0+$0x10040] =	vst v0  }
0x2b: {  	[tilespmem:s0+$0x10050] =	vst v0;
	s0 =	simm.s32 $0x40;
	s5 =	simm.s32 $0x0  }
.LBB2_4:
0x2c: {  	p0 =	sne.s32 s0, $0x13C0;
	[tilespmem:s5+$0x12040] =	vst v1;
	s5 =	smov.u32 s0;
	s0 =	sadd.s32 $0x40, s0  }
.Ltmp1:
0x2d: {  	(pc) =	sbr.rel @p0 .LBB2_4-.Ltmp1, $2  }
0x2e: {  	_ =	sdelay $0x2  }
0x2f: {  	s5 =	sshra.s32 s5, $0x2  }
0x30: {  	[tilespmem:s5+$0x12040] =	vst v1;
	s0 =	simm.s32 $0x40;
	s5 =	simm.s32 $0x0  }
.LBB2_6:
0x31: {  	p0 =	sne.s32 s0, $0x1FC0;
	[tilespmem:s5+$0x12540] =	vst v0;
	s5 =	smov.u32 s0;
	s0 =	sadd.s32 $0x40, s0  }
.Ltmp2:
0x32: {  	(pc) =	sbr.rel @p0 .LBB2_6-.Ltmp2, $2  }
0x33: {  	_ =	sdelay $0x2  }
0x34: {  	s5 =	sshra.s32 s5, $0x2  }
0x35: {  	[tilespmem:s5+$0x12540] =	vst v0  }
0x36: {  	[spmem:s8] =	stream.linear.scatter [tilespmem:s23], [sflag:$0x2], $0x2000, $0x38;
	[tilespmem:$0x1F540] =	vst v63  }
0x37: {  	_ = 	snop  }
0x38: {  	[spmem:s9] =	stream.linear.scatter [tilespmem:s24], [sflag:$0x2], $0x800, $0x38;
	[tilespmem:$0x1F540] =	vst v63  }
0x39: {  	s0 =	rddreg [dreg:$0x9]  }
0x3a: {  	[spmem:s0] =	stream.linear.scatter [tilespmem:s23], [sflag:$0x2], $0x2000, $0x38;
	[tilespmem:$0x1F540] =	vst v63  }
0x3b: {  	s16 =	rddreg [dreg:$0xa]  }
0x3c: {  	[spmem:s16] =	stream.linear.scatter [tilespmem:s24], [sflag:$0x2], $0x800, $0x38;
	[tilespmem:$0x1F540] =	vst v63  }
0x3d: {  	s17 =	rddreg [dreg:$0xb]  }
0x3e: {  	[spmem:s17] =	stream.linear.scatter [tilespmem:s23], [sflag:$0x2], $0x2000, $0x38;
	[tilespmem:$0x1F540] =	vst v63  }
0x3f: {  	s19 =	rddreg [dreg:$0xc]  }
0x40: {  	[spmem:s19] =	stream.linear.scatter [tilespmem:s24], [sflag:$0x2], $0x800, $0x38;
	[tilespmem:$0x1F540] =	vst v63  }
0x41: {  	s20 =	rddreg [dreg:$0xd]  }
0x42: {  	[spmem:s20] =	stream.linear.scatter [tilespmem:s23], [sflag:$0x2], $0x2000, $0x38;
	[tilespmem:$0x1F540] =	vst v63  }
0x43: {  	s5 =	rddreg [dreg:$0xe]  }
0x44: {  	[spmem:s5] =	stream.linear.scatter [tilespmem:s24], [sflag:$0x2], $0x800, $0x38;
	[tilespmem:$0x1F540] =	vst v63  }
0x45: {  	s6 =	rddreg [dreg:$0xf]  }
0x46: {  	[spmem:s6] =	stream.linear.scatter [tilespmem:s23], [sflag:$0x2], $0x2000, $0x38;
	[tilespmem:$0x1F540] =	vst v63  }
0x47: {  	s7 =	rddreg [dreg:$0x10]  }
0x48: {  	[spmem:s7] =	stream.linear.scatter [tilespmem:s24], [sflag:$0x2], $0x800, $0x38;
	[tilespmem:$0x1F540] =	vst v63  }
0x49: {  	_ =	swait.ge [sflag:s25], $0x4E20  }
0x4a: {  	[sflag:s25] =	ssyncset.done $0x0  }
0x4b: {  	[sflag:s25] =	ssyncadd.s32 $0xFFFFB1E0  }
0x4c: {  	_ =	swait.ge [sflag:s25], $0x4E20  }
0x4d: {  	[sflag:s25] =	ssyncset.done $0x0  }
0x4e: {  	[sflag:s25] =	ssyncadd.s32 $0xFFFFB1E0  }
0x4f: {  	_ =	swait.ge [sflag:s26], $0x2000  }
0x50: {  	[sflag:s26] =	ssyncset.done $0x0  }
0x51: {  	[sflag:s26] =	ssyncadd.s32 $0xFFFFE000  }
0x52: {  	_ =	swait.ge [sflag:s26], $0x800  }
0x53: {  	[sflag:s26] =	ssyncset.done $0x0  }
0x54: {  	[sflag:s26] =	ssyncadd.s32 $0xFFFFF800  }
0x55: {  	_ =	swait.ge [sflag:s26], $0x2000  }
0x56: {  	[sflag:s26] =	ssyncset.done $0x0  }
0x57: {  	[sflag:s26] =	ssyncadd.s32 $0xFFFFE000  }
0x58: {  	_ =	swait.ge [sflag:s26], $0x800  }
0x59: {  	[sflag:s26] =	ssyncset.done $0x0  }
0x5a: {  	[sflag:s26] =	ssyncadd.s32 $0xFFFFF800  }
0x5b: {  	_ =	swait.ge [sflag:s26], $0x2000  }
0x5c: {  	[sflag:s26] =	ssyncset.done $0x0  }
0x5d: {  	[sflag:s26] =	ssyncadd.s32 $0xFFFFE000  }
0x5e: {  	_ =	swait.ge [sflag:s26], $0x800  }
0x5f: {  	[sflag:s26] =	ssyncset.done $0x0  }
0x60: {  	[sflag:s26] =	ssyncadd.s32 $0xFFFFF800  }
0x61: {  	_ =	swait.ge [sflag:s26], $0x2000  }
0x62: {  	[sflag:s26] =	ssyncset.done $0x0  }
0x63: {  	[sflag:s26] =	ssyncadd.s32 $0xFFFFE000  }
0x64: {  	_ =	swait.ge [sflag:s26], $0x800  }
0x65: {  	[sflag:s26] =	ssyncset.done $0x0  }
0x66: {  	[sflag:s26] =	ssyncadd.s32 $0xFFFFF800  }
0x67: {  	_ =	swait.ge [sflag:s26], $0x2000  }
0x68: {  	[sflag:s26] =	ssyncset.done $0x0  }
0x69: {  	[sflag:s26] =	ssyncadd.s32 $0xFFFFE000  }
0x6a: {  	_ =	swait.ge [sflag:s26], $0x800  }
0x6b: {  	[sflag:s26] =	ssyncset.done $0x0  }
0x6c: {  	[sflag:s26] =	ssyncadd.s32 $0xFFFFF800  }
0x6d: {  	s10 =	simm.s32 $0x0;
	[bflag:$0x0] =	sbarrier.arrive $0xFFFF  }
0x6e: {  	[tilespmem:s29], [sflag:$0x1] =	stream.indirect.gather [hbm4b:s18+s28], $0x40, s10, s28, $0xb8;
	[tilespmem:$0x1F540] =	vst v63  }
0x6f: {  	s12 =	simm.s32 $0x50;
	s11 =	rddreg [dreg:$0x5]  }
0x70: {  	[tilespmem:s11], [sflag:$0x1] =	stream.indirect.gather [hbm4b:s18+s28], $0x40, s12, s28, $0xb8;
	[tilespmem:$0x1F540] =	vst v63  }
0x71: {  	s13 =	simm.s32 $0xA0  }
0x72: {  	[tilespmem:s30], [sflag:$0x1] =	stream.indirect.gather [hbm4b:s18+s28], $0x40, s13, s28, $0xb8;
	[tilespmem:$0x1F540] =	vst v63  }
0x73: {  	s15 =	simm.s32 $0x0;
	s6 =	simm.s32 $0xF0;
	s14 =	rddreg [dreg:$0x6]  }
0x74: {  	[tilespmem:s14], [sflag:$0x1] =	stream.indirect.gather [hbm4b:s18+s28], $0x40, s6, s28, $0xb8;
	[tilespmem:$0x1F540] =	vst v63  }
0x75: {  	s0 =	sand.u32 $0x1, s15;
	s16 =	simm.s32 $0x140  }
0x76: {  	[tilespmem:s31], [sflag:$0x1] =	stream.indirect.gather [hbm4b:s18+s28], $0x40, s16, s28, $0xb8;
	[tilespmem:$0x1F540] =	vst v63  }
0x77: {  	p0 =	sne.s32 s3, s0;
	_ =	swait.ge [sflag:s25], $0x1400  }
0x78: {  	s0 =	simm.s32 @!p0 $0x12040;
	[sflag:s25] =	ssyncset.done $0x0  }
0x79: {  	s5 =	simm.s32 @!p0 $0x4E20;
	s6 =	simm.s32 @!p0 $0x50;
	[sflag:s25] =	ssyncadd.s32 $0xFFFFEC00  }
0x7a: {  	[spmem:s4] =	stream.indirect.scatter.add.f32 @!p0 [tilespmem:s0], [sflag:$0x3], $0x10, s5, s6, $0xb8;
	[tilespmem:$0x1F540] =	vst v63  }
0x7b: {  	s17 =	simm.s32 $0x4E20  }
0x7c: {  	[spmem:s2] =	stream.indirect.scatter.add.f32 [tilespmem:s29], [sflag:$0x4], $0x40, s17, s28, $0xb8;
	[tilespmem:$0x1F540] =	vst v63  }
0x7d: {  	_ =	swait.ge [sflag:s1], $0x1400  }
0x7e: {  	[sflag:s1] =	ssyncset.done $0x0  }
0x7f: {  	[sflag:s1] =	ssyncadd.s32 $0xFFFFEC00  }
0x80: {  	_ =	swait.ge [sflag:s25], $0x1400  }
0x81: {  	s7 =	simm.s32 @p0 $0x4;
	s10 =	simm.s32 $0x4E70;
	[sflag:s25] =	ssyncset.done $0x0  }
0x82: {  	s11 =	simm.s32 @p0 $0x50;
	s5 =	simm.s32 @p0 $0xB040;
	[sflag:s25] =	ssyncadd.s32 $0xFFFFEC00  }
0x83: {  	[spmem:s2] =	stream.indirect.scatter.add.f32 @p0 [tilespmem:s5], [sflag:$0x4], $0x40, s10, s11, $0xb8;
	[tilespmem:$0x1F540] =	vst v63  }
0x84: {  	_ =	swait.ge @p0 [sflag:s7], $0x1400  }
0x85: {  	[sflag:s7] =	ssyncset.done @p0 $0x0  }
0x86: {  	s5 =	simm.s32 @p0 $0x1;
	[sflag:s7] =	ssyncadd.s32 @p0 $0xFFFFEC00  }
0x87: {  	_ =	swait.ge @p0 [sflag:s5], $0x1400  }
0x88: {  	[sflag:s5] =	ssyncset.done @p0 $0x0  }
0x89: {  	[sflag:s5] =	ssyncadd.s32 @p0 $0xFFFFEC00  }
0x8a: {  	[spmem:s4] =	stream.indirect.scatter.add.f32 @!p0 [tilespmem:s0], [sflag:$0x3], $0x10, s10, s6, $0xb8;
	[tilespmem:$0x1F540] =	vst v63  }
0x8b: {  	s12 =	simm.s32 @!p0 $0xB040;
	s13 =	simm.s32 @!p0 $0x4  }
0x8c: {  	[spmem:s2] =	stream.indirect.scatter.add.f32 @!p0 [tilespmem:s12], [sflag:$0x4], $0x40, s10, s6, $0xb8;
	[tilespmem:$0x1F540] =	vst v63  }
0x8d: {  	_ =	swait.ge @!p0 [sflag:s13], $0x1400  }
0x8e: {  	[sflag:s13] =	ssyncset.done @!p0 $0x0  }
0x8f: {  	s10 =	simm.s32 @!p0 $0x1;
	[sflag:s13] =	ssyncadd.s32 @!p0 $0xFFFFEC00  }
0x90: {  	_ =	swait.ge @!p0 [sflag:s10], $0x1400  }
0x91: {  	[sflag:s10] =	ssyncset.done @!p0 $0x0  }
0x92: {  	s12 =	simm.s32 @!p0 $0x4EC0;
	[sflag:s10] =	ssyncadd.s32 @!p0 $0xFFFFEC00  }
0x93: {  	[spmem:s4] =	stream.indirect.scatter.add.f32 @!p0 [tilespmem:s0], [sflag:$0x3], $0x10, s12, s6, $0xb8;
	[tilespmem:$0x1F540] =	vst v63  }
0x94: {  	s19 =	simm.s32 $0x4EC0  }
0x95: {  	[spmem:s2] =	stream.indirect.scatter.add.f32 [tilespmem:s30], [sflag:$0x4], $0x40, s19, s28, $0xb8;
	[tilespmem:$0x1F540] =	vst v63  }
0x96: {  	_ =	swait.ge [sflag:s1], $0x1400  }
0x97: {  	[sflag:s1] =	ssyncset.done $0x0  }
0x98: {  	[sflag:s1] =	ssyncadd.s32 $0xFFFFEC00  }
0x99: {  	_ =	swait.ge [sflag:s25], $0x1400  }
0x9a: {  	[sflag:s25] =	ssyncset.done $0x0  }
0x9b: {  	s14 =	simm.s32 @p0 $0xD840;
	s12 =	simm.s32 $0x4F10;
	[sflag:s25] =	ssyncadd.s32 $0xFFFFEC00  }
0x9c: {  	[spmem:s2] =	stream.indirect.scatter.add.f32 @p0 [tilespmem:s14], [sflag:$0x4], $0x40, s12, s11, $0xb8;
	[tilespmem:$0x1F540] =	vst v63  }
0x9d: {  	_ =	swait.ge @p0 [sflag:s7], $0x1400  }
0x9e: {  	[sflag:s7] =	ssyncset.done @p0 $0x0  }
0x9f: {  	[sflag:s7] =	ssyncadd.s32 @p0 $0xFFFFEC00  }
0xa0: {  	_ =	swait.ge @p0 [sflag:s5], $0x1400  }
0xa1: {  	[sflag:s5] =	ssyncset.done @p0 $0x0  }
0xa2: {  	[sflag:s5] =	ssyncadd.s32 @p0 $0xFFFFEC00  }
0xa3: {  	[spmem:s4] =	stream.indirect.scatter.add.f32 @!p0 [tilespmem:s0], [sflag:$0x3], $0x10, s12, s6, $0xb8;
	[tilespmem:$0x1F540] =	vst v63  }
0xa4: {  	s5 =	simm.s32 @!p0 $0xD840  }
0xa5: {  	[spmem:s2] =	stream.indirect.scatter.add.f32 @!p0 [tilespmem:s5], [sflag:$0x4], $0x40, s12, s6, $0xb8;
	[tilespmem:$0x1F540] =	vst v63  }
0xa6: {  	_ =	swait.ge @!p0 [sflag:s13], $0x1400  }
0xa7: {  	[sflag:s13] =	ssyncset.done @!p0 $0x0  }
0xa8: {  	[sflag:s13] =	ssyncadd.s32 @!p0 $0xFFFFEC00  }
0xa9: {  	_ =	swait.ge @!p0 [sflag:s10], $0x1400  }
0xaa: {  	[sflag:s10] =	ssyncset.done @!p0 $0x0  }
0xab: {  	s5 =	simm.s32 @!p0 $0x4F60;
	[sflag:s10] =	ssyncadd.s32 @!p0 $0xFFFFEC00  }
0xac: {  	[spmem:s4] =	stream.indirect.scatter.add.f32 @!p0 [tilespmem:s0], [sflag:$0x3], $0x10, s5, s6, $0xb8;
	[tilespmem:$0x1F540] =	vst v63  }
0xad: {  	s20 =	simm.s32 $0x4F60  }
0xae: {  	[spmem:s2] =	stream.indirect.scatter.add.f32 [tilespmem:s31], [sflag:$0x4], $0x40, s20, s28, $0xb8;
	[tilespmem:$0x1F540] =	vst v63  }
0xaf: {  	_ =	swait.ge [sflag:s1], $0x1400  }
0xb0: {  	[sflag:s1] =	ssyncset.done $0x0  }
0xb1: {  	s10 =	simm.s32 @!p0 $0x3;
	[sflag:s1] =	ssyncadd.s32 $0xFFFFEC00  }
0xb2: {  	_ =	swait.ge @!p0 [sflag:s10], $0x500  }
0xb3: {  	[sflag:s10] =	ssyncset.done @!p0 $0x0  }
0xb4: {  	[sflag:s10] =	ssyncadd.s32 @!p0 $0xFFFFFB00  }
0xb5: {  	_ =	swait.ge @!p0 [sflag:s10], $0x500  }
0xb6: {  	[sflag:s10] =	ssyncset.done @!p0 $0x0  }
0xb7: {  	[sflag:s10] =	ssyncadd.s32 @!p0 $0xFFFFFB00  }
0xb8: {  	_ =	swait.ge @!p0 [sflag:s10], $0x500  }
0xb9: {  	[sflag:s10] =	ssyncset.done @!p0 $0x0  }
0xba: {  	[sflag:s10] =	ssyncadd.s32 @!p0 $0xFFFFFB00  }
0xbb: {  	_ =	swait.ge @!p0 [sflag:s10], $0x500  }
0xbc: {  	[sflag:s10] =	ssyncset.done @!p0 $0x0  }
0xbd: {  	[sflag:s10] =	ssyncadd.s32 @!p0 $0xFFFFFB00  }
0xbe: {  	s5 =	simm.s32 $0x640;
	_ =	swait.ge @!p0 [sflag:s10], $0x500  }
0xbf: {  	s6 =	simm.s32 $0xC80;
	s0 =	simm.s32 $0x1;
	[sflag:s10] =	ssyncset.done @!p0 $0x0  }
.LBB2_8:
0xc0: {  	s7 =	sshra.s32 s5, $0x2;
	[sflag:s10] =	ssyncadd.s32 @!p0 $0xFFFFFB00  }
0xc1: {  	[tilespmem:s29], [sflag:$0x1] =	stream.indirect.gather [hbm4b:s18+s28], $0x40, s7, s28, $0xb8;
	[tilespmem:$0x1F540] =	vst v63  }
0xc2: {  	s11 =	rddreg [dreg:$0x5];
	s20 =	sadd.s32 $0x50, s7  }
0xc3: {  	[tilespmem:s11], [sflag:$0x1] =	stream.indirect.gather [hbm4b:s18+s28], $0x40, s20, s28, $0xb8;
	[tilespmem:$0x1F540] =	vst v63  }
0xc4: {  	s12 =	sadd.s32 $0xA0, s7  }
0xc5: {  	[tilespmem:s30], [sflag:$0x1] =	stream.indirect.gather [hbm4b:s18+s28], $0x40, s12, s28, $0xb8;
	[tilespmem:$0x1F540] =	vst v63  }
0xc6: {  	s14 =	rddreg [dreg:$0x6];
	s15 =	sadd.s32 $0xF0, s7  }
0xc7: {  	[tilespmem:s14], [sflag:$0x1] =	stream.indirect.gather [hbm4b:s18+s28], $0x40, s15, s28, $0xb8;
	[tilespmem:$0x1F540] =	vst v63  }
0xc8: {  	s17 =	sand.u32 $0x1, s0;
	s16 =	sadd.s32 $0x140, s7  }
0xc9: {  	[tilespmem:s31], [sflag:$0x1] =	stream.indirect.gather [hbm4b:s18+s28], $0x40, s16, s28, $0xb8;
	[tilespmem:$0x1F540] =	vst v63  }
0xca: {  	p0 =	sne.s32 s3, s17;
	_ =	swait.ge [sflag:s25], $0x1400  }
0xcb: {  	s5 =	sshra.s32 @!p0 s5, $0x2;
	s10 =	simm.s32 @!p0 $0x12040;
	[sflag:s25] =	ssyncset.done $0x0  }
0xcc: {  	s11 =	simm.s32 @!p0 $0x50;
	s12 =	sadd.s32 @!p0 $0x4E20, s5;
	[sflag:s25] =	ssyncadd.s32 $0xFFFFEC00  }
0xcd: {  	[spmem:s4] =	stream.indirect.scatter.add.f32 @!p0 [tilespmem:s10], [sflag:$0x3], $0x10, s12, s11, $0xb8;
	[tilespmem:$0x1F540] =	vst v63  }
0xce: {  	s14 =	sadd.s32 $0x4E20, s7  }
0xcf: {  	[spmem:s2] =	stream.indirect.scatter.add.f32 [tilespmem:s29], [sflag:$0x4], $0x40, s14, s28, $0xb8;
	[tilespmem:$0x1F540] =	vst v63  }
0xd0: {  	_ =	swait.ge [sflag:s1], $0x1400  }
0xd1: {  	[sflag:s1] =	ssyncset.done $0x0  }
0xd2: {  	s13 =	smov.u32 s6;
	s17 =	simm.s32 @p0 $0x50;
	[sflag:s1] =	ssyncadd.s32 $0xFFFFEC00  }
0xd3: {  	s15 =	sadd.s32 @!p0 $0x4EC0, s5;
	s16 =	sadd.s32 $0x4E70, s7;
	_ =	swait.ge [sflag:s25], $0x1400  }
0xd4: {  	s12 =	sadd.s32 @!p0 $0x4F60, s5;
	s5 =	smov.u32 s13;
	[sflag:s25] =	ssyncset.done $0x0  }
0xd5: {  	s13 =	simm.s32 @p0 $0x4;
	s14 =	simm.s32 @p0 $0xB040;
	[sflag:s25] =	ssyncadd.s32 $0xFFFFEC00  }
0xd6: {  	[spmem:s2] =	stream.indirect.scatter.add.f32 @p0 [tilespmem:s14], [sflag:$0x4], $0x40, s16, s17, $0xb8;
	[tilespmem:$0x1F540] =	vst v63  }
0xd7: {  	_ =	swait.ge @p0 [sflag:s13], $0x1400  }
0xd8: {  	[sflag:s13] =	ssyncset.done @p0 $0x0  }
0xd9: {  	s14 =	simm.s32 @p0 $0x1;
	[sflag:s13] =	ssyncadd.s32 @p0 $0xFFFFEC00  }
0xda: {  	_ =	swait.ge @p0 [sflag:s14], $0x1400  }
0xdb: {  	[sflag:s14] =	ssyncset.done @p0 $0x0  }
0xdc: {  	[sflag:s14] =	ssyncadd.s32 @p0 $0xFFFFEC00  }
0xdd: {  	[spmem:s4] =	stream.indirect.scatter.add.f32 @!p0 [tilespmem:s10], [sflag:$0x3], $0x10, s16, s11, $0xb8;
	[tilespmem:$0x1F540] =	vst v63  }
0xde: {  	s19 =	simm.s32 @!p0 $0xB040;
	s20 =	simm.s32 @!p0 $0x4  }
0xdf: {  	[spmem:s2] =	stream.indirect.scatter.add.f32 @!p0 [tilespmem:s19], [sflag:$0x4], $0x40, s16, s11, $0xb8;
	[tilespmem:$0x1F540] =	vst v63  }
0xe0: {  	_ =	swait.ge @!p0 [sflag:s20], $0x1400  }
0xe1: {  	[sflag:s20] =	ssyncset.done @!p0 $0x0  }
0xe2: {  	s16 =	simm.s32 @!p0 $0x1;
	[sflag:s20] =	ssyncadd.s32 @!p0 $0xFFFFEC00  }
0xe3: {  	_ =	swait.ge @!p0 [sflag:s16], $0x1400  }
0xe4: {  	[sflag:s16] =	ssyncset.done @!p0 $0x0  }
0xe5: {  	[sflag:s16] =	ssyncadd.s32 @!p0 $0xFFFFEC00  }
0xe6: {  	[spmem:s4] =	stream.indirect.scatter.add.f32 @!p0 [tilespmem:s10], [sflag:$0x3], $0x10, s15, s11, $0xb8;
	[tilespmem:$0x1F540] =	vst v63  }
0xe7: {  	s19 =	sadd.s32 $0x4EC0, s7  }
0xe8: {  	[spmem:s2] =	stream.indirect.scatter.add.f32 [tilespmem:s30], [sflag:$0x4], $0x40, s19, s28, $0xb8;
	[tilespmem:$0x1F540] =	vst v63  }
0xe9: {  	_ =	swait.ge [sflag:s1], $0x1400  }
0xea: {  	[sflag:s1] =	ssyncset.done $0x0  }
0xeb: {  	[sflag:s1] =	ssyncadd.s32 $0xFFFFEC00  }
0xec: {  	_ =	swait.ge [sflag:s25], $0x1400  }
0xed: {  	[sflag:s25] =	ssyncset.done $0x0  }
0xee: {  	s15 =	sadd.s32 $0x4F10, s7;
	s19 =	simm.s32 @p0 $0xD840;
	[sflag:s25] =	ssyncadd.s32 $0xFFFFEC00  }
0xef: {  	[spmem:s2] =	stream.indirect.scatter.add.f32 @p0 [tilespmem:s19], [sflag:$0x4], $0x40, s15, s17, $0xb8;
	[tilespmem:$0x1F540] =	vst v63  }
0xf0: {  	_ =	swait.ge @p0 [sflag:s13], $0x1400  }
0xf1: {  	[sflag:s13] =	ssyncset.done @p0 $0x0  }
0xf2: {  	[sflag:s13] =	ssyncadd.s32 @p0 $0xFFFFEC00  }
0xf3: {  	_ =	swait.ge @p0 [sflag:s14], $0x1400  }
0xf4: {  	[sflag:s14] =	ssyncset.done @p0 $0x0  }
0xf5: {  	[sflag:s14] =	ssyncadd.s32 @p0 $0xFFFFEC00  }
0xf6: {  	[spmem:s4] =	stream.indirect.scatter.add.f32 @!p0 [tilespmem:s10], [sflag:$0x3], $0x10, s15, s11, $0xb8;
	[tilespmem:$0x1F540] =	vst v63  }
0xf7: {  	s13 =	simm.s32 @!p0 $0xD840  }
0xf8: {  	[spmem:s2] =	stream.indirect.scatter.add.f32 @!p0 [tilespmem:s13], [sflag:$0x4], $0x40, s15, s11, $0xb8;
	[tilespmem:$0x1F540] =	vst v63  }
0xf9: {  	_ =	swait.ge @!p0 [sflag:s20], $0x1400  }
0xfa: {  	[sflag:s20] =	ssyncset.done @!p0 $0x0  }
0xfb: {  	[sflag:s20] =	ssyncadd.s32 @!p0 $0xFFFFEC00  }
0xfc: {  	_ =	swait.ge @!p0 [sflag:s16], $0x1400  }
0xfd: {  	[sflag:s16] =	ssyncset.done @!p0 $0x0  }
0xfe: {  	[sflag:s16] =	ssyncadd.s32 @!p0 $0xFFFFEC00  }
0xff: {  	[spmem:s4] =	stream.indirect.scatter.add.f32 @!p0 [tilespmem:s10], [sflag:$0x3], $0x10, s12, s11, $0xb8;
	[tilespmem:$0x1F540] =	vst v63  }
0x100: {  	s7 =	sadd.s32 $0x4F60, s7  }
0x101: {  	[spmem:s2] =	stream.indirect.scatter.add.f32 [tilespmem:s31], [sflag:$0x4], $0x40, s7, s28, $0xb8;
	[tilespmem:$0x1F540] =	vst v63  }
0x102: {  	_ =	swait.ge [sflag:s1], $0x1400  }
0x103: {  	[sflag:s1] =	ssyncset.done $0x0  }
0x104: {  	s10 =	simm.s32 @!p0 $0x3;
	[sflag:s1] =	ssyncadd.s32 $0xFFFFEC00  }
0x105: {  	_ =	swait.ge @!p0 [sflag:s10], $0x500  }
0x106: {  	[sflag:s10] =	ssyncset.done @!p0 $0x0  }
0x107: {  	[sflag:s10] =	ssyncadd.s32 @!p0 $0xFFFFFB00  }
0x108: {  	_ =	swait.ge @!p0 [sflag:s10], $0x500  }
0x109: {  	[sflag:s10] =	ssyncset.done @!p0 $0x0  }
0x10a: {  	[sflag:s10] =	ssyncadd.s32 @!p0 $0xFFFFFB00  }
0x10b: {  	_ =	swait.ge @!p0 [sflag:s10], $0x500  }
0x10c: {  	s6 =	sadd.s32 $0x640, s6;
	[sflag:s10] =	ssyncset.done @!p0 $0x0  }
0x10d: {  	p1 =	sne.s32 s6, $0x13880;
	[sflag:s10] =	ssyncadd.s32 @!p0 $0xFFFFFB00  }
.Ltmp3:
0x10e: {  	_ =	swait.ge @!p0 [sflag:s10], $0x500;
	(pc) =	sbr.rel @p1 .LBB2_8-.Ltmp3, $4  }
0x10f: {  	[sflag:s10] =	ssyncset.done @!p0 $0x0  }
0x110: {  	[sflag:s10] =	ssyncadd.s32 @!p0 $0xFFFFFB00  }
0x111: {  	_ =	swait.ge @!p0 [sflag:s10], $0x500  }
0x112: {  	s0 =	sadd.s32 $0x1, s0;
	[sflag:s10] =	ssyncset.done @!p0 $0x0  }
0x113: {  	s6 =	sshra.s32 s5, $0x2;
	[sflag:s10] =	ssyncadd.s32 @!p0 $0xFFFFFB00  }
0x114: {  	[tilespmem:s29], [sflag:$0x1] =	stream.indirect.gather [hbm4b:s18+s28], $0x40, s6, s28, $0xb8;
	[tilespmem:$0x1F540] =	vst v63  }
0x115: {  	s7 =	rddreg [dreg:$0x5];
	s13 =	sadd.s32 $0x50, s6  }
0x116: {  	[tilespmem:s7], [sflag:$0x1] =	stream.indirect.gather [hbm4b:s18+s28], $0x40, s13, s28, $0xb8;
	[tilespmem:$0x1F540] =	vst v63  }
0x117: {  	s14 =	sadd.s32 $0xA0, s6  }
0x118: {  	[tilespmem:s30], [sflag:$0x1] =	stream.indirect.gather [hbm4b:s18+s28], $0x40, s14, s28, $0xb8;
	[tilespmem:$0x1F540] =	vst v63  }
0x119: {  	s15 =	rddreg [dreg:$0x6];
	s16 =	sadd.s32 $0xF0, s6  }
0x11a: {  	[tilespmem:s15], [sflag:$0x1] =	stream.indirect.gather [hbm4b:s18+s28], $0x40, s16, s28, $0xb8;
	[tilespmem:$0x1F540] =	vst v63  }
0x11b: {  	s0 =	sand.u32 $0x1, s0;
	s17 =	sadd.s32 $0x140, s6  }
0x11c: {  	[tilespmem:s31], [sflag:$0x1] =	stream.indirect.gather [hbm4b:s18+s28], $0x40, s17, s28, $0xb8;
	[tilespmem:$0x1F540] =	vst v63  }
0x11d: {  	p0 =	sne.s32 s3, s0;
	_ =	swait.ge [sflag:s25], $0x1400  }
0x11e: {  	s0 =	sshra.s32 @!p0 s5, $0x2;
	s5 =	simm.s32 @!p0 $0x12040;
	[sflag:s25] =	ssyncset.done $0x0  }
0x11f: {  	s10 =	simm.s32 @!p0 $0x50;
	s7 =	sadd.s32 @!p0 $0x4E20, s0;
	[sflag:s25] =	ssyncadd.s32 $0xFFFFEC00  }
0x120: {  	[spmem:s4] =	stream.indirect.scatter.add.f32 @!p0 [tilespmem:s5], [sflag:$0x3], $0x10, s7, s10, $0xb8;
	[tilespmem:$0x1F540] =	vst v63  }
0x121: {  	s19 =	sadd.s32 $0x4E20, s6  }
0x122: {  	[spmem:s2] =	stream.indirect.scatter.add.f32 [tilespmem:s29], [sflag:$0x4], $0x40, s19, s28, $0xb8;
	[tilespmem:$0x1F540] =	vst v63  }
0x123: {  	_ =	swait.ge [sflag:s1], $0x1400  }
0x124: {  	[sflag:s1] =	ssyncset.done $0x0  }
0x125: {  	[sflag:s1] =	ssyncadd.s32 $0xFFFFEC00  }
0x126: {  	_ =	swait.ge [sflag:s25], $0x1400  }
0x127: {  	s12 =	sadd.s32 $0x4E70, s6;
	s11 =	simm.s32 @p0 $0x4;
	[sflag:s25] =	ssyncset.done $0x0  }
0x128: {  	s13 =	simm.s32 @p0 $0x50;
	s7 =	simm.s32 @p0 $0xB040;
	[sflag:s25] =	ssyncadd.s32 $0xFFFFEC00  }
0x129: {  	[spmem:s2] =	stream.indirect.scatter.add.f32 @p0 [tilespmem:s7], [sflag:$0x4], $0x40, s12, s13, $0xb8;
	[tilespmem:$0x1F540] =	vst v63  }
0x12a: {  	_ =	swait.ge @p0 [sflag:s11], $0x1400  }
0x12b: {  	[sflag:s11] =	ssyncset.done @p0 $0x0  }
0x12c: {  	s7 =	simm.s32 @p0 $0x1;
	[sflag:s11] =	ssyncadd.s32 @p0 $0xFFFFEC00  }
0x12d: {  	_ =	swait.ge @p0 [sflag:s7], $0x1400  }
0x12e: {  	[sflag:s7] =	ssyncset.done @p0 $0x0  }
0x12f: {  	[sflag:s7] =	ssyncadd.s32 @p0 $0xFFFFEC00  }
0x130: {  	[spmem:s4] =	stream.indirect.scatter.add.f32 @!p0 [tilespmem:s5], [sflag:$0x3], $0x10, s12, s10, $0xb8;
	[tilespmem:$0x1F540] =	vst v63  }
0x131: {  	s14 =	simm.s32 @!p0 $0xB040;
	s15 =	simm.s32 @!p0 $0x4  }
0x132: {  	[spmem:s2] =	stream.indirect.scatter.add.f32 @!p0 [tilespmem:s14], [sflag:$0x4], $0x40, s12, s10, $0xb8;
	[tilespmem:$0x1F540] =	vst v63  }
0x133: {  	_ =	swait.ge @!p0 [sflag:s15], $0x1400  }
0x134: {  	[sflag:s15] =	ssyncset.done @!p0 $0x0  }
0x135: {  	s12 =	simm.s32 @!p0 $0x1;
	[sflag:s15] =	ssyncadd.s32 @!p0 $0xFFFFEC00  }
0x136: {  	_ =	swait.ge @!p0 [sflag:s12], $0x1400  }
0x137: {  	[sflag:s12] =	ssyncset.done @!p0 $0x0  }
0x138: {  	s14 =	sadd.s32 @!p0 $0x4EC0, s0;
	[sflag:s12] =	ssyncadd.s32 @!p0 $0xFFFFEC00  }
0x139: {  	[spmem:s4] =	stream.indirect.scatter.add.f32 @!p0 [tilespmem:s5], [sflag:$0x3], $0x10, s14, s10, $0xb8;
	[tilespmem:$0x1F540] =	vst v63  }
0x13a: {  	s20 =	sadd.s32 $0x4EC0, s6  }
0x13b: {  	[spmem:s2] =	stream.indirect.scatter.add.f32 [tilespmem:s30], [sflag:$0x4], $0x40, s20, s28, $0xb8;
	[tilespmem:$0x1F540] =	vst v63  }
0x13c: {  	_ =	swait.ge [sflag:s1], $0x1400  }
0x13d: {  	[sflag:s1] =	ssyncset.done $0x0  }
0x13e: {  	[sflag:s1] =	ssyncadd.s32 $0xFFFFEC00  }
0x13f: {  	_ =	swait.ge [sflag:s25], $0x1400  }
0x140: {  	[sflag:s25] =	ssyncset.done $0x0  }
0x141: {  	s16 =	simm.s32 @p0 $0xD840;
	s14 =	sadd.s32 $0x4F10, s6;
	[sflag:s25] =	ssyncadd.s32 $0xFFFFEC00  }
0x142: {  	[spmem:s2] =	stream.indirect.scatter.add.f32 @p0 [tilespmem:s16], [sflag:$0x4], $0x40, s14, s13, $0xb8;
	[tilespmem:$0x1F540] =	vst v63  }
0x143: {  	_ =	swait.ge @p0 [sflag:s11], $0x1400  }
0x144: {  	[sflag:s11] =	ssyncset.done @p0 $0x0  }
0x145: {  	[sflag:s11] =	ssyncadd.s32 @p0 $0xFFFFEC00  }
0x146: {  	_ =	swait.ge @p0 [sflag:s7], $0x1400  }
0x147: {  	[sflag:s7] =	ssyncset.done @p0 $0x0  }
0x148: {  	[sflag:s7] =	ssyncadd.s32 @p0 $0xFFFFEC00  }
0x149: {  	[spmem:s4] =	stream.indirect.scatter.add.f32 @!p0 [tilespmem:s5], [sflag:$0x3], $0x10, s14, s10, $0xb8;
	[tilespmem:$0x1F540] =	vst v63  }
0x14a: {  	s7 =	simm.s32 @!p0 $0xD840  }
0x14b: {  	[spmem:s2] =	stream.indirect.scatter.add.f32 @!p0 [tilespmem:s7], [sflag:$0x4], $0x40, s14, s10, $0xb8;
	[tilespmem:$0x1F540] =	vst v63  }
0x14c: {  	_ =	swait.ge @!p0 [sflag:s15], $0x1400  }
0x14d: {  	[sflag:s15] =	ssyncset.done @!p0 $0x0  }
0x14e: {  	[sflag:s15] =	ssyncadd.s32 @!p0 $0xFFFFEC00  }
0x14f: {  	_ =	swait.ge @!p0 [sflag:s12], $0x1400  }
0x150: {  	[sflag:s12] =	ssyncset.done @!p0 $0x0  }
0x151: {  	s0 =	sadd.s32 @!p0 $0x4F60, s0;
	[sflag:s12] =	ssyncadd.s32 @!p0 $0xFFFFEC00  }
0x152: {  	[spmem:s4] =	stream.indirect.scatter.add.f32 @!p0 [tilespmem:s5], [sflag:$0x3], $0x10, s0, s10, $0xb8;
	[tilespmem:$0x1F540] =	vst v63  }
0x153: {  	s14 =	sadd.s32 $0x4F60, s6  }
0x154: {  	[spmem:s2] =	stream.indirect.scatter.add.f32 [tilespmem:s31], [sflag:$0x4], $0x40, s14, s28, $0xb8;
	[tilespmem:$0x1F540] =	vst v63  }
0x155: {  	_ =	swait.ge [sflag:s1], $0x1400  }
0x156: {  	[sflag:s1] =	ssyncset.done $0x0  }
0x157: {  	s0 =	simm.s32 @!p0 $0x3;
	[sflag:s1] =	ssyncadd.s32 $0xFFFFEC00  }
0x158: {  	_ =	swait.ge @!p0 [sflag:s0], $0x500  }
0x159: {  	[sflag:s0] =	ssyncset.done @!p0 $0x0  }
0x15a: {  	[sflag:s0] =	ssyncadd.s32 @!p0 $0xFFFFFB00  }
0x15b: {  	_ =	swait.ge @!p0 [sflag:s0], $0x500  }
0x15c: {  	[sflag:s0] =	ssyncset.done @!p0 $0x0  }
0x15d: {  	[sflag:s0] =	ssyncadd.s32 @!p0 $0xFFFFFB00  }
0x15e: {  	_ =	swait.ge @!p0 [sflag:s0], $0x500  }
0x15f: {  	[sflag:s0] =	ssyncset.done @!p0 $0x0  }
0x160: {  	[sflag:s0] =	ssyncadd.s32 @!p0 $0xFFFFFB00  }
0x161: {  	_ =	swait.ge @!p0 [sflag:s0], $0x500  }
0x162: {  	[sflag:s0] =	ssyncset.done @!p0 $0x0  }
0x163: {  	[sflag:s0] =	ssyncadd.s32 @!p0 $0xFFFFFB00  }
0x164: {  	_ =	swait.ge @!p0 [sflag:s0], $0x500  }
0x165: {  	[sflag:s0] =	ssyncset.done @!p0 $0x0  }
0x166: {  	s15 =	stileid.u32;
	[sflag:s0] =	ssyncadd.s32 @!p0 $0xFFFFFB00  }
0x167: {  	s0 =	sshll.u32 s15, $0x6;
	[bflag:$0x0] =	sbarrier.arrive $0xFFFF  }
0x168: {  	s16 =	sshrl.u32 s8, $0x3;
	s0 =	sor.u32 $0x1C04, s0;
	s17 =	rddreg [dreg:$0x11]  }
0x169: {  	[hbm:s17], [sflag:s0] =	dma.local [spmem:s16], $0x1400  }
0x16a: {  	s22 =	sadd.s32 $0x1, s22;
	_ =	swait.ge [sflag:s1], $0x1400  }
0x16b: {  	s19 =	sshrl.u32 s9, $0x3;
	p0 =	sne.s32 s22, s21;
	[sflag:s1] =	ssyncset.done $0x0  }
.Ltmp4:
0x16c: {  	s20 =	rddreg [dreg:$0x12];
	[sflag:s1] =	ssyncadd.s32 $0xFFFFEC00;
	(pc) =	sbr.rel @p0 .LBB2_1-.Ltmp4, $4  }
0x16d: {  	[hbm:s20], [sflag:s0] =	dma.local [spmem:s19], $0x500  }
0x16e: {  	_ =	swait.ge [sflag:s1], $0x500  }
0x16f: {  	[sflag:s1] =	ssyncset.done $0x0  }
0x170: {  	[sflag:s1] =	ssyncadd.s32 $0xFFFFFB00  }
0x171: {  	_ =	sfence.sel $0x180000  }
0x172: {  	[bflag:$0x0] =	sbarrier.arrive $0xFFFF  }
0x173: {  	_ =	strace $0x90000047  }
0x174: {  	s0 =	stileid.u32;
	[bflag:$0x2] =	sbarrier.arrive $0xFFFF  }
0x175: {  	p0 =	sne.s32 s0, $0x0;
	s0 =	rddreg [dreg:$0x4]  }
0x176: {  	s0 =	sadd.s32 @!p0 $0x100000, s0  }
0x177: {  	[sflag:s0] =	ssyncadd.tile.s32 @!p0 $0x1;
	_ =	shalt  }
.Lfunc_end2:
_tile_overlayer_lowered:
.L_overlay_start_2:
0x178: {  	(tag) =	ssettag $0x2  }
0x179: {  	s0 =	rddreg [dreg:$0x0];
	s2 =	stileid.u32  }
0x17a: {  	s1 =	rddreg [dreg:$0x1];
	p0 =	sne.s32 s2, $0x0  }
0x17b: {  	s3 =	rddreg [dreg:$0x2];
	[bflag:$0x3] =	sbarrier.arrive $0xFFFF;
	s2 =	simm.s32 @!p0 $0x1C04  }
0x17c: {  	[timem:s3], [sflag:s2] =	dma.local @!p0 [hbm:s0], s1  }
0x17d: {  	s0 =	simm.s32 @!p0 $0x4  }
0x17e: {  	_ =	swait.ge @!p0 [sflag:s0], s1  }
0x17f: {  	s1 =	ssub.s32 @!p0 $0x0, s1;
	[sflag:s0] =	ssyncset.done @!p0 $0x0  }
0x180: {  	[sflag:s0] =	ssyncadd.s32 @!p0 s1  }
0x181: {  	[bflag:$0x3] =	sbarrier.arrive $0xFFFF  }
0x182: {  	_ =	shalt  }

// kernel: kernel.9.cloned.1.call-start
scs
__scs_entry_jumppad:
0x0: {  	(pc) =	sbr.rel $0x88, $3  }
0x1: {  	(tag) =	ssettag $0x0;
	lr =	simm.s32 $0x1  }
0x2: {  	[smem:$0x3F97] =	sst lr;
	_ =	strace $0xD0000000  }
0x3: {  	_ = 	snop  }
0x4: {  	_ = 	snop  }
0x5: {  	_ = 	snop  }
0x6: {  	_ = 	snop  }
0x7: {  	_ = 	snop  }
__scs_overlays_trampoline_lowered:
0x8: {  	[smem:$0x3FA6] =	sst s0  }
0x9: {  	[smem:$0x3FA7] =	sst s1  }
0xa: {  	[smem:$0x3FA8] =	sst s2  }
0xb: {  	[smem:$0x3FA9] =	sst s3  }
0xc: {  	[smem:$0x3FAA] =	sst s4  }
0xd: {  	[smem:$0x3FAB] =	sst s5  }
0xe: {  	[smem:$0x3FAC] =	sst s6  }
0xf: {  	[smem:$0x3FAD] =	sst s7  }
0x10: {  	[smem:$0x3FAE] =	sst s8  }
0x11: {  	[smem:$0x3FAF] =	sst s9;
	s0 =	simm.s32 @!p0 $0x0  }
0x12: {  	s1 =	sld [smem:$0x3F95];
	s0 =	simm.s32 @p0 $0x1  }
0x13: {  	[smem:$0x3FB0] =	sst s0;
	s0 =	simm.s32 @!p1 $0x0  }
0x14: {  	s2 =	sld [smem:$0x3F94];
	s0 =	simm.s32 @p1 $0x1  }
0x15: {  	[smem:$0x3FB1] =	sst s0;
	s0 =	simm.s32 @!p2 $0x0  }
0x16: {  	s3 =	sld [smem:$0x3FDB];
	s0 =	simm.s32 @p2 $0x1  }
0x17: {  	s4 =	simm.s32 $0x1BF5;
	[smem:$0x3FB3] =	sst s0  }
0x18: {  	s0 =	sld [smem:$0x3F96];
	_ =	swait.ge [sflag:s4], $0x0  }
0x19: {  	s7 =	sld [smem:$0x3F97]  }
0x1a: {  	s8 =	sadd.s32 $0xFFFFE003, lr  }
0x1b: {  	s9 =	sadd.s32 $0xFFFFFEF7, lr;
	s5 =	simm.s32 $0xFFFFFFFF;
	p2 =	slt.u32 s8, $0xFFFFF086  }
0x1c: {  	p1 =	slt.u32 s9, $0xF7A;
	s5 =	simm.s32 @!p2 $0x0  }
0x1d: {  	s5 =	simm.s32 @p1 $0x1;
	p0 =	seq.s32 s7, s2  }
0x1e: {  	s7 =	smul.u32 @!p0 $0xF7A, s2;
	p2 =	seq.s32 @!p0 s5, $0x0  }
0x1f: {  	s9 =	smul.u32 $0xF7A, s1;
	s8 =	simm.s32 @!p0 $0x1BF5;
	p2 =	por !p2, p0  }
0x20: {  	[sflag:s8] =	ssyncset.s32 @!p0 $0xFFFFF086;
	s6 =	sadd.s32 @!p0 s3, s7;
	s7 =	simm.s32 @!p0 $0x108  }
0x21: {  	s3 =	sadd.s32 s3, s9;
	s6 =	sadd.s32 @!p0 $0x88, s6;
	s7 =	simm.s32 @p2 $0x1082  }
0x22: {  	[simem:s7], [sflag:s8] =	dma.local @!p0 [hbm:s6], $0xF7A  }
0x23: {  	s9 =	sor.u32 $0xD0000000, s2;
	s6 =	simm.s32 $0x108;
	_ =	swait.ge @!p0 [sflag:s8], $0x0  }
0x24: {  	s3 =	sadd.s32 $0x88, s3;
	s6 =	simm.s32 @!p1 $0x1082;
	[sflag:s4] =	ssyncset.s32 $0xFFFFF086  }
0x25: {  	[simem:s6], [sflag:s4] =	dma.local [hbm:s3], $0xF7A  }
0x26: {  	[smem:$0x3F97] =	sst s1;
	(tag) =	ssettag s2;
	_ =	strace s9  }
0x27: {  	s1 =	sld [smem:$0x3FA7]  }
0x28: {  	s2 =	sld [smem:$0x3FA8]  }
0x29: {  	s4 =	sld [smem:$0x3FAA]  }
0x2a: {  	p0 =	seq.s32 s5, $0x0;
	s5 =	sld [smem:$0x3FAB]  }
0x2b: {  	s6 =	sld [smem:$0x3FAC]  }
0x2c: {  	s7 =	sld [smem:$0x3FAD]  }
0x2d: {  	s3 =	simm.s32 $0x108;
	s8 =	sld [smem:$0x3FAE]  }
0x2e: {  	s3 =	simm.s32 @!p0 $0x1082;
	s9 =	sld [smem:$0x3FAF]  }
0x2f: {  	lr =	sadd.s32 s0, s3;
	s0 =	sld [smem:$0x3FA6]  }
0x30: {  	s3 =	sld [smem:$0x3FA9]  }
0x31: {  	[smem:$0x3FB2] =	sst s10  }
0x32: {  	s10 =	sld [smem:$0x3FB0];
	_ =	sdelay $0x3  }
0x33: {  	p0 =	seq.s32 s10, $0x1;
	s10 =	sld [smem:$0x3FB2];
	_ =	sdelay $0x3  }
0x34: {  	[smem:$0x3FB2] =	sst s10  }
0x35: {  	s10 =	sld [smem:$0x3FB1];
	_ =	sdelay $0x3  }
0x36: {  	p1 =	seq.s32 s10, $0x1;
	s10 =	sld [smem:$0x3FB2];
	_ =	sdelay $0x3  }
0x37: {  	[smem:$0x3FB2] =	sst s10  }
0x38: {  	s10 =	sld [smem:$0x3FB3]  }
0x39: {  	_ = 	snop;
	(pc) =	sbr.ind lr, $3  }
0x3a: {  	_ = 	snop  }
0x3b: {  	_ = 	snop  }
0x3c: {  	p2 =	seq.s32 s10, $0x1;
	s10 =	sld [smem:$0x3FB2]  }
0x3d: {  	_ =	shalt  }
0x3e: {  	_ =	shalt  }
0x3f: {  	_ =	shalt  }
0x40: {  	_ =	shalt  }
0x41: {  	_ =	shalt  }
0x42: {  	_ =	shalt  }
0x43: {  	_ =	shalt  }
0x44: {  	_ =	shalt  }
0x45: {  	_ =	shalt  }
0x46: {  	_ =	shalt  }
0x47: {  	_ =	shalt  }
0x48: {  	_ =	shalt  }
0x49: {  	_ =	shalt  }
0x4a: {  	_ =	shalt  }
0x4b: {  	_ =	shalt  }
0x4c: {  	_ =	shalt  }
0x4d: {  	_ =	shalt  }
0x4e: {  	_ =	shalt  }
0x4f: {  	_ =	shalt  }
0x50: {  	_ =	shalt  }
0x51: {  	_ =	shalt  }
0x52: {  	_ =	shalt  }
0x53: {  	_ =	shalt  }
0x54: {  	_ =	shalt  }
0x55: {  	_ =	shalt  }
0x56: {  	_ =	shalt  }
0x57: {  	_ =	shalt  }
0x58: {  	_ =	shalt  }
0x59: {  	_ =	shalt  }
0x5a: {  	_ =	shalt  }
0x5b: {  	_ =	shalt  }
0x5c: {  	_ =	shalt  }
0x5d: {  	_ =	shalt  }
0x5e: {  	_ =	shalt  }
0x5f: {  	_ =	shalt  }
0x60: {  	_ =	shalt  }
0x61: {  	_ =	shalt  }
0x62: {  	_ =	shalt  }
0x63: {  	_ =	shalt  }
0x64: {  	_ =	shalt  }
0x65: {  	_ =	shalt  }
0x66: {  	_ =	shalt  }
0x67: {  	_ =	shalt  }
0x68: {  	_ =	shalt  }
0x69: {  	_ =	shalt  }
0x6a: {  	_ =	shalt  }
0x6b: {  	_ =	shalt  }
0x6c: {  	_ =	shalt  }
0x6d: {  	_ =	shalt  }
0x6e: {  	_ =	shalt  }
0x6f: {  	_ =	shalt  }
0x70: {  	_ =	shalt  }
0x71: {  	_ =	shalt  }
0x72: {  	_ =	shalt  }
0x73: {  	_ =	shalt  }
0x74: {  	_ =	shalt  }
0x75: {  	_ =	shalt  }
0x76: {  	_ =	shalt  }
0x77: {  	_ =	shalt  }
0x78: {  	_ =	shalt  }
0x79: {  	_ =	shalt  }
0x7a: {  	_ =	shalt  }
0x7b: {  	_ =	shalt  }
0x7c: {  	_ =	shalt  }
0x7d: {  	_ =	shalt  }
0x7e: {  	_ =	shalt  }
0x7f: {  	_ =	shalt  }
0x80: {  	_ =	shalt  }
0x81: {  	_ =	shalt  }
0x82: {  	_ =	shalt  }
0x83: {  	_ =	shalt  }
0x84: {  	_ =	shalt  }
0x85: {  	_ =	shalt  }
0x86: {  	_ =	shalt  }
0x87: {  	_ =	shalt  }
.Lfunc_end0:
.L_simem_size_0:
called_computation.1_lowered:
.L_overlay_start_0:
0x88: {  	s2 =	sld [smem:$0x3FD9]  }
0x89: {  	s3 =	sld [smem:$0x3FFE];
	_ =	sdelay $0x1  }
0x8a: {  	s1 =	srdreg.scid  }
0x8b: {  	s0 =	sand.u32 $0x1, s1  }
0x8c: {  	s14 =	sshll.u32 s0, $0xA;
	s2 =	sadd.s32 s3, s2  }
0x8d: {  	s2 =	sadd.s32 s2, s14  }
0x8e: {  	[smem:$0x3FBE] =	sst s2  }
0x8f: {  	_ = 	snop  }
0x90: {  	s2 =	sld [smem:$0x3FD0];
	_ =	sdelay $0x2  }
0x91: {  	s15 =	simm.s32 $0xA;
	s4 =	simm.s32 $0x10  }
0x92: {  	[smem:s4], [sflag:s15] =	dma.local [hbm:s2], $0x1  }
0x93: {  	_ =	swait.eq [sflag:s15], $0x1  }
0x94: {  	[sflag:s15] =	ssyncset.done $0x0  }
0x95: {  	[sflag:s15] =	ssyncadd.s32 $0xFFFFFFFF  }
0x96: {  	s16 =	sld [smem:$0x11];
	(tm) =	ssettm $0x1  }
0x97: {  	s17 =	sld [smem:$0x3FFB];
	_ =	sdelay $0x3  }
0x98: {  	_ =	strace s17  }
0x99: {  	s3 =	sld [smem:$0x3FFC];
	_ =	sdelay $0x3  }
0x9a: {  	_ =	strace s3  }
0x9b: {  	s3 =	sld [smem:$0x3FFD];
	_ =	sdelay $0x3  }
0x9c: {  	_ =	strace s3  }
0x9d: {  	_ =	strace $0x8FFFFFFF  }
0x9e: {  	s18 =	sld [smem:$0x3FDB];
	_ =	sdelay $0x1  }
0x9f: {  	s19 =	simm.s32 $_scs_section_size  }
0xa0: {  	s5 =	simm.s32 $_size__tile_overlayer_lowered;
	s6 =	simm.s32 $_tile_overlayer_lowered  }
0xa1: {  	s22 =	simm.s32 $0x1BFF;
	s21 =	sshll.u32 s6, $0x1;
	s3 =	sadd.s32 s19, s18  }
0xa2: {  	s7 =	simm.s32 $0x0;
	s20 =	sshll.u32 s5, $0x1;
	s5 =	sadd.s32 s21, s3  }
0xa3: {  	[timem:s7], [sflag:s22] =	dma.local [hbm:s5], s20  }
0xa4: {  	_ =	swait.ge [sflag:s22], s20  }
0xa5: {  	s4 =	ssub.s32 $0x0, s20;
	[sflag:s22] =	ssyncset.done $0x0  }
0xa6: {  	[sflag:s22] =	ssyncadd.s32 s4;
	_ =	sdelay $0x1  }
0xa7: {  	s23 =	simm.s32 $0x1B8B  }
0xa8: {  	_ =	swait.ge [sflag:s23], $0x1  }
0xa9: {  	[sflag:s23] =	ssyncset.done $0x0  }
0xaa: {  	s25 =	simm.s32 $0x1B8E;
	s24 =	sld [smem:$0x3FFE];
	[sflag:s23] =	ssyncadd.s32 $0xFFFFFFFF  }
0xab: {  	s26 =	simm.s32 $execute0_lowered;
	[smem:$0x3FD2] =	sst s25  }
0xac: {  	s5 =	sshll.u32 s26, $0x1;
	_ =	strace $0x80000049;
	[dreg:$0x1] =	wrdreg $0xFFFFFFFF  }
0xad: {  	s28 =	simm.s32 $_size_execute0_lowered;
	s3 =	sadd.s32 s3, s5;
	[dreg:$0x0] =	wrdreg $0x0  }
0xae: {  	s5 =	sshll.u32 s28, $0x1;
	[dreg:$0x2] =	wrdreg s3  }
0xaf: {  	[dreg:$0x3] =	wrdreg s5  }
0xb0: {  	[dreg:$0x4] =	wrdreg $0xC0  }
0xb1: {  	_ =	task [dreg:s7], $0x5FFFF  }
0xb2: {  	[dreg:$0x1] =	wrdreg $0xFFFFFFFF  }
0xb3: {  	[dreg:$0x0] =	wrdreg $0x60  }
0xb4: {  	[dreg:$0x2] =	wrdreg s16  }
0xb5: {  	[dreg:$0x3] =	wrdreg s24  }
0xb6: {  	[dreg:$0x4] =	wrdreg $0x120400  }
0xb7: {  	[dreg:$0x5] =	wrdreg $0x9  }
0xb8: {  	_ =	task.clear_ibuf [dreg:s7], $0x6FFFF;
	_ =	strace $0x90000049  }
0xb9: {  	s29 =	simm.s32 $0x9;
	_ =	strace $0x8000004B  }
0xba: {  	_ =	swait.ge [sflag:s29], $0x1  }
0xbb: {  	[sflag:s29] =	ssyncadd.s32 $0xFFFFFFFF  }
0xbc: {  	_ =	strace $0x9000004B  }
0xbd: {  	_ =	sfence  }
0xbe: {  	s30 =	sld [smem:$0x0];
	_ =	sdelay $0x2  }
0xbf: {  	s31 =	sshll.u32 s1, $0xD;
	s1 =	sshrl.u32 s1, $0x2  }
0xc0: {  	s3 =	sand.u32 $0x4000, s31;
	s1 =	sadd.s32 s1, s30  }
0xc1: {  	s0 =	sor.u32 s3, s0;
	s1 =	sshll.u32 s1, $0x11  }
0xc2: {  	s0 =	sor.u32 s1, s0  }
0xc3: {  	s0 =	sadd.s32 $0x8F2B, s0  }
0xc4: {  	[sflag:s0] =	ssyncadd.remote.s32 $0x1  }
0xc5: {  	_ =	sfence.sel $0xFFFF  }
0xc6: {  	[dreg:$0x0] =	wrdreg $0xFFFFFFFF;
	(pc) =	sbr.abs _section_cstart, $3  }
0xc7: {  	[dreg:$0x1] =	wrdreg $0xFFFFFFFF  }
0xc8: {  	_ =	task.clear_ibuf [dreg:s7], $0x2FFFF;
	_ =	strace $0x9FFFFFFF  }
0xc9: {  	(tm) =	ssettm $0x7FFFFFFF  }
tec
execute0_lowered:
.L_overlay_start_1:
0x0: {  	(tag) =	ssettag $0x1  }
0x1: {  	s11 =	rddreg [dreg:$0x0]  }
0x2: {  	s4 =	rddreg [dreg:$0x1]  }
0x3: {  	s2 =	rddreg [dreg:$0x2]  }
0x4: {  	s0 =	rddreg [dreg:$0x3]  }
0x5: {  	s1 =	stileid.u32;
	s5 =	srdreg.scid;
	s3 =	simm.s32 $0x0  }
0x6: {  	s15 =	simm.s32 $0x10040;
	s16 =	simm.s32 $0x1;
	s17 =	simm.s32 $0x2  }
0x7: {  	s18 =	simm.s32 $0x50;
	s19 =	simm.s32 $0x9C40;
	s20 =	simm.s32 $0xB040  }
0x8: {  	s21 =	simm.s32 $0xC440;
	s22 =	simm.s32 $0xD840;
	s6 =	smul.u32 $0xA000, s1  }
0x9: {  	s23 =	simm.s32 $0xEC40;
	s24 =	simm.s32 $0x3;
	s7 =	smul.u32 $0x9C4, s1  }
0xa: {  	s8 =	sand.u32 $0x1, s5;
	[smem:$0x7FF] =	sst s3;
	s10 =	smul.u32 $0x28000, s1  }
0xb: {  	s25 =	simm.s32 $0x0;
	s5 =	smul.u32 $0xA0000, s8;
	_ =	strace $0x8000004A  }
0xc: {  	s9 =	ssub.s32 $0x2, s8;
	s31 =	smul.u32 $0x13880, s8;
	s7 =	sadd.s32 s7, s4  }
0xd: {  	s12 =	sshrl.u32 s9, $0x1;
	s30 =	sshrl.u32 s10, $0x2;
	s5 =	sadd.s32 s6, s5  }
0xe: {  	s14 =	ssub.s32 s9, s12;
	s10 =	sadd.s32 s30, s2;
	s6 =	sadd.s32 s6, s2  }
0xf: {  	s11 =	sadd.s32 s11, s31;
	s5 =	sshrl.u32 s5, $0x3;
	s8 =	sadd.s32 $0x4000, s10  }
0x10: {  	s9 =	sadd.s32 $0x6000, s10;
	s13 =	sadd.s32 s5, s4;
	s4 =	sadd.s32 $0xC600, s7  }
0x11: {  	s5 =	sadd.s32 $0x2800, s7;
	s7 =	sadd.s32 $0x2000, s10;
	s10 =	sadd.s32 $0x8000, s10  }
0x12: {  	v0 =	vimm.f32 $0.0e+00;
	s12 =	sadd.s32 $0x66400, s13;
	s13 =	smax.u32 s14, $0x1;
	s14 =	simm.s32 $0x4E20  }
.LBB2_1:
0x13: {  	[tilespmem:s3], [sflag:$0x1] =	stream.linear.gather [hbm4b:s4+s3], $0x4E20, $0x38;
	[tilespmem:$0x1C040] =	vst v63  }
0x14: {  	s28 =	simm.s32 $0x100;
	s26 =	simm.s32 $0x0  }
0x15: {  	[tilespmem:s14], [sflag:$0x1] =	stream.linear.gather [hbm4b:s5+s3], $0x4E20, $0x38;
	[tilespmem:$0x1C040] =	vst v63  }
.LBB2_2:
0x16: {  	p0 =	sne.s32 s28, $0x7F00;
	[tilespmem:s26+$0x10070] =	vst v0;
	s29 =	smov.u32 s28;
	s28 =	sadd.s32 $0x100, s28  }
.Ltmp0:
0x17: {  	[tilespmem:s26+$0x10060] =	vst v0;
	(pc) =	sbr.rel @p0 .LBB2_2-.Ltmp0, $3  }
0x18: {  	[tilespmem:s26+$0x10040] =	vst v0  }
0x19: {  	[tilespmem:s26+$0x10050] =	vst v0;
	_ =	sdelay $0x1  }
0x1a: {  	s26 =	sshra.s32 s29, $0x2  }
0x1b: {  	[tilespmem:s26+$0x10070] =	vst v0  }
0x1c: {  	[tilespmem:s26+$0x10060] =	vst v0  }
0x1d: {  	[tilespmem:s26+$0x10040] =	vst v0  }
0x1e: {  	[tilespmem:s26+$0x10050] =	vst v0  }
0x1f: {  	[spmem:s6] =	stream.linear.scatter [tilespmem:s15], [sflag:$0x2], $0x2000, $0x38;
	[tilespmem:$0x1C040] =	vst v63  }
0x20: {  	_ = 	snop  }
0x21: {  	[spmem:s7] =	stream.linear.scatter [tilespmem:s15], [sflag:$0x2], $0x2000, $0x38;
	[tilespmem:$0x1C040] =	vst v63  }
0x22: {  	_ = 	snop  }
0x23: {  	[spmem:s8] =	stream.linear.scatter [tilespmem:s15], [sflag:$0x2], $0x2000, $0x38;
	[tilespmem:$0x1C040] =	vst v63  }
0x24: {  	_ = 	snop  }
0x25: {  	[spmem:s9] =	stream.linear.scatter [tilespmem:s15], [sflag:$0x2], $0x2000, $0x38;
	[tilespmem:$0x1C040] =	vst v63  }
0x26: {  	_ = 	snop  }
0x27: {  	[spmem:s10] =	stream.linear.scatter [tilespmem:s15], [sflag:$0x2], $0x2000, $0x38;
	[tilespmem:$0x1C040] =	vst v63  }
0x28: {  	_ =	swait.ge [sflag:s16], $0x4E20  }
0x29: {  	[sflag:s16] =	ssyncset.done $0x0  }
0x2a: {  	[sflag:s16] =	ssyncadd.s32 $0xFFFFB1E0  }
0x2b: {  	_ =	swait.ge [sflag:s16], $0x4E20  }
0x2c: {  	[sflag:s16] =	ssyncset.done $0x0  }
0x2d: {  	[sflag:s16] =	ssyncadd.s32 $0xFFFFB1E0  }
0x2e: {  	_ =	swait.ge [sflag:s17], $0x2000  }
0x2f: {  	[sflag:s17] =	ssyncset.done $0x0  }
0x30: {  	[sflag:s17] =	ssyncadd.s32 $0xFFFFE000  }
0x31: {  	_ =	swait.ge [sflag:s17], $0x2000  }
0x32: {  	[sflag:s17] =	ssyncset.done $0x0  }
0x33: {  	[sflag:s17] =	ssyncadd.s32 $0xFFFFE000  }
0x34: {  	_ =	swait.ge [sflag:s17], $0x2000  }
0x35: {  	[sflag:s17] =	ssyncset.done $0x0  }
0x36: {  	[sflag:s17] =	ssyncadd.s32 $0xFFFFE000  }
0x37: {  	_ =	swait.ge [sflag:s17], $0x2000  }
0x38: {  	[sflag:s17] =	ssyncset.done $0x0  }
0x39: {  	[sflag:s17] =	ssyncadd.s32 $0xFFFFE000  }
0x3a: {  	_ =	swait.ge [sflag:s17], $0x2000  }
0x3b: {  	[sflag:s17] =	ssyncset.done $0x0  }
0x3c: {  	[sflag:s17] =	ssyncadd.s32 $0xFFFFE000  }
0x3d: {  	s31 =	simm.s32 $0x0;
	[bflag:$0x0] =	sbarrier.arrive $0xFFFF  }
0x3e: {  	[tilespmem:s19], [sflag:$0x1] =	stream.indirect.gather [hbm4b:s11+s18], $0x40, s31, s18, $0xb8;
	[tilespmem:$0x1C040] =	vst v63  }
0x3f: {  	s28 =	simm.s32 $0x50  }
0x40: {  	[tilespmem:s20], [sflag:$0x1] =	stream.indirect.gather [hbm4b:s11+s18], $0x40, s28, s18, $0xb8;
	[tilespmem:$0x1C040] =	vst v63  }
0x41: {  	s29 =	simm.s32 $0xA0  }
0x42: {  	[tilespmem:s21], [sflag:$0x1] =	stream.indirect.gather [hbm4b:s11+s18], $0x40, s29, s18, $0xb8;
	[tilespmem:$0x1C040] =	vst v63  }
0x43: {  	s31 =	simm.s32 $0xF0  }
0x44: {  	[tilespmem:s22], [sflag:$0x1] =	stream.indirect.gather [hbm4b:s11+s18], $0x40, s31, s18, $0xb8;
	[tilespmem:$0x1C040] =	vst v63  }
0x45: {  	s28 =	simm.s32 $0x140  }
0x46: {  	[tilespmem:s23], [sflag:$0x1] =	stream.indirect.gather [hbm4b:s11+s18], $0x40, s28, s18, $0xb8;
	[tilespmem:$0x1C040] =	vst v63  }
0x47: {  	_ =	swait.ge [sflag:s16], $0x1400  }
0x48: {  	[sflag:s16] =	ssyncset.done $0x0  }
0x49: {  	s29 =	simm.s32 $0x4E20;
	[sflag:s16] =	ssyncadd.s32 $0xFFFFEC00  }
0x4a: {  	[spmem:s2] =	stream.indirect.scatter.add.f32 [tilespmem:s19], [sflag:$0x3], $0x40, s29, s18, $0xb8;
	[tilespmem:$0x1C040] =	vst v63  }
0x4b: {  	_ =	swait.ge [sflag:s24], $0x1400  }
0x4c: {  	[sflag:s24] =	ssyncset.done $0x0  }
0x4d: {  	[sflag:s24] =	ssyncadd.s32 $0xFFFFEC00  }
0x4e: {  	_ =	swait.ge [sflag:s16], $0x1400  }
0x4f: {  	[sflag:s16] =	ssyncset.done $0x0  }
0x50: {  	s31 =	simm.s32 $0x4E70;
	[sflag:s16] =	ssyncadd.s32 $0xFFFFEC00  }
0x51: {  	[spmem:s2] =	stream.indirect.scatter.add.f32 [tilespmem:s20], [sflag:$0x3], $0x40, s31, s18, $0xb8;
	[tilespmem:$0x1C040] =	vst v63  }
0x52: {  	_ =	swait.ge [sflag:s24], $0x1400  }
0x53: {  	[sflag:s24] =	ssyncset.done $0x0  }
0x54: {  	[sflag:s24] =	ssyncadd.s32 $0xFFFFEC00  }
0x55: {  	_ =	swait.ge [sflag:s16], $0x1400  }
0x56: {  	[sflag:s16] =	ssyncset.done $0x0  }
0x57: {  	s28 =	simm.s32 $0x4EC0;
	[sflag:s16] =	ssyncadd.s32 $0xFFFFEC00  }
0x58: {  	[spmem:s2] =	stream.indirect.scatter.add.f32 [tilespmem:s21], [sflag:$0x3], $0x40, s28, s18, $0xb8;
	[tilespmem:$0x1C040] =	vst v63  }
0x59: {  	_ =	swait.ge [sflag:s24], $0x1400  }
0x5a: {  	[sflag:s24] =	ssyncset.done $0x0  }
0x5b: {  	[sflag:s24] =	ssyncadd.s32 $0xFFFFEC00  }
0x5c: {  	_ =	swait.ge [sflag:s16], $0x1400  }
0x5d: {  	[sflag:s16] =	ssyncset.done $0x0  }
0x5e: {  	s29 =	simm.s32 $0x4F10;
	[sflag:s16] =	ssyncadd.s32 $0xFFFFEC00  }
0x5f: {  	[spmem:s2] =	stream.indirect.scatter.add.f32 [tilespmem:s22], [sflag:$0x3], $0x40, s29, s18, $0xb8;
	[tilespmem:$0x1C040] =	vst v63  }
0x60: {  	_ =	swait.ge [sflag:s24], $0x1400  }
0x61: {  	[sflag:s24] =	ssyncset.done $0x0  }
0x62: {  	[sflag:s24] =	ssyncadd.s32 $0xFFFFEC00  }
0x63: {  	_ =	swait.ge [sflag:s16], $0x1400  }
0x64: {  	[sflag:s16] =	ssyncset.done $0x0  }
0x65: {  	s31 =	simm.s32 $0x4F60;
	[sflag:s16] =	ssyncadd.s32 $0xFFFFEC00  }
0x66: {  	[spmem:s2] =	stream.indirect.scatter.add.f32 [tilespmem:s23], [sflag:$0x3], $0x40, s31, s18, $0xb8;
	[tilespmem:$0x1C040] =	vst v63  }
0x67: {  	_ =	swait.ge [sflag:s24], $0x1400  }
0x68: {  	s26 =	simm.s32 $0x640;
	s30 =	simm.s32 $0xC80;
	[sflag:s24] =	ssyncset.done $0x0  }
.LBB2_4:
0x69: {  	s29 =	sshra.s32 s26, $0x2  }
0x6a: {  	[sflag:s24] =	ssyncadd.s32 $0xFFFFEC00;
	s26 =	smov.u32 s30;
	s28 =	sadd.s32 $0x640, s30  }
0x6b: {  	[tilespmem:s19], [sflag:$0x1] =	stream.indirect.gather [hbm4b:s11+s18], $0x40, s29, s18, $0xb8;
	[tilespmem:$0x1C040] =	vst v63  }
0x6c: {  	p0 =	sne.s32 s30, $0x13240;
	s30 =	sadd.s32 $0x50, s29  }
0x6d: {  	[tilespmem:s20], [sflag:$0x1] =	stream.indirect.gather [hbm4b:s11+s18], $0x40, s30, s18, $0xb8;
	[tilespmem:$0x1C040] =	vst v63  }
0x6e: {  	s30 =	sadd.s32 $0xA0, s29  }
0x6f: {  	[tilespmem:s21], [sflag:$0x1] =	stream.indirect.gather [hbm4b:s11+s18], $0x40, s30, s18, $0xb8;
	[tilespmem:$0x1C040] =	vst v63  }
0x70: {  	s30 =	sadd.s32 $0xF0, s29  }
0x71: {  	[tilespmem:s22], [sflag:$0x1] =	stream.indirect.gather [hbm4b:s11+s18], $0x40, s30, s18, $0xb8;
	[tilespmem:$0x1C040] =	vst v63  }
0x72: {  	s30 =	sadd.s32 $0x140, s29  }
0x73: {  	[tilespmem:s23], [sflag:$0x1] =	stream.indirect.gather [hbm4b:s11+s18], $0x40, s30, s18, $0xb8;
	[tilespmem:$0x1C040] =	vst v63  }
0x74: {  	_ =	swait.ge [sflag:s16], $0x1400  }
0x75: {  	[sflag:s16] =	ssyncset.done $0x0  }
0x76: {  	s30 =	sadd.s32 $0x4E20, s29;
	[sflag:s16] =	ssyncadd.s32 $0xFFFFEC00  }
0x77: {  	[spmem:s2] =	stream.indirect.scatter.add.f32 [tilespmem:s19], [sflag:$0x3], $0x40, s30, s18, $0xb8;
	[tilespmem:$0x1C040] =	vst v63  }
0x78: {  	_ =	swait.ge [sflag:s24], $0x1400  }
0x79: {  	[sflag:s24] =	ssyncset.done $0x0  }
0x7a: {  	[sflag:s24] =	ssyncadd.s32 $0xFFFFEC00  }
0x7b: {  	_ =	swait.ge [sflag:s16], $0x1400  }
0x7c: {  	[sflag:s16] =	ssyncset.done $0x0  }
0x7d: {  	s30 =	sadd.s32 $0x4E70, s29;
	[sflag:s16] =	ssyncadd.s32 $0xFFFFEC00  }
0x7e: {  	[spmem:s2] =	stream.indirect.scatter.add.f32 [tilespmem:s20], [sflag:$0x3], $0x40, s30, s18, $0xb8;
	[tilespmem:$0x1C040] =	vst v63  }
0x7f: {  	_ =	swait.ge [sflag:s24], $0x1400  }
0x80: {  	[sflag:s24] =	ssyncset.done $0x0  }
0x81: {  	[sflag:s24] =	ssyncadd.s32 $0xFFFFEC00  }
0x82: {  	_ =	swait.ge [sflag:s16], $0x1400  }
0x83: {  	[sflag:s16] =	ssyncset.done $0x0  }
0x84: {  	s30 =	sadd.s32 $0x4EC0, s29;
	[sflag:s16] =	ssyncadd.s32 $0xFFFFEC00  }
0x85: {  	[spmem:s2] =	stream.indirect.scatter.add.f32 [tilespmem:s21], [sflag:$0x3], $0x40, s30, s18, $0xb8;
	[tilespmem:$0x1C040] =	vst v63  }
0x86: {  	_ =	swait.ge [sflag:s24], $0x1400  }
0x87: {  	[sflag:s24] =	ssyncset.done $0x0  }
0x88: {  	[sflag:s24] =	ssyncadd.s32 $0xFFFFEC00  }
0x89: {  	_ =	swait.ge [sflag:s16], $0x1400  }
0x8a: {  	[sflag:s16] =	ssyncset.done $0x0  }
0x8b: {  	s30 =	sadd.s32 $0x4F10, s29;
	[sflag:s16] =	ssyncadd.s32 $0xFFFFEC00  }
0x8c: {  	[spmem:s2] =	stream.indirect.scatter.add.f32 [tilespmem:s22], [sflag:$0x3], $0x40, s30, s18, $0xb8;
	[tilespmem:$0x1C040] =	vst v63  }
0x8d: {  	_ =	swait.ge [sflag:s24], $0x1400  }
0x8e: {  	[sflag:s24] =	ssyncset.done $0x0  }
0x8f: {  	[sflag:s24] =	ssyncadd.s32 $0xFFFFEC00  }
0x90: {  	_ =	swait.ge [sflag:s16], $0x1400  }
.Ltmp1:
0x91: {  	[sflag:s16] =	ssyncset.done $0x0;
	(pc) =	sbr.rel @p0 .LBB2_4-.Ltmp1, $4  }
0x92: {  	s29 =	sadd.s32 $0x4F60, s29;
	[sflag:s16] =	ssyncadd.s32 $0xFFFFEC00  }
0x93: {  	[spmem:s2] =	stream.indirect.scatter.add.f32 [tilespmem:s23], [sflag:$0x3], $0x40, s29, s18, $0xb8;
	[tilespmem:$0x1C040] =	vst v63  }
0x94: {  	_ =	swait.ge [sflag:s24], $0x1400  }
0x95: {  	s30 =	smov.u32 s28;
	[sflag:s24] =	ssyncset.done $0x0  }
0x96: {  	s26 =	sshra.s32 s26, $0x2;
	[sflag:s24] =	ssyncadd.s32 $0xFFFFEC00  }
0x97: {  	[tilespmem:s19], [sflag:$0x1] =	stream.indirect.gather [hbm4b:s11+s18], $0x40, s26, s18, $0xb8;
	[tilespmem:$0x1C040] =	vst v63  }
0x98: {  	s28 =	sadd.s32 $0x50, s26  }
0x99: {  	[tilespmem:s20], [sflag:$0x1] =	stream.indirect.gather [hbm4b:s11+s18], $0x40, s28, s18, $0xb8;
	[tilespmem:$0x1C040] =	vst v63  }
0x9a: {  	s29 =	sadd.s32 $0xA0, s26  }
0x9b: {  	[tilespmem:s21], [sflag:$0x1] =	stream.indirect.gather [hbm4b:s11+s18], $0x40, s29, s18, $0xb8;
	[tilespmem:$0x1C040] =	vst v63  }
0x9c: {  	s30 =	sadd.s32 $0xF0, s26  }
0x9d: {  	[tilespmem:s22], [sflag:$0x1] =	stream.indirect.gather [hbm4b:s11+s18], $0x40, s30, s18, $0xb8;
	[tilespmem:$0x1C040] =	vst v63  }
0x9e: {  	s31 =	sadd.s32 $0x140, s26  }
0x9f: {  	[tilespmem:s23], [sflag:$0x1] =	stream.indirect.gather [hbm4b:s11+s18], $0x40, s31, s18, $0xb8;
	[tilespmem:$0x1C040] =	vst v63  }
0xa0: {  	_ =	swait.ge [sflag:s16], $0x1400  }
0xa1: {  	[sflag:s16] =	ssyncset.done $0x0  }
0xa2: {  	s29 =	sadd.s32 $0x4E20, s26;
	[sflag:s16] =	ssyncadd.s32 $0xFFFFEC00  }
0xa3: {  	[spmem:s2] =	stream.indirect.scatter.add.f32 [tilespmem:s19], [sflag:$0x3], $0x40, s29, s18, $0xb8;
	[tilespmem:$0x1C040] =	vst v63  }
0xa4: {  	_ =	swait.ge [sflag:s24], $0x1400  }
0xa5: {  	[sflag:s24] =	ssyncset.done $0x0  }
0xa6: {  	[sflag:s24] =	ssyncadd.s32 $0xFFFFEC00  }
0xa7: {  	_ =	swait.ge [sflag:s16], $0x1400  }
0xa8: {  	[sflag:s16] =	ssyncset.done $0x0  }
0xa9: {  	s30 =	sadd.s32 $0x4E70, s26;
	[sflag:s16] =	ssyncadd.s32 $0xFFFFEC00  }
0xaa: {  	[spmem:s2] =	stream.indirect.scatter.add.f32 [tilespmem:s20], [sflag:$0x3], $0x40, s30, s18, $0xb8;
	[tilespmem:$0x1C040] =	vst v63  }
0xab: {  	_ =	swait.ge [sflag:s24], $0x1400  }
0xac: {  	[sflag:s24] =	ssyncset.done $0x0  }
0xad: {  	[sflag:s24] =	ssyncadd.s32 $0xFFFFEC00  }
0xae: {  	_ =	swait.ge [sflag:s16], $0x1400  }
0xaf: {  	[sflag:s16] =	ssyncset.done $0x0  }
0xb0: {  	s31 =	sadd.s32 $0x4EC0, s26;
	[sflag:s16] =	ssyncadd.s32 $0xFFFFEC00  }
0xb1: {  	[spmem:s2] =	stream.indirect.scatter.add.f32 [tilespmem:s21], [sflag:$0x3], $0x40, s31, s18, $0xb8;
	[tilespmem:$0x1C040] =	vst v63  }
0xb2: {  	_ =	swait.ge [sflag:s24], $0x1400  }
0xb3: {  	[sflag:s24] =	ssyncset.done $0x0  }
0xb4: {  	[sflag:s24] =	ssyncadd.s32 $0xFFFFEC00  }
0xb5: {  	_ =	swait.ge [sflag:s16], $0x1400  }
0xb6: {  	[sflag:s16] =	ssyncset.done $0x0  }
0xb7: {  	s29 =	sadd.s32 $0x4F10, s26;
	[sflag:s16] =	ssyncadd.s32 $0xFFFFEC00  }
0xb8: {  	[spmem:s2] =	stream.indirect.scatter.add.f32 [tilespmem:s22], [sflag:$0x3], $0x40, s29, s18, $0xb8;
	[tilespmem:$0x1C040] =	vst v63  }
0xb9: {  	_ =	swait.ge [sflag:s24], $0x1400  }
0xba: {  	[sflag:s24] =	ssyncset.done $0x0  }
0xbb: {  	[sflag:s24] =	ssyncadd.s32 $0xFFFFEC00  }
0xbc: {  	_ =	swait.ge [sflag:s16], $0x1400  }
0xbd: {  	[sflag:s16] =	ssyncset.done $0x0  }
0xbe: {  	s26 =	sadd.s32 $0x4F60, s26;
	[sflag:s16] =	ssyncadd.s32 $0xFFFFEC00  }
0xbf: {  	[spmem:s2] =	stream.indirect.scatter.add.f32 [tilespmem:s23], [sflag:$0x3], $0x40, s26, s18, $0xb8;
	[tilespmem:$0x1C040] =	vst v63  }
0xc0: {  	s25 =	sadd.s32 $0x1, s25;
	_ =	swait.ge [sflag:s24], $0x1400  }
0xc1: {  	p0 =	sne.s32 s25, s13;
	[sflag:s24] =	ssyncset.done $0x0  }
0xc2: {  	s30 =	sshll.u32 s1, $0x6;
	s31 =	sshrl.u32 s6, $0x3;
	[sflag:s24] =	ssyncadd.s32 $0xFFFFEC00  }
.Ltmp2:
0xc3: {  	s26 =	sor.u32 $0x1C03, s30;
	[bflag:$0x0] =	sbarrier.arrive $0xFFFF;
	(pc) =	sbr.rel @p0 .LBB2_1-.Ltmp2, $4  }
0xc4: {  	[hbm:s12], [sflag:s26] =	dma.local [spmem:s31], $0x1400  }
0xc5: {  	_ =	swait.ge [sflag:s24], $0x1400  }
0xc6: {  	[sflag:s24] =	ssyncset.done $0x0  }
0xc7: {  	[sflag:s24] =	ssyncadd.s32 $0xFFFFEC00  }
0xc8: {  	_ =	sfence.sel $0x180000  }
0xc9: {  	[bflag:$0x0] =	sbarrier.arrive $0xFFFF  }
0xca: {  	p0 =	sne.s32 s1, $0x0;
	_ =	strace $0x9000004A  }
0xcb: {  	s0 =	sadd.s32 @!p0 $0x100000, s0;
	[bflag:$0x2] =	sbarrier.arrive $0xFFFF  }
0xcc: {  	[sflag:s0] =	ssyncadd.tile.s32 @!p0 $0x1;
	_ =	shalt  }
.Lfunc_end2:
_tile_overlayer_lowered:
.L_overlay_start_2:
0xcd: {  	(tag) =	ssettag $0x2  }
0xce: {  	s0 =	rddreg [dreg:$0x0];
	s2 =	stileid.u32  }
0xcf: {  	s1 =	rddreg [dreg:$0x1];
	p0 =	sne.s32 s2, $0x0  }
0xd0: {  	s3 =	rddreg [dreg:$0x2];
	[bflag:$0x3] =	sbarrier.arrive $0xFFFF;
	s2 =	simm.s32 @!p0 $0x1C03  }
0xd1: {  	[timem:s3], [sflag:s2] =	dma.local @!p0 [hbm:s0], s1  }
0xd2: {  	s0 =	simm.s32 @!p0 $0x3  }
0xd3: {  	_ =	swait.ge @!p0 [sflag:s0], s1  }
0xd4: {  	s1 =	ssub.s32 @!p0 $0x0, s1;
	[sflag:s0] =	ssyncset.done @!p0 $0x0  }
0xd5: {  	[sflag:s0] =	ssyncadd.s32 @!p0 s1  }
0xd6: {  	[bflag:$0x3] =	sbarrier.arrive $0xFFFF  }
0xd7: {  	_ =	shalt  }

</sc_bundles>
